<compile_context>
chip_gen: v7x
topology: tpu7x:2x2x1
jax: 0.10.2.dev20260603
libtpu: 0.0.44.dev20260713+nightly
codegen_flags: <defaults>
</compile_context>

<pallas_src>
import functools

import jax
import jax.numpy as jnp
from jax import lax
from jax.experimental import pallas as pl
from jax.experimental.pallas import tpu as pltpu
from jax.experimental.pallas import tpu_sc as plsc

N_NODES = 10000
D = 256
DQ = 64
EPS = 1e-5
N_EDGES = 160000

NT = 16
EPT = N_EDGES // NT
CHUNK = 80
NCHUNK = 128
NCHUNK_ALLOC = NCHUNK + 4
EPT_PAD = NCHUNK_ALLOC * CHUNK
N_ACC = 10240
ROWS_PER_TILE = N_ACC // NT
TSTRIPE = 624
TLAST = N_NODES - 15 * TSTRIPE


def _sc_segment_sum(src_t, dst_t, x, zeros_q, ones_c):
    mesh = plsc.VectorSubcoreMesh(core_axis_name="c", subcore_axis_name="s")

    @functools.partial(
        pl.kernel,
        mesh=mesh,
        compiler_params=pltpu.CompilerParams(use_tc_tiling_on_sc=False),
        out_type=(
            jax.ShapeDtypeStruct((4, N_ACC, DQ), jnp.float32),
            jax.ShapeDtypeStruct((N_ACC,), jnp.float32),
        ),
        scratch_types=[
            pltpu.VMEM((NCHUNK_ALLOC, CHUNK), jnp.int32),
            pltpu.VMEM((NCHUNK_ALLOC, CHUNK), jnp.int32),
            pltpu.VMEM((CHUNK, DQ), jnp.float32),
            pltpu.VMEM((CHUNK, DQ), jnp.float32),
            pltpu.VMEM((CHUNK, DQ), jnp.float32),
            pltpu.VMEM((CHUNK, DQ), jnp.float32),
            pltpu.VMEM((CHUNK,), jnp.float32),
            pltpu.VMEM_SHARED((N_NODES, DQ), jnp.float32),
            pltpu.VMEM_SHARED((N_ACC, DQ), jnp.float32),
            pltpu.VMEM_SHARED((N_ACC,), jnp.float32),
            pltpu.SemaphoreType.DMA,
            pltpu.SemaphoreType.DMA,
            pltpu.SemaphoreType.DMA,
            pltpu.SemaphoreType.DMA,
            pltpu.SemaphoreType.DMA,
            pltpu.SemaphoreType.DMA,
            pltpu.SemaphoreType.DMA,
            pltpu.SemaphoreType.DMA,
            pltpu.SemaphoreType.DMA,
        ],
    )
    def seg_sum(src_hbm, dst_hbm, x_hbm, z_hbm, o_hbm,
                sum_hbm, cnt_hbm,
                src_v, dst_v, rows0, rows1, rows2, rows3, ones_v,
                tab_sh, acc_sh, cnt_sh,
                semg0, semg1, semg2, semg3, sems0, sems1, sems2, sems3, semc):
        c = lax.axis_index("c")
        s = lax.axis_index("s")

        pltpu.sync_copy(z_hbm, rows0)
        pltpu.sync_copy(o_hbm, ones_v)
        pltpu.sync_copy(src_hbm.at[s], src_v)
        pltpu.sync_copy(dst_hbm.at[s], dst_v)

        base = s * ROWS_PER_TILE

        for q in range(2):
            qidx = 2 * c + q
            qcol = qidx * DQ

            @pl.when(s < 15)
            def _():
                pltpu.sync_copy(
                    x_hbm.at[pl.ds(s * TSTRIPE, TSTRIPE), pl.ds(qcol, DQ)],
                    tab_sh.at[pl.ds(s * TSTRIPE, TSTRIPE)])

            @pl.when(s == 15)
            def _():
                pltpu.sync_copy(
                    x_hbm.at[pl.ds(15 * TSTRIPE, TLAST), pl.ds(qcol, DQ)],
                    tab_sh.at[pl.ds(15 * TSTRIPE, TLAST)])
            for k in range(ROWS_PER_TILE // CHUNK):
                pltpu.sync_copy(rows0, acc_sh.at[pl.ds(base + k * CHUNK, CHUNK)])
            if q == 0:
                for k in range(ROWS_PER_TILE // DQ):
                    pltpu.sync_copy(rows0.at[0],
                                    cnt_sh.at[pl.ds(base + k * DQ, DQ)])
            plsc.subcore_barrier()

            bufs = (rows0, rows1, rows2, rows3)
            semg = (semg0, semg1, semg2, semg3)
            sems = (sems0, sems1, sems2, sems3)

            def edge_loop(with_cnt):
                def step(j, b, warm):
                    pltpu.make_async_copy(
                        tab_sh.at[src_v.at[j]], bufs[b], semg[b]).wait()
                    if with_cnt:
                        pltpu.async_copy(ones_v, cnt_sh.at[dst_v.at[j]], semc,
                                         add=True)
                        if warm:
                            pltpu.make_async_copy(
                                ones_v, cnt_sh.at[dst_v.at[j - 2]], semc).wait()
                    pltpu.async_copy(bufs[b], acc_sh.at[dst_v.at[j]], sems[b],
                                     add=True)
                    b2 = (b + 2) % 4
                    if warm:
                        pltpu.make_async_copy(
                            bufs[b2], acc_sh.at[dst_v.at[j - 2]], sems[b2]).wait()
                    pltpu.async_copy(tab_sh.at[src_v.at[j + 2]], bufs[b2],
                                     semg[b2])

                pltpu.async_copy(tab_sh.at[src_v.at[0]], rows0, semg0)
                pltpu.async_copy(tab_sh.at[src_v.at[1]], rows1, semg1)
                step(0, 0, False)
                step(1, 1, False)

                def quad(i, carry):
                    j0 = 4 * i + 2
                    step(j0, 2, True)
                    step(j0 + 1, 3, True)
                    step(j0 + 2, 0, True)
                    step(j0 + 3, 1, True)
                    return carry

                lax.fori_loop(0, (NCHUNK_ALLOC - 4) // 4, quad, 0)
                nl = NCHUNK_ALLOC
                if with_cnt:
                    pltpu.make_async_copy(
                        ones_v, cnt_sh.at[dst_v.at[nl - 4]], semc).wait()
                    pltpu.make_async_copy(
                        ones_v, cnt_sh.at[dst_v.at[nl - 3]], semc).wait()
                pltpu.make_async_copy(
                    rows0, acc_sh.at[dst_v.at[nl - 4]], sems0).wait()
                pltpu.make_async_copy(
                    rows1, acc_sh.at[dst_v.at[nl - 3]], sems1).wait()
                pltpu.make_async_copy(
                    tab_sh.at[src_v.at[nl - 2]], rows2, semg2).wait()
                pltpu.make_async_copy(
                    tab_sh.at[src_v.at[nl - 1]], rows3, semg3).wait()

            if q == 0:
                @pl.when(c == 0)
                def _():
                    edge_loop(True)

                @pl.when(c == 1)
                def _():
                    edge_loop(False)
            else:
                edge_loop(False)

            plsc.subcore_barrier()

            pltpu.sync_copy(
                acc_sh.at[pl.ds(base, ROWS_PER_TILE)],
                sum_hbm.at[qidx, pl.ds(base, ROWS_PER_TILE)])
            if q == 0:
                @pl.when(c == 0)
                def _():
                    pltpu.sync_copy(cnt_sh.at[pl.ds(base, ROWS_PER_TILE)],
                                    cnt_hbm.at[pl.ds(base, ROWS_PER_TILE)])
            if q == 0:
                pltpu.sync_copy(z_hbm, rows0)

    return seg_sum(src_t, dst_t, x, zeros_q, ones_c)


BR = 1000
NB = N_NODES // BR


def _tc_fused_body(sum_ref, cnt_ref, x_ref, wl_ref, bl_ref, wr_ref,
                   gamma_ref, beta_ref, out_ref, conv_scr, acc_ref):
    p = pl.program_id(0)
    i = pl.program_id(1)

    @pl.when(p == 0)
    def _():
        recip = 1.0 / jnp.maximum(cnt_ref[...], 1.0)
        dn = (((1,), (1,)), ((), ()))
        wl = wl_ref[...]
        conv = lax.dot_general(x_ref[...], wr_ref[...], dn,
                               preferred_element_type=jnp.float32)
        for qq in range(4):
            mean_q = sum_ref[qq] * recip
            conv += lax.dot_general(mean_q, wl[:, qq * DQ:(qq + 1) * DQ], dn,
                                    preferred_element_type=jnp.float32)
        conv += bl_ref[...]
        conv_scr[pl.ds(i * BR, BR), :] = conv

        @pl.when(i == 0)
        def _():
            acc_ref[...] = jnp.zeros_like(acc_ref)

        acc_ref[0:1, :] += jnp.sum(conv, axis=0, keepdims=True)
        acc_ref[1:2, :] += jnp.sum(conv * conv, axis=0, keepdims=True)

    @pl.when(p == 1)
    def _():
        n = jnp.float32(N_NODES)
        mu = acc_ref[0:1, :] / n
        var = acc_ref[1:2, :] / n - mu * mu
        inv = lax.rsqrt(var + EPS)
        conv = conv_scr[pl.ds(i * BR, BR), :]
        bn = gamma_ref[...] * (conv - mu) * inv + beta_ref[...]
        out_ref[...] = jnp.maximum(bn, 0.0) + x_ref[...]


def kernel(x, ei, Wl, bl, Wr, gamma, beta):
    src = ei[0].astype(jnp.int32)
    dst = ei[1].astype(jnp.int32)

    pad = EPT_PAD - EPT
    src_t = jnp.concatenate(
        [src.reshape(NT, EPT), jnp.zeros((NT, pad), jnp.int32)], axis=1
    ).reshape(NT, NCHUNK_ALLOC, CHUNK)
    dst_t = jnp.concatenate(
        [dst.reshape(NT, EPT), jnp.full((NT, pad), N_NODES, jnp.int32)], axis=1
    ).reshape(NT, NCHUNK_ALLOC, CHUNK)

    zeros_q = jnp.zeros((CHUNK, DQ), jnp.float32)
    ones_c = jnp.ones((CHUNK,), jnp.float32)

    summed, cnt = _sc_segment_sum(src_t, dst_t, x, zeros_q, ones_c)
    cnt2 = cnt.reshape(N_ACC, 1)

    out = pl.pallas_call(
        _tc_fused_body,
        grid=(2, NB),
        in_specs=[
            pl.BlockSpec((4, BR, DQ), lambda p, i: (0, (1 - p) * i, 0)),
            pl.BlockSpec((BR, 1), lambda p, i: ((1 - p) * i, 0)),
            pl.BlockSpec((BR, D), lambda p, i: (i, 0)),
            pl.BlockSpec((D, D), lambda p, i: (0, 0)),
            pl.BlockSpec((1, D), lambda p, i: (0, 0)),
            pl.BlockSpec((D, D), lambda p, i: (0, 0)),
            pl.BlockSpec((1, D), lambda p, i: (0, 0)),
            pl.BlockSpec((1, D), lambda p, i: (0, 0)),
        ],
        out_specs=pl.BlockSpec((BR, D), lambda p, i: (i, 0)),
        out_shape=jax.ShapeDtypeStruct((N_NODES, D), jnp.float32),
        scratch_shapes=[
            pltpu.VMEM((N_NODES, D), jnp.float32),
            pltpu.VMEM((8, D), jnp.float32),
        ],
    )(summed, cnt2, x, Wl, bl.reshape(1, D), Wr,
      gamma.reshape(1, D), beta.reshape(1, D))

    return out

# --- scband reference (transcript-rebuilt; emitter-appended) ---
"""Pipeline reference for scband-sageblock-34222299415340 (READ-ONLY COPY).

The authoritative reference and input builder live on the scoring server;
editing this copy changes nothing except your own understanding.
"""

import jax, jax.numpy as jnp
import numpy as np

N_NODES = 10000
D = 256
N_EDGES = 160000
EPS = 1e-5


def setup_inputs(seed: int = 0) -> dict:
    key = jax.random.key(seed)
    ks = jax.random.split(key, 8)
    x = jax.random.normal(ks[0], (N_NODES, D), dtype=jnp.float32)
    ei = jax.random.randint(ks[1], (2, N_EDGES), 0, N_NODES, dtype=jnp.int64)
    # SAGEConv params (PyG default: mean aggr, root weight, bias on lin_l)
    scale = 1.0 / np.sqrt(D)
    Wl = jax.random.uniform(ks[2], (D, D), dtype=jnp.float32, minval=-scale, maxval=scale)
    bl = jax.random.uniform(ks[3], (D,), dtype=jnp.float32, minval=-scale, maxval=scale)
    Wr = jax.random.uniform(ks[4], (D, D), dtype=jnp.float32, minval=-scale, maxval=scale)
    # BatchNorm1d affine params
    gamma = jnp.ones((D,), dtype=jnp.float32)
    beta = jnp.zeros((D,), dtype=jnp.float32)
    return {"x": x, "ei": ei, "Wl": Wl, "bl": bl, "Wr": Wr, "gamma": gamma, "beta": beta}


def reference(x, ei, Wl, bl, Wr, gamma, beta):
    n = x.shape[0]
    src = ei[0]
    dst = ei[1]
    # SAGEConv: mean aggregation of neighbor (source) features at destination
    msgs = jnp.take(x, src, axis=0)
    summed = jax.ops.segment_sum(msgs, dst, num_segments=n)
    cnt = jax.ops.segment_sum(jnp.ones((msgs.shape[0],), dtype=x.dtype), dst, num_segments=n)
    mean_agg = summed / jnp.clip(cnt, 1.0, None)[:, None]
    conv = mean_agg @ Wl.T + bl + x @ Wr.T
    # BatchNorm1d (training mode: batch statistics, biased variance)
    mu = jnp.mean(conv, axis=0)
    var = jnp.mean((conv - mu) ** 2, axis=0)
    bn = gamma * (conv - mu) / jnp.sqrt(var + EPS) + beta
    h = jax.nn.relu(bn)
    # Dropout is identity in eval mode; indim == outdim so residual is x itself
    return h + x

if __name__ == "__main__":
    import jax
    _d = setup_inputs()
    print(jax.jit(kernel)(*tuple(_d.values())))

</pallas_src>

<mosaic_0001>
#map = affine_map<(d0, d1) -> (0, 0, 0)>
#map1 = affine_map<(d0, d1) -> (0, 0)>
#map2 = affine_map<(d0, d1) -> (0)>
module attributes {stable_mosaic.version = 14 : i64} {
  func.func @seg_sum(%arg0: i32, %arg1: i32, %arg2: memref<16x132x80xi32, #tpu.memory_space<hbm>>, %arg3: memref<16x132x80xi32, #tpu.memory_space<hbm>>, %arg4: memref<10000x256xf32, #tpu.memory_space<hbm>>, %arg5: memref<80x64xf32, #tpu.memory_space<hbm>>, %arg6: memref<80xf32, #tpu.memory_space<hbm>>, %arg7: memref<4x10240x64xf32, #tpu.memory_space<hbm>>, %arg8: memref<10240xf32, #tpu.memory_space<hbm>>, %arg9: memref<132x80xi32, #tpu.memory_space<vmem>>, %arg10: memref<132x80xi32, #tpu.memory_space<vmem>>, %arg11: memref<80x64xf32, #tpu.memory_space<vmem>>, %arg12: memref<80x64xf32, #tpu.memory_space<vmem>>, %arg13: memref<80x64xf32, #tpu.memory_space<vmem>>, %arg14: memref<80x64xf32, #tpu.memory_space<vmem>>, %arg15: memref<80xf32, #tpu.memory_space<vmem>>, %arg16: memref<10000x64xf32, #tpu.memory_space<vmem_shared>>, %arg17: memref<10240x64xf32, #tpu.memory_space<vmem_shared>>, %arg18: memref<10240xf32, #tpu.memory_space<vmem_shared>>, %arg19: memref<!tpu.dma_semaphore, #tpu.memory_space<semaphore_mem>>, %arg20: memref<!tpu.dma_semaphore, #tpu.memory_space<semaphore_mem>>, %arg21: memref<!tpu.dma_semaphore, #tpu.memory_space<semaphore_mem>>, %arg22: memref<!tpu.dma_semaphore, #tpu.memory_space<semaphore_mem>>, %arg23: memref<!tpu.dma_semaphore, #tpu.memory_space<semaphore_mem>>, %arg24: memref<!tpu.dma_semaphore, #tpu.memory_space<semaphore_mem>>, %arg25: memref<!tpu.dma_semaphore, #tpu.memory_space<semaphore_mem>>, %arg26: memref<!tpu.dma_semaphore, #tpu.memory_space<semaphore_mem>>, %arg27: memref<!tpu.dma_semaphore, #tpu.memory_space<semaphore_mem>>) attributes {dimension_semantics = [#tpu.dimension_semantics<core_parallel>, #tpu.dimension_semantics<subcore_parallel>], iteration_bounds = array<i64: 2, 16>, scalar_prefetch = 0 : i64, scratch_operands = 19 : i64, tpu.core_type = #tpu.core_type<sc_vector_subcore>, window_params = [{transform_indices = #map}, {transform_indices = #map}, {transform_indices = #map1}, {transform_indices = #map1}, {transform_indices = #map2}, {transform_indices = #map}, {transform_indices = #map2}]} {
    "tpu.region"() ({
      %run_scoped3A_194 = tpu.sem_alloc : memref<!tpu.dma_semaphore, #tpu.memory_space<semaphore_mem>>
      tpu.enqueue_dma source(%arg5 : memref<80x64xf32, #tpu.memory_space<hbm>>) target(%arg11 : memref<80x64xf32, #tpu.memory_space<vmem>>) target_semaphore(%run_scoped3A_194 : memref<!tpu.dma_semaphore, #tpu.memory_space<semaphore_mem>>)
      tpu.wait_dma2 semaphore(%run_scoped3A_194 : memref<!tpu.dma_semaphore, #tpu.memory_space<semaphore_mem>>) src(%arg5 : memref<80x64xf32, #tpu.memory_space<hbm>>) dst(%arg11 : memref<80x64xf32, #tpu.memory_space<vmem>>)
      tpu.yield
    }) : () -> ()
    "tpu.region"() ({
      %run_scoped3A_194 = tpu.sem_alloc : memref<!tpu.dma_semaphore, #tpu.memory_space<semaphore_mem>>
      tpu.enqueue_dma source(%arg6 : memref<80xf32, #tpu.memory_space<hbm>>) target(%arg15 : memref<80xf32, #tpu.memory_space<vmem>>) target_semaphore(%run_scoped3A_194 : memref<!tpu.dma_semaphore, #tpu.memory_space<semaphore_mem>>)
      tpu.wait_dma2 semaphore(%run_scoped3A_194 : memref<!tpu.dma_semaphore, #tpu.memory_space<semaphore_mem>>) src(%arg6 : memref<80xf32, #tpu.memory_space<hbm>>) dst(%arg15 : memref<80xf32, #tpu.memory_space<vmem>>)
      tpu.yield
    }) : () -> ()
    "tpu.region"() ({
      %run_scoped3A_194 = tpu.sem_alloc : memref<!tpu.dma_semaphore, #tpu.memory_space<semaphore_mem>>
      %dma_start3A_195 = arith.constant 0 : i32
      %dma_start3A_196 = arith.constant 0 : i32
      %dma_start3A_197 = tpu.memref_slice %arg2[%arg1, %dma_start3A_195, %dma_start3A_196] : memref<16x132x80xi32, #tpu.memory_space<hbm>> -> memref<1x132x80xi32, #tpu.memory_space<hbm>>
      %dma_start3A_198 = tpu.memref_squeeze %dma_start3A_197 : memref<1x132x80xi32, #tpu.memory_space<hbm>> -> memref<132x80xi32, #tpu.memory_space<hbm>>
      %dma_start3A_199 = arith.constant 0 : i32
      %dma_start3A_200 = arith.constant 0 : i32
      %dma_start3A_201 = tpu.memref_slice %arg2[%arg1, %dma_start3A_199, %dma_start3A_200] : memref<16x132x80xi32, #tpu.memory_space<hbm>> -> memref<1x132x80xi32, #tpu.memory_space<hbm>>
      %dma_start3A_202 = tpu.memref_squeeze %dma_start3A_201 : memref<1x132x80xi32, #tpu.memory_space<hbm>> -> memref<132x80xi32, #tpu.memory_space<hbm>>
      tpu.enqueue_dma source(%dma_start3A_202 : memref<132x80xi32, #tpu.memory_space<hbm>>) target(%arg9 : memref<132x80xi32, #tpu.memory_space<vmem>>) target_semaphore(%run_scoped3A_194 : memref<!tpu.dma_semaphore, #tpu.memory_space<semaphore_mem>>)
      %dma_wait3A_203 = arith.constant 0 : i32
      %dma_wait3A_204 = arith.constant 0 : i32
      %dma_wait3A_205 = tpu.memref_slice %arg2[%arg1, %dma_wait3A_203, %dma_wait3A_204] : memref<16x132x80xi32, #tpu.memory_space<hbm>> -> memref<1x132x80xi32, #tpu.memory_space<hbm>>
      %dma_wait3A_206 = tpu.memref_squeeze %dma_wait3A_205 : memref<1x132x80xi32, #tpu.memory_space<hbm>> -> memref<132x80xi32, #tpu.memory_space<hbm>>
      %dma_wait3A_207 = arith.constant 0 : i32
      %dma_wait3A_208 = arith.constant 0 : i32
      %dma_wait3A_209 = tpu.memref_slice %arg2[%arg1, %dma_wait3A_207, %dma_wait3A_208] : memref<16x132x80xi32, #tpu.memory_space<hbm>> -> memref<1x132x80xi32, #tpu.memory_space<hbm>>
      %dma_wait3A_210 = tpu.memref_squeeze %dma_wait3A_209 : memref<1x132x80xi32, #tpu.memory_space<hbm>> -> memref<132x80xi32, #tpu.memory_space<hbm>>
      tpu.wait_dma2 semaphore(%run_scoped3A_194 : memref<!tpu.dma_semaphore, #tpu.memory_space<semaphore_mem>>) src(%dma_wait3A_210 : memref<132x80xi32, #tpu.memory_space<hbm>>) dst(%arg9 : memref<132x80xi32, #tpu.memory_space<vmem>>)
      tpu.yield
    }) : () -> ()
    "tpu.region"() ({
      %run_scoped3A_194 = tpu.sem_alloc : memref<!tpu.dma_semaphore, #tpu.memory_space<semaphore_mem>>
      %dma_start3A_195 = arith.constant 0 : i32
      %dma_start3A_196 = arith.constant 0 : i32
      %dma_start3A_197 = tpu.memref_slice %arg3[%arg1, %dma_start3A_195, %dma_start3A_196] : memref<16x132x80xi32, #tpu.memory_space<hbm>> -> memref<1x132x80xi32, #tpu.memory_space<hbm>>
      %dma_start3A_198 = tpu.memref_squeeze %dma_start3A_197 : memref<1x132x80xi32, #tpu.memory_space<hbm>> -> memref<132x80xi32, #tpu.memory_space<hbm>>
      %dma_start3A_199 = arith.constant 0 : i32
      %dma_start3A_200 = arith.constant 0 : i32
      %dma_start3A_201 = tpu.memref_slice %arg3[%arg1, %dma_start3A_199, %dma_start3A_200] : memref<16x132x80xi32, #tpu.memory_space<hbm>> -> memref<1x132x80xi32, #tpu.memory_space<hbm>>
      %dma_start3A_202 = tpu.memref_squeeze %dma_start3A_201 : memref<1x132x80xi32, #tpu.memory_space<hbm>> -> memref<132x80xi32, #tpu.memory_space<hbm>>
      tpu.enqueue_dma source(%dma_start3A_202 : memref<132x80xi32, #tpu.memory_space<hbm>>) target(%arg10 : memref<132x80xi32, #tpu.memory_space<vmem>>) target_semaphore(%run_scoped3A_194 : memref<!tpu.dma_semaphore, #tpu.memory_space<semaphore_mem>>)
      %dma_wait3A_203 = arith.constant 0 : i32
      %dma_wait3A_204 = arith.constant 0 : i32
      %dma_wait3A_205 = tpu.memref_slice %arg3[%arg1, %dma_wait3A_203, %dma_wait3A_204] : memref<16x132x80xi32, #tpu.memory_space<hbm>> -> memref<1x132x80xi32, #tpu.memory_space<hbm>>
      %dma_wait3A_206 = tpu.memref_squeeze %dma_wait3A_205 : memref<1x132x80xi32, #tpu.memory_space<hbm>> -> memref<132x80xi32, #tpu.memory_space<hbm>>
      %dma_wait3A_207 = arith.constant 0 : i32
      %dma_wait3A_208 = arith.constant 0 : i32
      %dma_wait3A_209 = tpu.memref_slice %arg3[%arg1, %dma_wait3A_207, %dma_wait3A_208] : memref<16x132x80xi32, #tpu.memory_space<hbm>> -> memref<1x132x80xi32, #tpu.memory_space<hbm>>
      %dma_wait3A_210 = tpu.memref_squeeze %dma_wait3A_209 : memref<1x132x80xi32, #tpu.memory_space<hbm>> -> memref<132x80xi32, #tpu.memory_space<hbm>>
      tpu.wait_dma2 semaphore(%run_scoped3A_194 : memref<!tpu.dma_semaphore, #tpu.memory_space<semaphore_mem>>) src(%dma_wait3A_210 : memref<132x80xi32, #tpu.memory_space<hbm>>) dst(%arg10 : memref<132x80xi32, #tpu.memory_space<vmem>>)
      tpu.yield
    }) : () -> ()
    %mul3A = arith.constant 640 : i32
    %mul3A_0 = arith.muli %arg1, %mul3A : i32
    %mul3A_1 = arith.constant 2 : i32
    %mul3A_2 = arith.muli %mul3A_1, %arg0 : i32
    %add3A = arith.constant 0 : i32
    %add3A_3 = arith.addi %mul3A_2, %add3A : i32
    %mul3A_4 = arith.constant 64 : i32
    %mul3A_5 = arith.muli %add3A_3, %mul3A_4 : i32
    %lt3A = arith.constant 15 : i32
    %lt3A_6 = arith.cmpi slt, %arg1, %lt3A : i32
    %convert_element_type3A = arith.extui %lt3A_6 : i1 to i32
    %cond3A = arith.constant 0 : i32
    %cond3A_7 = arith.cmpi ne, %convert_element_type3A, %cond3A : i32
    scf.if %cond3A_7 {
      %mul3A_194 = arith.constant 624 : i32
      %mul3A_195 = arith.muli %arg1, %mul3A_194 : i32
      %mul3A_196 = arith.constant 624 : i32
      %mul3A_197 = arith.muli %arg1, %mul3A_196 : i32
      "tpu.region"() ({
        %run_scoped3A_198 = tpu.sem_alloc : memref<!tpu.dma_semaphore, #tpu.memory_space<semaphore_mem>>
        %dma_start3A_199 = arith.constant 0 : i32
        %dma_start3A_200 = tpu.memref_slice %arg16[%mul3A_197, %dma_start3A_199] : memref<10000x64xf32, #tpu.memory_space<vmem_shared>> -> memref<624x64xf32, #tpu.memory_space<vmem_shared>>
        %dma_start3A_201 = tpu.memref_slice %arg4[%mul3A_195, %mul3A_5] : memref<10000x256xf32, #tpu.memory_space<hbm>> -> memref<624x64xf32, #tpu.memory_space<hbm>>
        tpu.enqueue_dma source(%dma_start3A_201 : memref<624x64xf32, #tpu.memory_space<hbm>>) target(%dma_start3A_200 : memref<624x64xf32, #tpu.memory_space<vmem_shared>>) target_semaphore(%run_scoped3A_198 : memref<!tpu.dma_semaphore, #tpu.memory_space<semaphore_mem>>)
        %dma_wait3A_202 = arith.constant 0 : i32
        %dma_wait3A_203 = tpu.memref_slice %arg16[%mul3A_197, %dma_wait3A_202] : memref<10000x64xf32, #tpu.memory_space<vmem_shared>> -> memref<624x64xf32, #tpu.memory_space<vmem_shared>>
        %dma_wait3A_204 = tpu.memref_slice %arg4[%mul3A_195, %mul3A_5] : memref<10000x256xf32, #tpu.memory_space<hbm>> -> memref<624x64xf32, #tpu.memory_space<hbm>>
        tpu.wait_dma2 semaphore(%run_scoped3A_198 : memref<!tpu.dma_semaphore, #tpu.memory_space<semaphore_mem>>) src(%dma_wait3A_204 : memref<624x64xf32, #tpu.memory_space<hbm>>) dst(%dma_wait3A_203 : memref<624x64xf32, #tpu.memory_space<vmem_shared>>)
        tpu.yield
      }) : () -> ()
    } else {
    }
    %eq3A = arith.constant 15 : i32
    %eq3A_8 = arith.cmpi eq, %arg1, %eq3A : i32
    %convert_element_type3A_9 = arith.extui %eq3A_8 : i1 to i32
    %cond3A_10 = arith.constant 0 : i32
    %cond3A_11 = arith.cmpi ne, %convert_element_type3A_9, %cond3A_10 : i32
    scf.if %cond3A_11 {
      "tpu.region"() ({
        %run_scoped3A_194 = tpu.sem_alloc : memref<!tpu.dma_semaphore, #tpu.memory_space<semaphore_mem>>
        %dma_start3A_195 = arith.constant 9360 : i32
        %dma_start3A_196 = arith.constant 0 : i32
        %dma_start3A_197 = tpu.memref_slice %arg16[%dma_start3A_195, %dma_start3A_196] : memref<10000x64xf32, #tpu.memory_space<vmem_shared>> -> memref<640x64xf32, #tpu.memory_space<vmem_shared>>
        %dma_start3A_198 = arith.constant 9360 : i32
        %dma_start3A_199 = tpu.memref_slice %arg4[%dma_start3A_198, %mul3A_5] : memref<10000x256xf32, #tpu.memory_space<hbm>> -> memref<640x64xf32, #tpu.memory_space<hbm>>
        tpu.enqueue_dma source(%dma_start3A_199 : memref<640x64xf32, #tpu.memory_space<hbm>>) target(%dma_start3A_197 : memref<640x64xf32, #tpu.memory_space<vmem_shared>>) target_semaphore(%run_scoped3A_194 : memref<!tpu.dma_semaphore, #tpu.memory_space<semaphore_mem>>)
        %dma_wait3A_200 = arith.constant 9360 : i32
        %dma_wait3A_201 = arith.constant 0 : i32
        %dma_wait3A_202 = tpu.memref_slice %arg16[%dma_wait3A_200, %dma_wait3A_201] : memref<10000x64xf32, #tpu.memory_space<vmem_shared>> -> memref<640x64xf32, #tpu.memory_space<vmem_shared>>
        %dma_wait3A_203 = arith.constant 9360 : i32
        %dma_wait3A_204 = tpu.memref_slice %arg4[%dma_wait3A_203, %mul3A_5] : memref<10000x256xf32, #tpu.memory_space<hbm>> -> memref<640x64xf32, #tpu.memory_space<hbm>>
        tpu.wait_dma2 semaphore(%run_scoped3A_194 : memref<!tpu.dma_semaphore, #tpu.memory_space<semaphore_mem>>) src(%dma_wait3A_204 : memref<640x64xf32, #tpu.memory_space<hbm>>) dst(%dma_wait3A_202 : memref<640x64xf32, #tpu.memory_space<vmem_shared>>)
        tpu.yield
      }) : () -> ()
    } else {
    }
    %add3A_12 = arith.constant 0 : i32
    %add3A_13 = arith.addi %mul3A_0, %add3A_12 : i32
    "tpu.region"() ({
      %run_scoped3A_194 = tpu.sem_alloc : memref<!tpu.dma_semaphore, #tpu.memory_space<semaphore_mem>>
      %dma_start3A_195 = arith.constant 0 : i32
      %dma_start3A_196 = tpu.memref_slice %arg17[%add3A_13, %dma_start3A_195] : memref<10240x64xf32, #tpu.memory_space<vmem_shared>> -> memref<80x64xf32, #tpu.memory_space<vmem_shared>>
      %dma_start3A_197 = arith.constant 0 : i32
      %dma_start3A_198 = tpu.memref_slice %arg17[%add3A_13, %dma_start3A_197] : memref<10240x64xf32, #tpu.memory_space<vmem_shared>> -> memref<80x64xf32, #tpu.memory_space<vmem_shared>>
      tpu.enqueue_dma source(%arg11 : memref<80x64xf32, #tpu.memory_space<vmem>>) target(%dma_start3A_198 : memref<80x64xf32, #tpu.memory_space<vmem_shared>>) target_semaphore(%run_scoped3A_194 : memref<!tpu.dma_semaphore, #tpu.memory_space<semaphore_mem>>)
      %dma_wait3A_199 = arith.constant 0 : i32
      %dma_wait3A_200 = tpu.memref_slice %arg17[%add3A_13, %dma_wait3A_199] : memref<10240x64xf32, #tpu.memory_space<vmem_shared>> -> memref<80x64xf32, #tpu.memory_space<vmem_shared>>
      %dma_wait3A_201 = arith.constant 0 : i32
      %dma_wait3A_202 = tpu.memref_slice %arg17[%add3A_13, %dma_wait3A_201] : memref<10240x64xf32, #tpu.memory_space<vmem_shared>> -> memref<80x64xf32, #tpu.memory_space<vmem_shared>>
      tpu.wait_dma2 semaphore(%run_scoped3A_194 : memref<!tpu.dma_semaphore, #tpu.memory_space<semaphore_mem>>) src(%arg11 : memref<80x64xf32, #tpu.memory_space<vmem>>) dst(%dma_wait3A_202 : memref<80x64xf32, #tpu.memory_space<vmem_shared>>)
      tpu.yield
    }) : () -> ()
    %add3A_14 = arith.constant 80 : i32
    %add3A_15 = arith.addi %mul3A_0, %add3A_14 : i32
    "tpu.region"() ({
      %run_scoped3A_194 = tpu.sem_alloc : memref<!tpu.dma_semaphore, #tpu.memory_space<semaphore_mem>>
      %dma_start3A_195 = arith.constant 0 : i32
      %dma_start3A_196 = tpu.memref_slice %arg17[%add3A_15, %dma_start3A_195] : memref<10240x64xf32, #tpu.memory_space<vmem_shared>> -> memref<80x64xf32, #tpu.memory_space<vmem_shared>>
      %dma_start3A_197 = arith.constant 0 : i32
      %dma_start3A_198 = tpu.memref_slice %arg17[%add3A_15, %dma_start3A_197] : memref<10240x64xf32, #tpu.memory_space<vmem_shared>> -> memref<80x64xf32, #tpu.memory_space<vmem_shared>>
      tpu.enqueue_dma source(%arg11 : memref<80x64xf32, #tpu.memory_space<vmem>>) target(%dma_start3A_198 : memref<80x64xf32, #tpu.memory_space<vmem_shared>>) target_semaphore(%run_scoped3A_194 : memref<!tpu.dma_semaphore, #tpu.memory_space<semaphore_mem>>)
      %dma_wait3A_199 = arith.constant 0 : i32
      %dma_wait3A_200 = tpu.memref_slice %arg17[%add3A_15, %dma_wait3A_199] : memref<10240x64xf32, #tpu.memory_space<vmem_shared>> -> memref<80x64xf32, #tpu.memory_space<vmem_shared>>
      %dma_wait3A_201 = arith.constant 0 : i32
      %dma_wait3A_202 = tpu.memref_slice %arg17[%add3A_15, %dma_wait3A_201] : memref<10240x64xf32, #tpu.memory_space<vmem_shared>> -> memref<80x64xf32, #tpu.memory_space<vmem_shared>>
      tpu.wait_dma2 semaphore(%run_scoped3A_194 : memref<!tpu.dma_semaphore, #tpu.memory_space<semaphore_mem>>) src(%arg11 : memref<80x64xf32, #tpu.memory_space<vmem>>) dst(%dma_wait3A_202 : memref<80x64xf32, #tpu.memory_space<vmem_shared>>)
      tpu.yield
    }) : () -> ()
    %add3A_16 = arith.constant 160 : i32
    %add3A_17 = arith.addi %mul3A_0, %add3A_16 : i32
    "tpu.region"() ({
      %run_scoped3A_194 = tpu.sem_alloc : memref<!tpu.dma_semaphore, #tpu.memory_space<semaphore_mem>>
      %dma_start3A_195 = arith.constant 0 : i32
      %dma_start3A_196 = tpu.memref_slice %arg17[%add3A_17, %dma_start3A_195] : memref<10240x64xf32, #tpu.memory_space<vmem_shared>> -> memref<80x64xf32, #tpu.memory_space<vmem_shared>>
      %dma_start3A_197 = arith.constant 0 : i32
      %dma_start3A_198 = tpu.memref_slice %arg17[%add3A_17, %dma_start3A_197] : memref<10240x64xf32, #tpu.memory_space<vmem_shared>> -> memref<80x64xf32, #tpu.memory_space<vmem_shared>>
      tpu.enqueue_dma source(%arg11 : memref<80x64xf32, #tpu.memory_space<vmem>>) target(%dma_start3A_198 : memref<80x64xf32, #tpu.memory_space<vmem_shared>>) target_semaphore(%run_scoped3A_194 : memref<!tpu.dma_semaphore, #tpu.memory_space<semaphore_mem>>)
      %dma_wait3A_199 = arith.constant 0 : i32
      %dma_wait3A_200 = tpu.memref_slice %arg17[%add3A_17, %dma_wait3A_199] : memref<10240x64xf32, #tpu.memory_space<vmem_shared>> -> memref<80x64xf32, #tpu.memory_space<vmem_shared>>
      %dma_wait3A_201 = arith.constant 0 : i32
      %dma_wait3A_202 = tpu.memref_slice %arg17[%add3A_17, %dma_wait3A_201] : memref<10240x64xf32, #tpu.memory_space<vmem_shared>> -> memref<80x64xf32, #tpu.memory_space<vmem_shared>>
      tpu.wait_dma2 semaphore(%run_scoped3A_194 : memref<!tpu.dma_semaphore, #tpu.memory_space<semaphore_mem>>) src(%arg11 : memref<80x64xf32, #tpu.memory_space<vmem>>) dst(%dma_wait3A_202 : memref<80x64xf32, #tpu.memory_space<vmem_shared>>)
      tpu.yield
    }) : () -> ()
    %add3A_18 = arith.constant 240 : i32
    %add3A_19 = arith.addi %mul3A_0, %add3A_18 : i32
    "tpu.region"() ({
      %run_scoped3A_194 = tpu.sem_alloc : memref<!tpu.dma_semaphore, #tpu.memory_space<semaphore_mem>>
      %dma_start3A_195 = arith.constant 0 : i32
      %dma_start3A_196 = tpu.memref_slice %arg17[%add3A_19, %dma_start3A_195] : memref<10240x64xf32, #tpu.memory_space<vmem_shared>> -> memref<80x64xf32, #tpu.memory_space<vmem_shared>>
      %dma_start3A_197 = arith.constant 0 : i32
      %dma_start3A_198 = tpu.memref_slice %arg17[%add3A_19, %dma_start3A_197] : memref<10240x64xf32, #tpu.memory_space<vmem_shared>> -> memref<80x64xf32, #tpu.memory_space<vmem_shared>>
      tpu.enqueue_dma source(%arg11 : memref<80x64xf32, #tpu.memory_space<vmem>>) target(%dma_start3A_198 : memref<80x64xf32, #tpu.memory_space<vmem_shared>>) target_semaphore(%run_scoped3A_194 : memref<!tpu.dma_semaphore, #tpu.memory_space<semaphore_mem>>)
      %dma_wait3A_199 = arith.constant 0 : i32
      %dma_wait3A_200 = tpu.memref_slice %arg17[%add3A_19, %dma_wait3A_199] : memref<10240x64xf32, #tpu.memory_space<vmem_shared>> -> memref<80x64xf32, #tpu.memory_space<vmem_shared>>
      %dma_wait3A_201 = arith.constant 0 : i32
      %dma_wait3A_202 = tpu.memref_slice %arg17[%add3A_19, %dma_wait3A_201] : memref<10240x64xf32, #tpu.memory_space<vmem_shared>> -> memref<80x64xf32, #tpu.memory_space<vmem_shared>>
      tpu.wait_dma2 semaphore(%run_scoped3A_194 : memref<!tpu.dma_semaphore, #tpu.memory_space<semaphore_mem>>) src(%arg11 : memref<80x64xf32, #tpu.memory_space<vmem>>) dst(%dma_wait3A_202 : memref<80x64xf32, #tpu.memory_space<vmem_shared>>)
      tpu.yield
    }) : () -> ()
    %add3A_20 = arith.constant 320 : i32
    %add3A_21 = arith.addi %mul3A_0, %add3A_20 : i32
    "tpu.region"() ({
      %run_scoped3A_194 = tpu.sem_alloc : memref<!tpu.dma_semaphore, #tpu.memory_space<semaphore_mem>>
      %dma_start3A_195 = arith.constant 0 : i32
      %dma_start3A_196 = tpu.memref_slice %arg17[%add3A_21, %dma_start3A_195] : memref<10240x64xf32, #tpu.memory_space<vmem_shared>> -> memref<80x64xf32, #tpu.memory_space<vmem_shared>>
      %dma_start3A_197 = arith.constant 0 : i32
      %dma_start3A_198 = tpu.memref_slice %arg17[%add3A_21, %dma_start3A_197] : memref<10240x64xf32, #tpu.memory_space<vmem_shared>> -> memref<80x64xf32, #tpu.memory_space<vmem_shared>>
      tpu.enqueue_dma source(%arg11 : memref<80x64xf32, #tpu.memory_space<vmem>>) target(%dma_start3A_198 : memref<80x64xf32, #tpu.memory_space<vmem_shared>>) target_semaphore(%run_scoped3A_194 : memref<!tpu.dma_semaphore, #tpu.memory_space<semaphore_mem>>)
      %dma_wait3A_199 = arith.constant 0 : i32
      %dma_wait3A_200 = tpu.memref_slice %arg17[%add3A_21, %dma_wait3A_199] : memref<10240x64xf32, #tpu.memory_space<vmem_shared>> -> memref<80x64xf32, #tpu.memory_space<vmem_shared>>
      %dma_wait3A_201 = arith.constant 0 : i32
      %dma_wait3A_202 = tpu.memref_slice %arg17[%add3A_21, %dma_wait3A_201] : memref<10240x64xf32, #tpu.memory_space<vmem_shared>> -> memref<80x64xf32, #tpu.memory_space<vmem_shared>>
      tpu.wait_dma2 semaphore(%run_scoped3A_194 : memref<!tpu.dma_semaphore, #tpu.memory_space<semaphore_mem>>) src(%arg11 : memref<80x64xf32, #tpu.memory_space<vmem>>) dst(%dma_wait3A_202 : memref<80x64xf32, #tpu.memory_space<vmem_shared>>)
      tpu.yield
    }) : () -> ()
    %add3A_22 = arith.constant 400 : i32
    %add3A_23 = arith.addi %mul3A_0, %add3A_22 : i32
    "tpu.region"() ({
      %run_scoped3A_194 = tpu.sem_alloc : memref<!tpu.dma_semaphore, #tpu.memory_space<semaphore_mem>>
      %dma_start3A_195 = arith.constant 0 : i32
      %dma_start3A_196 = tpu.memref_slice %arg17[%add3A_23, %dma_start3A_195] : memref<10240x64xf32, #tpu.memory_space<vmem_shared>> -> memref<80x64xf32, #tpu.memory_space<vmem_shared>>
      %dma_start3A_197 = arith.constant 0 : i32
      %dma_start3A_198 = tpu.memref_slice %arg17[%add3A_23, %dma_start3A_197] : memref<10240x64xf32, #tpu.memory_space<vmem_shared>> -> memref<80x64xf32, #tpu.memory_space<vmem_shared>>
      tpu.enqueue_dma source(%arg11 : memref<80x64xf32, #tpu.memory_space<vmem>>) target(%dma_start3A_198 : memref<80x64xf32, #tpu.memory_space<vmem_shared>>) target_semaphore(%run_scoped3A_194 : memref<!tpu.dma_semaphore, #tpu.memory_space<semaphore_mem>>)
      %dma_wait3A_199 = arith.constant 0 : i32
      %dma_wait3A_200 = tpu.memref_slice %arg17[%add3A_23, %dma_wait3A_199] : memref<10240x64xf32, #tpu.memory_space<vmem_shared>> -> memref<80x64xf32, #tpu.memory_space<vmem_shared>>
      %dma_wait3A_201 = arith.constant 0 : i32
      %dma_wait3A_202 = tpu.memref_slice %arg17[%add3A_23, %dma_wait3A_201] : memref<10240x64xf32, #tpu.memory_space<vmem_shared>> -> memref<80x64xf32, #tpu.memory_space<vmem_shared>>
      tpu.wait_dma2 semaphore(%run_scoped3A_194 : memref<!tpu.dma_semaphore, #tpu.memory_space<semaphore_mem>>) src(%arg11 : memref<80x64xf32, #tpu.memory_space<vmem>>) dst(%dma_wait3A_202 : memref<80x64xf32, #tpu.memory_space<vmem_shared>>)
      tpu.yield
    }) : () -> ()
    %add3A_24 = arith.constant 480 : i32
    %add3A_25 = arith.addi %mul3A_0, %add3A_24 : i32
    "tpu.region"() ({
      %run_scoped3A_194 = tpu.sem_alloc : memref<!tpu.dma_semaphore, #tpu.memory_space<semaphore_mem>>
      %dma_start3A_195 = arith.constant 0 : i32
      %dma_start3A_196 = tpu.memref_slice %arg17[%add3A_25, %dma_start3A_195] : memref<10240x64xf32, #tpu.memory_space<vmem_shared>> -> memref<80x64xf32, #tpu.memory_space<vmem_shared>>
      %dma_start3A_197 = arith.constant 0 : i32
      %dma_start3A_198 = tpu.memref_slice %arg17[%add3A_25, %dma_start3A_197] : memref<10240x64xf32, #tpu.memory_space<vmem_shared>> -> memref<80x64xf32, #tpu.memory_space<vmem_shared>>
      tpu.enqueue_dma source(%arg11 : memref<80x64xf32, #tpu.memory_space<vmem>>) target(%dma_start3A_198 : memref<80x64xf32, #tpu.memory_space<vmem_shared>>) target_semaphore(%run_scoped3A_194 : memref<!tpu.dma_semaphore, #tpu.memory_space<semaphore_mem>>)
      %dma_wait3A_199 = arith.constant 0 : i32
      %dma_wait3A_200 = tpu.memref_slice %arg17[%add3A_25, %dma_wait3A_199] : memref<10240x64xf32, #tpu.memory_space<vmem_shared>> -> memref<80x64xf32, #tpu.memory_space<vmem_shared>>
      %dma_wait3A_201 = arith.constant 0 : i32
      %dma_wait3A_202 = tpu.memref_slice %arg17[%add3A_25, %dma_wait3A_201] : memref<10240x64xf32, #tpu.memory_space<vmem_shared>> -> memref<80x64xf32, #tpu.memory_space<vmem_shared>>
      tpu.wait_dma2 semaphore(%run_scoped3A_194 : memref<!tpu.dma_semaphore, #tpu.memory_space<semaphore_mem>>) src(%arg11 : memref<80x64xf32, #tpu.memory_space<vmem>>) dst(%dma_wait3A_202 : memref<80x64xf32, #tpu.memory_space<vmem_shared>>)
      tpu.yield
    }) : () -> ()
    %add3A_26 = arith.constant 560 : i32
    %add3A_27 = arith.addi %mul3A_0, %add3A_26 : i32
    "tpu.region"() ({
      %run_scoped3A_194 = tpu.sem_alloc : memref<!tpu.dma_semaphore, #tpu.memory_space<semaphore_mem>>
      %dma_start3A_195 = arith.constant 0 : i32
      %dma_start3A_196 = tpu.memref_slice %arg17[%add3A_27, %dma_start3A_195] : memref<10240x64xf32, #tpu.memory_space<vmem_shared>> -> memref<80x64xf32, #tpu.memory_space<vmem_shared>>
      %dma_start3A_197 = arith.constant 0 : i32
      %dma_start3A_198 = tpu.memref_slice %arg17[%add3A_27, %dma_start3A_197] : memref<10240x64xf32, #tpu.memory_space<vmem_shared>> -> memref<80x64xf32, #tpu.memory_space<vmem_shared>>
      tpu.enqueue_dma source(%arg11 : memref<80x64xf32, #tpu.memory_space<vmem>>) target(%dma_start3A_198 : memref<80x64xf32, #tpu.memory_space<vmem_shared>>) target_semaphore(%run_scoped3A_194 : memref<!tpu.dma_semaphore, #tpu.memory_space<semaphore_mem>>)
      %dma_wait3A_199 = arith.constant 0 : i32
      %dma_wait3A_200 = tpu.memref_slice %arg17[%add3A_27, %dma_wait3A_199] : memref<10240x64xf32, #tpu.memory_space<vmem_shared>> -> memref<80x64xf32, #tpu.memory_space<vmem_shared>>
      %dma_wait3A_201 = arith.constant 0 : i32
      %dma_wait3A_202 = tpu.memref_slice %arg17[%add3A_27, %dma_wait3A_201] : memref<10240x64xf32, #tpu.memory_space<vmem_shared>> -> memref<80x64xf32, #tpu.memory_space<vmem_shared>>
      tpu.wait_dma2 semaphore(%run_scoped3A_194 : memref<!tpu.dma_semaphore, #tpu.memory_space<semaphore_mem>>) src(%arg11 : memref<80x64xf32, #tpu.memory_space<vmem>>) dst(%dma_wait3A_202 : memref<80x64xf32, #tpu.memory_space<vmem_shared>>)
      tpu.yield
    }) : () -> ()
    %add3A_28 = arith.constant 0 : i32
    %add3A_29 = arith.addi %mul3A_0, %add3A_28 : i32
    %run_scoped3A = arith.constant 0 : i32
    "tpu.region"() ({
      %run_scoped3A_194 = tpu.sem_alloc : memref<!tpu.dma_semaphore, #tpu.memory_space<semaphore_mem>>
      %dma_start3A_195 = arith.constant 0 : i32
      %dma_start3A_196 = tpu.memref_slice %arg11[%run_scoped3A, %dma_start3A_195] : memref<80x64xf32, #tpu.memory_space<vmem>> -> memref<1x64xf32, #tpu.memory_space<vmem>>
      %dma_start3A_197 = tpu.memref_squeeze %dma_start3A_196 : memref<1x64xf32, #tpu.memory_space<vmem>> -> memref<64xf32, #tpu.memory_space<vmem>>
      %dma_start3A_198 = tpu.memref_slice %arg18[%add3A_29] : memref<10240xf32, #tpu.memory_space<vmem_shared>> -> memref<64xf32, #tpu.memory_space<vmem_shared>>
      %dma_start3A_199 = tpu.memref_slice %arg18[%add3A_29] : memref<10240xf32, #tpu.memory_space<vmem_shared>> -> memref<64xf32, #tpu.memory_space<vmem_shared>>
      %dma_start3A_200 = arith.constant 0 : i32
      %dma_start3A_201 = tpu.memref_slice %arg11[%run_scoped3A, %dma_start3A_200] : memref<80x64xf32, #tpu.memory_space<vmem>> -> memref<1x64xf32, #tpu.memory_space<vmem>>
      %dma_start3A_202 = tpu.memref_squeeze %dma_start3A_201 : memref<1x64xf32, #tpu.memory_space<vmem>> -> memref<64xf32, #tpu.memory_space<vmem>>
      tpu.enqueue_dma source(%dma_start3A_202 : memref<64xf32, #tpu.memory_space<vmem>>) target(%dma_start3A_199 : memref<64xf32, #tpu.memory_space<vmem_shared>>) target_semaphore(%run_scoped3A_194 : memref<!tpu.dma_semaphore, #tpu.memory_space<semaphore_mem>>)
      %dma_wait3A_203 = arith.constant 0 : i32
      %dma_wait3A_204 = tpu.memref_slice %arg11[%run_scoped3A, %dma_wait3A_203] : memref<80x64xf32, #tpu.memory_space<vmem>> -> memref<1x64xf32, #tpu.memory_space<vmem>>
      %dma_wait3A_205 = tpu.memref_squeeze %dma_wait3A_204 : memref<1x64xf32, #tpu.memory_space<vmem>> -> memref<64xf32, #tpu.memory_space<vmem>>
      %dma_wait3A_206 = tpu.memref_slice %arg18[%add3A_29] : memref<10240xf32, #tpu.memory_space<vmem_shared>> -> memref<64xf32, #tpu.memory_space<vmem_shared>>
      %dma_wait3A_207 = tpu.memref_slice %arg18[%add3A_29] : memref<10240xf32, #tpu.memory_space<vmem_shared>> -> memref<64xf32, #tpu.memory_space<vmem_shared>>
      %dma_wait3A_208 = arith.constant 0 : i32
      %dma_wait3A_209 = tpu.memref_slice %arg11[%run_scoped3A, %dma_wait3A_208] : memref<80x64xf32, #tpu.memory_space<vmem>> -> memref<1x64xf32, #tpu.memory_space<vmem>>
      %dma_wait3A_210 = tpu.memref_squeeze %dma_wait3A_209 : memref<1x64xf32, #tpu.memory_space<vmem>> -> memref<64xf32, #tpu.memory_space<vmem>>
      tpu.wait_dma2 semaphore(%run_scoped3A_194 : memref<!tpu.dma_semaphore, #tpu.memory_space<semaphore_mem>>) src(%dma_wait3A_210 : memref<64xf32, #tpu.memory_space<vmem>>) dst(%dma_wait3A_207 : memref<64xf32, #tpu.memory_space<vmem_shared>>)
      tpu.yield
    }) : () -> ()
    %add3A_30 = arith.constant 64 : i32
    %add3A_31 = arith.addi %mul3A_0, %add3A_30 : i32
    %run_scoped3A_32 = arith.constant 0 : i32
    "tpu.region"() ({
      %run_scoped3A_194 = tpu.sem_alloc : memref<!tpu.dma_semaphore, #tpu.memory_space<semaphore_mem>>
      %dma_start3A_195 = arith.constant 0 : i32
      %dma_start3A_196 = tpu.memref_slice %arg11[%run_scoped3A_32, %dma_start3A_195] : memref<80x64xf32, #tpu.memory_space<vmem>> -> memref<1x64xf32, #tpu.memory_space<vmem>>
      %dma_start3A_197 = tpu.memref_squeeze %dma_start3A_196 : memref<1x64xf32, #tpu.memory_space<vmem>> -> memref<64xf32, #tpu.memory_space<vmem>>
      %dma_start3A_198 = tpu.memref_slice %arg18[%add3A_31] : memref<10240xf32, #tpu.memory_space<vmem_shared>> -> memref<64xf32, #tpu.memory_space<vmem_shared>>
      %dma_start3A_199 = tpu.memref_slice %arg18[%add3A_31] : memref<10240xf32, #tpu.memory_space<vmem_shared>> -> memref<64xf32, #tpu.memory_space<vmem_shared>>
      %dma_start3A_200 = arith.constant 0 : i32
      %dma_start3A_201 = tpu.memref_slice %arg11[%run_scoped3A_32, %dma_start3A_200] : memref<80x64xf32, #tpu.memory_space<vmem>> -> memref<1x64xf32, #tpu.memory_space<vmem>>
      %dma_start3A_202 = tpu.memref_squeeze %dma_start3A_201 : memref<1x64xf32, #tpu.memory_space<vmem>> -> memref<64xf32, #tpu.memory_space<vmem>>
      tpu.enqueue_dma source(%dma_start3A_202 : memref<64xf32, #tpu.memory_space<vmem>>) target(%dma_start3A_199 : memref<64xf32, #tpu.memory_space<vmem_shared>>) target_semaphore(%run_scoped3A_194 : memref<!tpu.dma_semaphore, #tpu.memory_space<semaphore_mem>>)
      %dma_wait3A_203 = arith.constant 0 : i32
      %dma_wait3A_204 = tpu.memref_slice %arg11[%run_scoped3A_32, %dma_wait3A_203] : memref<80x64xf32, #tpu.memory_space<vmem>> -> memref<1x64xf32, #tpu.memory_space<vmem>>
      %dma_wait3A_205 = tpu.memref_squeeze %dma_wait3A_204 : memref<1x64xf32, #tpu.memory_space<vmem>> -> memref<64xf32, #tpu.memory_space<vmem>>
      %dma_wait3A_206 = tpu.memref_slice %arg18[%add3A_31] : memref<10240xf32, #tpu.memory_space<vmem_shared>> -> memref<64xf32, #tpu.memory_space<vmem_shared>>
      %dma_wait3A_207 = tpu.memref_slice %arg18[%add3A_31] : memref<10240xf32, #tpu.memory_space<vmem_shared>> -> memref<64xf32, #tpu.memory_space<vmem_shared>>
      %dma_wait3A_208 = arith.constant 0 : i32
      %dma_wait3A_209 = tpu.memref_slice %arg11[%run_scoped3A_32, %dma_wait3A_208] : memref<80x64xf32, #tpu.memory_space<vmem>> -> memref<1x64xf32, #tpu.memory_space<vmem>>
      %dma_wait3A_210 = tpu.memref_squeeze %dma_wait3A_209 : memref<1x64xf32, #tpu.memory_space<vmem>> -> memref<64xf32, #tpu.memory_space<vmem>>
      tpu.wait_dma2 semaphore(%run_scoped3A_194 : memref<!tpu.dma_semaphore, #tpu.memory_space<semaphore_mem>>) src(%dma_wait3A_210 : memref<64xf32, #tpu.memory_space<vmem>>) dst(%dma_wait3A_207 : memref<64xf32, #tpu.memory_space<vmem_shared>>)
      tpu.yield
    }) : () -> ()
    %add3A_33 = arith.constant 128 : i32
    %add3A_34 = arith.addi %mul3A_0, %add3A_33 : i32
    %run_scoped3A_35 = arith.constant 0 : i32
    "tpu.region"() ({
      %run_scoped3A_194 = tpu.sem_alloc : memref<!tpu.dma_semaphore, #tpu.memory_space<semaphore_mem>>
      %dma_start3A_195 = arith.constant 0 : i32
      %dma_start3A_196 = tpu.memref_slice %arg11[%run_scoped3A_35, %dma_start3A_195] : memref<80x64xf32, #tpu.memory_space<vmem>> -> memref<1x64xf32, #tpu.memory_space<vmem>>
      %dma_start3A_197 = tpu.memref_squeeze %dma_start3A_196 : memref<1x64xf32, #tpu.memory_space<vmem>> -> memref<64xf32, #tpu.memory_space<vmem>>
      %dma_start3A_198 = tpu.memref_slice %arg18[%add3A_34] : memref<10240xf32, #tpu.memory_space<vmem_shared>> -> memref<64xf32, #tpu.memory_space<vmem_shared>>
      %dma_start3A_199 = tpu.memref_slice %arg18[%add3A_34] : memref<10240xf32, #tpu.memory_space<vmem_shared>> -> memref<64xf32, #tpu.memory_space<vmem_shared>>
      %dma_start3A_200 = arith.constant 0 : i32
      %dma_start3A_201 = tpu.memref_slice %arg11[%run_scoped3A_35, %dma_start3A_200] : memref<80x64xf32, #tpu.memory_space<vmem>> -> memref<1x64xf32, #tpu.memory_space<vmem>>
      %dma_start3A_202 = tpu.memref_squeeze %dma_start3A_201 : memref<1x64xf32, #tpu.memory_space<vmem>> -> memref<64xf32, #tpu.memory_space<vmem>>
      tpu.enqueue_dma source(%dma_start3A_202 : memref<64xf32, #tpu.memory_space<vmem>>) target(%dma_start3A_199 : memref<64xf32, #tpu.memory_space<vmem_shared>>) target_semaphore(%run_scoped3A_194 : memref<!tpu.dma_semaphore, #tpu.memory_space<semaphore_mem>>)
      %dma_wait3A_203 = arith.constant 0 : i32
      %dma_wait3A_204 = tpu.memref_slice %arg11[%run_scoped3A_35, %dma_wait3A_203] : memref<80x64xf32, #tpu.memory_space<vmem>> -> memref<1x64xf32, #tpu.memory_space<vmem>>
      %dma_wait3A_205 = tpu.memref_squeeze %dma_wait3A_204 : memref<1x64xf32, #tpu.memory_space<vmem>> -> memref<64xf32, #tpu.memory_space<vmem>>
      %dma_wait3A_206 = tpu.memref_slice %arg18[%add3A_34] : memref<10240xf32, #tpu.memory_space<vmem_shared>> -> memref<64xf32, #tpu.memory_space<vmem_shared>>
      %dma_wait3A_207 = tpu.memref_slice %arg18[%add3A_34] : memref<10240xf32, #tpu.memory_space<vmem_shared>> -> memref<64xf32, #tpu.memory_space<vmem_shared>>
      %dma_wait3A_208 = arith.constant 0 : i32
      %dma_wait3A_209 = tpu.memref_slice %arg11[%run_scoped3A_35, %dma_wait3A_208] : memref<80x64xf32, #tpu.memory_space<vmem>> -> memref<1x64xf32, #tpu.memory_space<vmem>>
      %dma_wait3A_210 = tpu.memref_squeeze %dma_wait3A_209 : memref<1x64xf32, #tpu.memory_space<vmem>> -> memref<64xf32, #tpu.memory_space<vmem>>
      tpu.wait_dma2 semaphore(%run_scoped3A_194 : memref<!tpu.dma_semaphore, #tpu.memory_space<semaphore_mem>>) src(%dma_wait3A_210 : memref<64xf32, #tpu.memory_space<vmem>>) dst(%dma_wait3A_207 : memref<64xf32, #tpu.memory_space<vmem_shared>>)
      tpu.yield
    }) : () -> ()
    %add3A_36 = arith.constant 192 : i32
    %add3A_37 = arith.addi %mul3A_0, %add3A_36 : i32
    %run_scoped3A_38 = arith.constant 0 : i32
    "tpu.region"() ({
      %run_scoped3A_194 = tpu.sem_alloc : memref<!tpu.dma_semaphore, #tpu.memory_space<semaphore_mem>>
      %dma_start3A_195 = arith.constant 0 : i32
      %dma_start3A_196 = tpu.memref_slice %arg11[%run_scoped3A_38, %dma_start3A_195] : memref<80x64xf32, #tpu.memory_space<vmem>> -> memref<1x64xf32, #tpu.memory_space<vmem>>
      %dma_start3A_197 = tpu.memref_squeeze %dma_start3A_196 : memref<1x64xf32, #tpu.memory_space<vmem>> -> memref<64xf32, #tpu.memory_space<vmem>>
      %dma_start3A_198 = tpu.memref_slice %arg18[%add3A_37] : memref<10240xf32, #tpu.memory_space<vmem_shared>> -> memref<64xf32, #tpu.memory_space<vmem_shared>>
      %dma_start3A_199 = tpu.memref_slice %arg18[%add3A_37] : memref<10240xf32, #tpu.memory_space<vmem_shared>> -> memref<64xf32, #tpu.memory_space<vmem_shared>>
      %dma_start3A_200 = arith.constant 0 : i32
      %dma_start3A_201 = tpu.memref_slice %arg11[%run_scoped3A_38, %dma_start3A_200] : memref<80x64xf32, #tpu.memory_space<vmem>> -> memref<1x64xf32, #tpu.memory_space<vmem>>
      %dma_start3A_202 = tpu.memref_squeeze %dma_start3A_201 : memref<1x64xf32, #tpu.memory_space<vmem>> -> memref<64xf32, #tpu.memory_space<vmem>>
      tpu.enqueue_dma source(%dma_start3A_202 : memref<64xf32, #tpu.memory_space<vmem>>) target(%dma_start3A_199 : memref<64xf32, #tpu.memory_space<vmem_shared>>) target_semaphore(%run_scoped3A_194 : memref<!tpu.dma_semaphore, #tpu.memory_space<semaphore_mem>>)
      %dma_wait3A_203 = arith.constant 0 : i32
      %dma_wait3A_204 = tpu.memref_slice %arg11[%run_scoped3A_38, %dma_wait3A_203] : memref<80x64xf32, #tpu.memory_space<vmem>> -> memref<1x64xf32, #tpu.memory_space<vmem>>
      %dma_wait3A_205 = tpu.memref_squeeze %dma_wait3A_204 : memref<1x64xf32, #tpu.memory_space<vmem>> -> memref<64xf32, #tpu.memory_space<vmem>>
      %dma_wait3A_206 = tpu.memref_slice %arg18[%add3A_37] : memref<10240xf32, #tpu.memory_space<vmem_shared>> -> memref<64xf32, #tpu.memory_space<vmem_shared>>
      %dma_wait3A_207 = tpu.memref_slice %arg18[%add3A_37] : memref<10240xf32, #tpu.memory_space<vmem_shared>> -> memref<64xf32, #tpu.memory_space<vmem_shared>>
      %dma_wait3A_208 = arith.constant 0 : i32
      %dma_wait3A_209 = tpu.memref_slice %arg11[%run_scoped3A_38, %dma_wait3A_208] : memref<80x64xf32, #tpu.memory_space<vmem>> -> memref<1x64xf32, #tpu.memory_space<vmem>>
      %dma_wait3A_210 = tpu.memref_squeeze %dma_wait3A_209 : memref<1x64xf32, #tpu.memory_space<vmem>> -> memref<64xf32, #tpu.memory_space<vmem>>
      tpu.wait_dma2 semaphore(%run_scoped3A_194 : memref<!tpu.dma_semaphore, #tpu.memory_space<semaphore_mem>>) src(%dma_wait3A_210 : memref<64xf32, #tpu.memory_space<vmem>>) dst(%dma_wait3A_207 : memref<64xf32, #tpu.memory_space<vmem_shared>>)
      tpu.yield
    }) : () -> ()
    %add3A_39 = arith.constant 256 : i32
    %add3A_40 = arith.addi %mul3A_0, %add3A_39 : i32
    %run_scoped3A_41 = arith.constant 0 : i32
    "tpu.region"() ({
      %run_scoped3A_194 = tpu.sem_alloc : memref<!tpu.dma_semaphore, #tpu.memory_space<semaphore_mem>>
      %dma_start3A_195 = arith.constant 0 : i32
      %dma_start3A_196 = tpu.memref_slice %arg11[%run_scoped3A_41, %dma_start3A_195] : memref<80x64xf32, #tpu.memory_space<vmem>> -> memref<1x64xf32, #tpu.memory_space<vmem>>
      %dma_start3A_197 = tpu.memref_squeeze %dma_start3A_196 : memref<1x64xf32, #tpu.memory_space<vmem>> -> memref<64xf32, #tpu.memory_space<vmem>>
      %dma_start3A_198 = tpu.memref_slice %arg18[%add3A_40] : memref<10240xf32, #tpu.memory_space<vmem_shared>> -> memref<64xf32, #tpu.memory_space<vmem_shared>>
      %dma_start3A_199 = tpu.memref_slice %arg18[%add3A_40] : memref<10240xf32, #tpu.memory_space<vmem_shared>> -> memref<64xf32, #tpu.memory_space<vmem_shared>>
      %dma_start3A_200 = arith.constant 0 : i32
      %dma_start3A_201 = tpu.memref_slice %arg11[%run_scoped3A_41, %dma_start3A_200] : memref<80x64xf32, #tpu.memory_space<vmem>> -> memref<1x64xf32, #tpu.memory_space<vmem>>
      %dma_start3A_202 = tpu.memref_squeeze %dma_start3A_201 : memref<1x64xf32, #tpu.memory_space<vmem>> -> memref<64xf32, #tpu.memory_space<vmem>>
      tpu.enqueue_dma source(%dma_start3A_202 : memref<64xf32, #tpu.memory_space<vmem>>) target(%dma_start3A_199 : memref<64xf32, #tpu.memory_space<vmem_shared>>) target_semaphore(%run_scoped3A_194 : memref<!tpu.dma_semaphore, #tpu.memory_space<semaphore_mem>>)
      %dma_wait3A_203 = arith.constant 0 : i32
      %dma_wait3A_204 = tpu.memref_slice %arg11[%run_scoped3A_41, %dma_wait3A_203] : memref<80x64xf32, #tpu.memory_space<vmem>> -> memref<1x64xf32, #tpu.memory_space<vmem>>
      %dma_wait3A_205 = tpu.memref_squeeze %dma_wait3A_204 : memref<1x64xf32, #tpu.memory_space<vmem>> -> memref<64xf32, #tpu.memory_space<vmem>>
      %dma_wait3A_206 = tpu.memref_slice %arg18[%add3A_40] : memref<10240xf32, #tpu.memory_space<vmem_shared>> -> memref<64xf32, #tpu.memory_space<vmem_shared>>
      %dma_wait3A_207 = tpu.memref_slice %arg18[%add3A_40] : memref<10240xf32, #tpu.memory_space<vmem_shared>> -> memref<64xf32, #tpu.memory_space<vmem_shared>>
      %dma_wait3A_208 = arith.constant 0 : i32
      %dma_wait3A_209 = tpu.memref_slice %arg11[%run_scoped3A_41, %dma_wait3A_208] : memref<80x64xf32, #tpu.memory_space<vmem>> -> memref<1x64xf32, #tpu.memory_space<vmem>>
      %dma_wait3A_210 = tpu.memref_squeeze %dma_wait3A_209 : memref<1x64xf32, #tpu.memory_space<vmem>> -> memref<64xf32, #tpu.memory_space<vmem>>
      tpu.wait_dma2 semaphore(%run_scoped3A_194 : memref<!tpu.dma_semaphore, #tpu.memory_space<semaphore_mem>>) src(%dma_wait3A_210 : memref<64xf32, #tpu.memory_space<vmem>>) dst(%dma_wait3A_207 : memref<64xf32, #tpu.memory_space<vmem_shared>>)
      tpu.yield
    }) : () -> ()
    %add3A_42 = arith.constant 320 : i32
    %add3A_43 = arith.addi %mul3A_0, %add3A_42 : i32
    %run_scoped3A_44 = arith.constant 0 : i32
    "tpu.region"() ({
      %run_scoped3A_194 = tpu.sem_alloc : memref<!tpu.dma_semaphore, #tpu.memory_space<semaphore_mem>>
      %dma_start3A_195 = arith.constant 0 : i32
      %dma_start3A_196 = tpu.memref_slice %arg11[%run_scoped3A_44, %dma_start3A_195] : memref<80x64xf32, #tpu.memory_space<vmem>> -> memref<1x64xf32, #tpu.memory_space<vmem>>
      %dma_start3A_197 = tpu.memref_squeeze %dma_start3A_196 : memref<1x64xf32, #tpu.memory_space<vmem>> -> memref<64xf32, #tpu.memory_space<vmem>>
      %dma_start3A_198 = tpu.memref_slice %arg18[%add3A_43] : memref<10240xf32, #tpu.memory_space<vmem_shared>> -> memref<64xf32, #tpu.memory_space<vmem_shared>>
      %dma_start3A_199 = tpu.memref_slice %arg18[%add3A_43] : memref<10240xf32, #tpu.memory_space<vmem_shared>> -> memref<64xf32, #tpu.memory_space<vmem_shared>>
      %dma_start3A_200 = arith.constant 0 : i32
      %dma_start3A_201 = tpu.memref_slice %arg11[%run_scoped3A_44, %dma_start3A_200] : memref<80x64xf32, #tpu.memory_space<vmem>> -> memref<1x64xf32, #tpu.memory_space<vmem>>
      %dma_start3A_202 = tpu.memref_squeeze %dma_start3A_201 : memref<1x64xf32, #tpu.memory_space<vmem>> -> memref<64xf32, #tpu.memory_space<vmem>>
      tpu.enqueue_dma source(%dma_start3A_202 : memref<64xf32, #tpu.memory_space<vmem>>) target(%dma_start3A_199 : memref<64xf32, #tpu.memory_space<vmem_shared>>) target_semaphore(%run_scoped3A_194 : memref<!tpu.dma_semaphore, #tpu.memory_space<semaphore_mem>>)
      %dma_wait3A_203 = arith.constant 0 : i32
      %dma_wait3A_204 = tpu.memref_slice %arg11[%run_scoped3A_44, %dma_wait3A_203] : memref<80x64xf32, #tpu.memory_space<vmem>> -> memref<1x64xf32, #tpu.memory_space<vmem>>
      %dma_wait3A_205 = tpu.memref_squeeze %dma_wait3A_204 : memref<1x64xf32, #tpu.memory_space<vmem>> -> memref<64xf32, #tpu.memory_space<vmem>>
      %dma_wait3A_206 = tpu.memref_slice %arg18[%add3A_43] : memref<10240xf32, #tpu.memory_space<vmem_shared>> -> memref<64xf32, #tpu.memory_space<vmem_shared>>
      %dma_wait3A_207 = tpu.memref_slice %arg18[%add3A_43] : memref<10240xf32, #tpu.memory_space<vmem_shared>> -> memref<64xf32, #tpu.memory_space<vmem_shared>>
      %dma_wait3A_208 = arith.constant 0 : i32
      %dma_wait3A_209 = tpu.memref_slice %arg11[%run_scoped3A_44, %dma_wait3A_208] : memref<80x64xf32, #tpu.memory_space<vmem>> -> memref<1x64xf32, #tpu.memory_space<vmem>>
      %dma_wait3A_210 = tpu.memref_squeeze %dma_wait3A_209 : memref<1x64xf32, #tpu.memory_space<vmem>> -> memref<64xf32, #tpu.memory_space<vmem>>
      tpu.wait_dma2 semaphore(%run_scoped3A_194 : memref<!tpu.dma_semaphore, #tpu.memory_space<semaphore_mem>>) src(%dma_wait3A_210 : memref<64xf32, #tpu.memory_space<vmem>>) dst(%dma_wait3A_207 : memref<64xf32, #tpu.memory_space<vmem_shared>>)
      tpu.yield
    }) : () -> ()
    %add3A_45 = arith.constant 384 : i32
    %add3A_46 = arith.addi %mul3A_0, %add3A_45 : i32
    %run_scoped3A_47 = arith.constant 0 : i32
    "tpu.region"() ({
      %run_scoped3A_194 = tpu.sem_alloc : memref<!tpu.dma_semaphore, #tpu.memory_space<semaphore_mem>>
      %dma_start3A_195 = arith.constant 0 : i32
      %dma_start3A_196 = tpu.memref_slice %arg11[%run_scoped3A_47, %dma_start3A_195] : memref<80x64xf32, #tpu.memory_space<vmem>> -> memref<1x64xf32, #tpu.memory_space<vmem>>
      %dma_start3A_197 = tpu.memref_squeeze %dma_start3A_196 : memref<1x64xf32, #tpu.memory_space<vmem>> -> memref<64xf32, #tpu.memory_space<vmem>>
      %dma_start3A_198 = tpu.memref_slice %arg18[%add3A_46] : memref<10240xf32, #tpu.memory_space<vmem_shared>> -> memref<64xf32, #tpu.memory_space<vmem_shared>>
      %dma_start3A_199 = tpu.memref_slice %arg18[%add3A_46] : memref<10240xf32, #tpu.memory_space<vmem_shared>> -> memref<64xf32, #tpu.memory_space<vmem_shared>>
      %dma_start3A_200 = arith.constant 0 : i32
      %dma_start3A_201 = tpu.memref_slice %arg11[%run_scoped3A_47, %dma_start3A_200] : memref<80x64xf32, #tpu.memory_space<vmem>> -> memref<1x64xf32, #tpu.memory_space<vmem>>
      %dma_start3A_202 = tpu.memref_squeeze %dma_start3A_201 : memref<1x64xf32, #tpu.memory_space<vmem>> -> memref<64xf32, #tpu.memory_space<vmem>>
      tpu.enqueue_dma source(%dma_start3A_202 : memref<64xf32, #tpu.memory_space<vmem>>) target(%dma_start3A_199 : memref<64xf32, #tpu.memory_space<vmem_shared>>) target_semaphore(%run_scoped3A_194 : memref<!tpu.dma_semaphore, #tpu.memory_space<semaphore_mem>>)
      %dma_wait3A_203 = arith.constant 0 : i32
      %dma_wait3A_204 = tpu.memref_slice %arg11[%run_scoped3A_47, %dma_wait3A_203] : memref<80x64xf32, #tpu.memory_space<vmem>> -> memref<1x64xf32, #tpu.memory_space<vmem>>
      %dma_wait3A_205 = tpu.memref_squeeze %dma_wait3A_204 : memref<1x64xf32, #tpu.memory_space<vmem>> -> memref<64xf32, #tpu.memory_space<vmem>>
      %dma_wait3A_206 = tpu.memref_slice %arg18[%add3A_46] : memref<10240xf32, #tpu.memory_space<vmem_shared>> -> memref<64xf32, #tpu.memory_space<vmem_shared>>
      %dma_wait3A_207 = tpu.memref_slice %arg18[%add3A_46] : memref<10240xf32, #tpu.memory_space<vmem_shared>> -> memref<64xf32, #tpu.memory_space<vmem_shared>>
      %dma_wait3A_208 = arith.constant 0 : i32
      %dma_wait3A_209 = tpu.memref_slice %arg11[%run_scoped3A_47, %dma_wait3A_208] : memref<80x64xf32, #tpu.memory_space<vmem>> -> memref<1x64xf32, #tpu.memory_space<vmem>>
      %dma_wait3A_210 = tpu.memref_squeeze %dma_wait3A_209 : memref<1x64xf32, #tpu.memory_space<vmem>> -> memref<64xf32, #tpu.memory_space<vmem>>
      tpu.wait_dma2 semaphore(%run_scoped3A_194 : memref<!tpu.dma_semaphore, #tpu.memory_space<semaphore_mem>>) src(%dma_wait3A_210 : memref<64xf32, #tpu.memory_space<vmem>>) dst(%dma_wait3A_207 : memref<64xf32, #tpu.memory_space<vmem_shared>>)
      tpu.yield
    }) : () -> ()
    %add3A_48 = arith.constant 448 : i32
    %add3A_49 = arith.addi %mul3A_0, %add3A_48 : i32
    %run_scoped3A_50 = arith.constant 0 : i32
    "tpu.region"() ({
      %run_scoped3A_194 = tpu.sem_alloc : memref<!tpu.dma_semaphore, #tpu.memory_space<semaphore_mem>>
      %dma_start3A_195 = arith.constant 0 : i32
      %dma_start3A_196 = tpu.memref_slice %arg11[%run_scoped3A_50, %dma_start3A_195] : memref<80x64xf32, #tpu.memory_space<vmem>> -> memref<1x64xf32, #tpu.memory_space<vmem>>
      %dma_start3A_197 = tpu.memref_squeeze %dma_start3A_196 : memref<1x64xf32, #tpu.memory_space<vmem>> -> memref<64xf32, #tpu.memory_space<vmem>>
      %dma_start3A_198 = tpu.memref_slice %arg18[%add3A_49] : memref<10240xf32, #tpu.memory_space<vmem_shared>> -> memref<64xf32, #tpu.memory_space<vmem_shared>>
      %dma_start3A_199 = tpu.memref_slice %arg18[%add3A_49] : memref<10240xf32, #tpu.memory_space<vmem_shared>> -> memref<64xf32, #tpu.memory_space<vmem_shared>>
      %dma_start3A_200 = arith.constant 0 : i32
      %dma_start3A_201 = tpu.memref_slice %arg11[%run_scoped3A_50, %dma_start3A_200] : memref<80x64xf32, #tpu.memory_space<vmem>> -> memref<1x64xf32, #tpu.memory_space<vmem>>
      %dma_start3A_202 = tpu.memref_squeeze %dma_start3A_201 : memref<1x64xf32, #tpu.memory_space<vmem>> -> memref<64xf32, #tpu.memory_space<vmem>>
      tpu.enqueue_dma source(%dma_start3A_202 : memref<64xf32, #tpu.memory_space<vmem>>) target(%dma_start3A_199 : memref<64xf32, #tpu.memory_space<vmem_shared>>) target_semaphore(%run_scoped3A_194 : memref<!tpu.dma_semaphore, #tpu.memory_space<semaphore_mem>>)
      %dma_wait3A_203 = arith.constant 0 : i32
      %dma_wait3A_204 = tpu.memref_slice %arg11[%run_scoped3A_50, %dma_wait3A_203] : memref<80x64xf32, #tpu.memory_space<vmem>> -> memref<1x64xf32, #tpu.memory_space<vmem>>
      %dma_wait3A_205 = tpu.memref_squeeze %dma_wait3A_204 : memref<1x64xf32, #tpu.memory_space<vmem>> -> memref<64xf32, #tpu.memory_space<vmem>>
      %dma_wait3A_206 = tpu.memref_slice %arg18[%add3A_49] : memref<10240xf32, #tpu.memory_space<vmem_shared>> -> memref<64xf32, #tpu.memory_space<vmem_shared>>
      %dma_wait3A_207 = tpu.memref_slice %arg18[%add3A_49] : memref<10240xf32, #tpu.memory_space<vmem_shared>> -> memref<64xf32, #tpu.memory_space<vmem_shared>>
      %dma_wait3A_208 = arith.constant 0 : i32
      %dma_wait3A_209 = tpu.memref_slice %arg11[%run_scoped3A_50, %dma_wait3A_208] : memref<80x64xf32, #tpu.memory_space<vmem>> -> memref<1x64xf32, #tpu.memory_space<vmem>>
      %dma_wait3A_210 = tpu.memref_squeeze %dma_wait3A_209 : memref<1x64xf32, #tpu.memory_space<vmem>> -> memref<64xf32, #tpu.memory_space<vmem>>
      tpu.wait_dma2 semaphore(%run_scoped3A_194 : memref<!tpu.dma_semaphore, #tpu.memory_space<semaphore_mem>>) src(%dma_wait3A_210 : memref<64xf32, #tpu.memory_space<vmem>>) dst(%dma_wait3A_207 : memref<64xf32, #tpu.memory_space<vmem_shared>>)
      tpu.yield
    }) : () -> ()
    %add3A_51 = arith.constant 512 : i32
    %add3A_52 = arith.addi %mul3A_0, %add3A_51 : i32
    %run_scoped3A_53 = arith.constant 0 : i32
    "tpu.region"() ({
      %run_scoped3A_194 = tpu.sem_alloc : memref<!tpu.dma_semaphore, #tpu.memory_space<semaphore_mem>>
      %dma_start3A_195 = arith.constant 0 : i32
      %dma_start3A_196 = tpu.memref_slice %arg11[%run_scoped3A_53, %dma_start3A_195] : memref<80x64xf32, #tpu.memory_space<vmem>> -> memref<1x64xf32, #tpu.memory_space<vmem>>
      %dma_start3A_197 = tpu.memref_squeeze %dma_start3A_196 : memref<1x64xf32, #tpu.memory_space<vmem>> -> memref<64xf32, #tpu.memory_space<vmem>>
      %dma_start3A_198 = tpu.memref_slice %arg18[%add3A_52] : memref<10240xf32, #tpu.memory_space<vmem_shared>> -> memref<64xf32, #tpu.memory_space<vmem_shared>>
      %dma_start3A_199 = tpu.memref_slice %arg18[%add3A_52] : memref<10240xf32, #tpu.memory_space<vmem_shared>> -> memref<64xf32, #tpu.memory_space<vmem_shared>>
      %dma_start3A_200 = arith.constant 0 : i32
      %dma_start3A_201 = tpu.memref_slice %arg11[%run_scoped3A_53, %dma_start3A_200] : memref<80x64xf32, #tpu.memory_space<vmem>> -> memref<1x64xf32, #tpu.memory_space<vmem>>
      %dma_start3A_202 = tpu.memref_squeeze %dma_start3A_201 : memref<1x64xf32, #tpu.memory_space<vmem>> -> memref<64xf32, #tpu.memory_space<vmem>>
      tpu.enqueue_dma source(%dma_start3A_202 : memref<64xf32, #tpu.memory_space<vmem>>) target(%dma_start3A_199 : memref<64xf32, #tpu.memory_space<vmem_shared>>) target_semaphore(%run_scoped3A_194 : memref<!tpu.dma_semaphore, #tpu.memory_space<semaphore_mem>>)
      %dma_wait3A_203 = arith.constant 0 : i32
      %dma_wait3A_204 = tpu.memref_slice %arg11[%run_scoped3A_53, %dma_wait3A_203] : memref<80x64xf32, #tpu.memory_space<vmem>> -> memref<1x64xf32, #tpu.memory_space<vmem>>
      %dma_wait3A_205 = tpu.memref_squeeze %dma_wait3A_204 : memref<1x64xf32, #tpu.memory_space<vmem>> -> memref<64xf32, #tpu.memory_space<vmem>>
      %dma_wait3A_206 = tpu.memref_slice %arg18[%add3A_52] : memref<10240xf32, #tpu.memory_space<vmem_shared>> -> memref<64xf32, #tpu.memory_space<vmem_shared>>
      %dma_wait3A_207 = tpu.memref_slice %arg18[%add3A_52] : memref<10240xf32, #tpu.memory_space<vmem_shared>> -> memref<64xf32, #tpu.memory_space<vmem_shared>>
      %dma_wait3A_208 = arith.constant 0 : i32
      %dma_wait3A_209 = tpu.memref_slice %arg11[%run_scoped3A_53, %dma_wait3A_208] : memref<80x64xf32, #tpu.memory_space<vmem>> -> memref<1x64xf32, #tpu.memory_space<vmem>>
      %dma_wait3A_210 = tpu.memref_squeeze %dma_wait3A_209 : memref<1x64xf32, #tpu.memory_space<vmem>> -> memref<64xf32, #tpu.memory_space<vmem>>
      tpu.wait_dma2 semaphore(%run_scoped3A_194 : memref<!tpu.dma_semaphore, #tpu.memory_space<semaphore_mem>>) src(%dma_wait3A_210 : memref<64xf32, #tpu.memory_space<vmem>>) dst(%dma_wait3A_207 : memref<64xf32, #tpu.memory_space<vmem_shared>>)
      tpu.yield
    }) : () -> ()
    %add3A_54 = arith.constant 576 : i32
    %add3A_55 = arith.addi %mul3A_0, %add3A_54 : i32
    %run_scoped3A_56 = arith.constant 0 : i32
    "tpu.region"() ({
      %run_scoped3A_194 = tpu.sem_alloc : memref<!tpu.dma_semaphore, #tpu.memory_space<semaphore_mem>>
      %dma_start3A_195 = arith.constant 0 : i32
      %dma_start3A_196 = tpu.memref_slice %arg11[%run_scoped3A_56, %dma_start3A_195] : memref<80x64xf32, #tpu.memory_space<vmem>> -> memref<1x64xf32, #tpu.memory_space<vmem>>
      %dma_start3A_197 = tpu.memref_squeeze %dma_start3A_196 : memref<1x64xf32, #tpu.memory_space<vmem>> -> memref<64xf32, #tpu.memory_space<vmem>>
      %dma_start3A_198 = tpu.memref_slice %arg18[%add3A_55] : memref<10240xf32, #tpu.memory_space<vmem_shared>> -> memref<64xf32, #tpu.memory_space<vmem_shared>>
      %dma_start3A_199 = tpu.memref_slice %arg18[%add3A_55] : memref<10240xf32, #tpu.memory_space<vmem_shared>> -> memref<64xf32, #tpu.memory_space<vmem_shared>>
      %dma_start3A_200 = arith.constant 0 : i32
      %dma_start3A_201 = tpu.memref_slice %arg11[%run_scoped3A_56, %dma_start3A_200] : memref<80x64xf32, #tpu.memory_space<vmem>> -> memref<1x64xf32, #tpu.memory_space<vmem>>
      %dma_start3A_202 = tpu.memref_squeeze %dma_start3A_201 : memref<1x64xf32, #tpu.memory_space<vmem>> -> memref<64xf32, #tpu.memory_space<vmem>>
      tpu.enqueue_dma source(%dma_start3A_202 : memref<64xf32, #tpu.memory_space<vmem>>) target(%dma_start3A_199 : memref<64xf32, #tpu.memory_space<vmem_shared>>) target_semaphore(%run_scoped3A_194 : memref<!tpu.dma_semaphore, #tpu.memory_space<semaphore_mem>>)
      %dma_wait3A_203 = arith.constant 0 : i32
      %dma_wait3A_204 = tpu.memref_slice %arg11[%run_scoped3A_56, %dma_wait3A_203] : memref<80x64xf32, #tpu.memory_space<vmem>> -> memref<1x64xf32, #tpu.memory_space<vmem>>
      %dma_wait3A_205 = tpu.memref_squeeze %dma_wait3A_204 : memref<1x64xf32, #tpu.memory_space<vmem>> -> memref<64xf32, #tpu.memory_space<vmem>>
      %dma_wait3A_206 = tpu.memref_slice %arg18[%add3A_55] : memref<10240xf32, #tpu.memory_space<vmem_shared>> -> memref<64xf32, #tpu.memory_space<vmem_shared>>
      %dma_wait3A_207 = tpu.memref_slice %arg18[%add3A_55] : memref<10240xf32, #tpu.memory_space<vmem_shared>> -> memref<64xf32, #tpu.memory_space<vmem_shared>>
      %dma_wait3A_208 = arith.constant 0 : i32
      %dma_wait3A_209 = tpu.memref_slice %arg11[%run_scoped3A_56, %dma_wait3A_208] : memref<80x64xf32, #tpu.memory_space<vmem>> -> memref<1x64xf32, #tpu.memory_space<vmem>>
      %dma_wait3A_210 = tpu.memref_squeeze %dma_wait3A_209 : memref<1x64xf32, #tpu.memory_space<vmem>> -> memref<64xf32, #tpu.memory_space<vmem>>
      tpu.wait_dma2 semaphore(%run_scoped3A_194 : memref<!tpu.dma_semaphore, #tpu.memory_space<semaphore_mem>>) src(%dma_wait3A_210 : memref<64xf32, #tpu.memory_space<vmem>>) dst(%dma_wait3A_207 : memref<64xf32, #tpu.memory_space<vmem_shared>>)
      tpu.yield
    }) : () -> ()
    %barrier3A = arith.constant 0 : index
    tpu.barrier barrier_id(%barrier3A)
    %eq3A_57 = arith.constant 0 : i32
    %eq3A_58 = arith.cmpi eq, %arg0, %eq3A_57 : i32
    %convert_element_type3A_59 = arith.extui %eq3A_58 : i1 to i32
    %cond3A_60 = arith.constant 0 : i32
    %cond3A_61 = arith.cmpi ne, %convert_element_type3A_59, %cond3A_60 : i32
    scf.if %cond3A_61 {
      %dma_start3A_194 = arith.constant 0 : i32
      %dma_start3A_195 = arith.constant 0 : i32
      %dma_start3A_196 = tpu.memref_slice %arg9[%dma_start3A_194, %dma_start3A_195] : memref<132x80xi32, #tpu.memory_space<vmem>> -> memref<1x80xi32, #tpu.memory_space<vmem>>
      %dma_start3A_197 = tpu.memref_squeeze %dma_start3A_196 : memref<1x80xi32, #tpu.memory_space<vmem>> -> memref<80xi32, #tpu.memory_space<vmem>>
      %dma_start3A_198 = arith.constant 0 : i32
      %dma_start3A_199 = arith.constant 0 : i32
      %dma_start3A_200 = tpu.memref_slice %arg16[%dma_start3A_198, %dma_start3A_199] : memref<10000x64xf32, #tpu.memory_space<vmem_shared>> -> memref<10000x64xf32, #tpu.memory_space<vmem_shared>>
      tpu.enqueue_indirect_dma source(%dma_start3A_200 : memref<10000x64xf32, #tpu.memory_space<vmem_shared>>) target(%arg11 : memref<80x64xf32, #tpu.memory_space<vmem>>) offsets(%dma_start3A_197 : memref<80xi32, #tpu.memory_space<vmem>>) semaphore(%arg19 : memref<!tpu.dma_semaphore, #tpu.memory_space<semaphore_mem>>)
      %dma_start3A_201 = arith.constant 1 : i32
      %dma_start3A_202 = arith.constant 0 : i32
      %dma_start3A_203 = tpu.memref_slice %arg9[%dma_start3A_201, %dma_start3A_202] : memref<132x80xi32, #tpu.memory_space<vmem>> -> memref<1x80xi32, #tpu.memory_space<vmem>>
      %dma_start3A_204 = tpu.memref_squeeze %dma_start3A_203 : memref<1x80xi32, #tpu.memory_space<vmem>> -> memref<80xi32, #tpu.memory_space<vmem>>
      %dma_start3A_205 = arith.constant 0 : i32
      %dma_start3A_206 = arith.constant 0 : i32
      %dma_start3A_207 = tpu.memref_slice %arg16[%dma_start3A_205, %dma_start3A_206] : memref<10000x64xf32, #tpu.memory_space<vmem_shared>> -> memref<10000x64xf32, #tpu.memory_space<vmem_shared>>
      tpu.enqueue_indirect_dma source(%dma_start3A_207 : memref<10000x64xf32, #tpu.memory_space<vmem_shared>>) target(%arg12 : memref<80x64xf32, #tpu.memory_space<vmem>>) offsets(%dma_start3A_204 : memref<80xi32, #tpu.memory_space<vmem>>) semaphore(%arg20 : memref<!tpu.dma_semaphore, #tpu.memory_space<semaphore_mem>>)
      %dma_wait3A_208 = arith.constant 0 : i32
      %dma_wait3A_209 = arith.constant 0 : i32
      %dma_wait3A_210 = tpu.memref_slice %arg9[%dma_wait3A_208, %dma_wait3A_209] : memref<132x80xi32, #tpu.memory_space<vmem>> -> memref<1x80xi32, #tpu.memory_space<vmem>>
      %dma_wait3A_211 = tpu.memref_squeeze %dma_wait3A_210 : memref<1x80xi32, #tpu.memory_space<vmem>> -> memref<80xi32, #tpu.memory_space<vmem>>
      %dma_wait3A_212 = arith.constant 0 : i32
      %dma_wait3A_213 = arith.constant 0 : i32
      %dma_wait3A_214 = tpu.memref_slice %arg16[%dma_wait3A_212, %dma_wait3A_213] : memref<10000x64xf32, #tpu.memory_space<vmem_shared>> -> memref<10000x64xf32, #tpu.memory_space<vmem_shared>>
      tpu.wait_indirect_dma semaphore(%arg19 : memref<!tpu.dma_semaphore, #tpu.memory_space<semaphore_mem>>) src(%dma_wait3A_214 : memref<10000x64xf32, #tpu.memory_space<vmem_shared>>) dst(%arg11 : memref<80x64xf32, #tpu.memory_space<vmem>>)
      %dma_start3A_215 = arith.constant 0 : i32
      %dma_start3A_216 = arith.constant 0 : i32
      %dma_start3A_217 = tpu.memref_slice %arg10[%dma_start3A_215, %dma_start3A_216] : memref<132x80xi32, #tpu.memory_space<vmem>> -> memref<1x80xi32, #tpu.memory_space<vmem>>
      %dma_start3A_218 = tpu.memref_squeeze %dma_start3A_217 : memref<1x80xi32, #tpu.memory_space<vmem>> -> memref<80xi32, #tpu.memory_space<vmem>>
      %dma_start3A_219 = arith.constant 0 : i32
      %dma_start3A_220 = tpu.memref_slice %arg18[%dma_start3A_219] : memref<10240xf32, #tpu.memory_space<vmem_shared>> -> memref<10240xf32, #tpu.memory_space<vmem_shared>>
      tpu.enqueue_indirect_dma source(%arg15 : memref<80xf32, #tpu.memory_space<vmem>>) target(%dma_start3A_220 : memref<10240xf32, #tpu.memory_space<vmem_shared>>) offsets(%dma_start3A_218 : memref<80xi32, #tpu.memory_space<vmem>>) semaphore(%arg27 : memref<!tpu.dma_semaphore, #tpu.memory_space<semaphore_mem>>) {add = true}
      %dma_start3A_221 = arith.constant 0 : i32
      %dma_start3A_222 = arith.constant 0 : i32
      %dma_start3A_223 = tpu.memref_slice %arg10[%dma_start3A_221, %dma_start3A_222] : memref<132x80xi32, #tpu.memory_space<vmem>> -> memref<1x80xi32, #tpu.memory_space<vmem>>
      %dma_start3A_224 = tpu.memref_squeeze %dma_start3A_223 : memref<1x80xi32, #tpu.memory_space<vmem>> -> memref<80xi32, #tpu.memory_space<vmem>>
      %dma_start3A_225 = arith.constant 0 : i32
      %dma_start3A_226 = arith.constant 0 : i32
      %dma_start3A_227 = tpu.memref_slice %arg17[%dma_start3A_225, %dma_start3A_226] : memref<10240x64xf32, #tpu.memory_space<vmem_shared>> -> memref<10240x64xf32, #tpu.memory_space<vmem_shared>>
      tpu.enqueue_indirect_dma source(%arg11 : memref<80x64xf32, #tpu.memory_space<vmem>>) target(%dma_start3A_227 : memref<10240x64xf32, #tpu.memory_space<vmem_shared>>) offsets(%dma_start3A_224 : memref<80xi32, #tpu.memory_space<vmem>>) semaphore(%arg23 : memref<!tpu.dma_semaphore, #tpu.memory_space<semaphore_mem>>) {add = true}
      %dma_start3A_228 = arith.constant 2 : i32
      %dma_start3A_229 = arith.constant 0 : i32
      %dma_start3A_230 = tpu.memref_slice %arg9[%dma_start3A_228, %dma_start3A_229] : memref<132x80xi32, #tpu.memory_space<vmem>> -> memref<1x80xi32, #tpu.memory_space<vmem>>
      %dma_start3A_231 = tpu.memref_squeeze %dma_start3A_230 : memref<1x80xi32, #tpu.memory_space<vmem>> -> memref<80xi32, #tpu.memory_space<vmem>>
      %dma_start3A_232 = arith.constant 0 : i32
      %dma_start3A_233 = arith.constant 0 : i32
      %dma_start3A_234 = tpu.memref_slice %arg16[%dma_start3A_232, %dma_start3A_233] : memref<10000x64xf32, #tpu.memory_space<vmem_shared>> -> memref<10000x64xf32, #tpu.memory_space<vmem_shared>>
      tpu.enqueue_indirect_dma source(%dma_start3A_234 : memref<10000x64xf32, #tpu.memory_space<vmem_shared>>) target(%arg13 : memref<80x64xf32, #tpu.memory_space<vmem>>) offsets(%dma_start3A_231 : memref<80xi32, #tpu.memory_space<vmem>>) semaphore(%arg21 : memref<!tpu.dma_semaphore, #tpu.memory_space<semaphore_mem>>)
      %dma_wait3A_235 = arith.constant 1 : i32
      %dma_wait3A_236 = arith.constant 0 : i32
      %dma_wait3A_237 = tpu.memref_slice %arg9[%dma_wait3A_235, %dma_wait3A_236] : memref<132x80xi32, #tpu.memory_space<vmem>> -> memref<1x80xi32, #tpu.memory_space<vmem>>
      %dma_wait3A_238 = tpu.memref_squeeze %dma_wait3A_237 : memref<1x80xi32, #tpu.memory_space<vmem>> -> memref<80xi32, #tpu.memory_space<vmem>>
      %dma_wait3A_239 = arith.constant 0 : i32
      %dma_wait3A_240 = arith.constant 0 : i32
      %dma_wait3A_241 = tpu.memref_slice %arg16[%dma_wait3A_239, %dma_wait3A_240] : memref<10000x64xf32, #tpu.memory_space<vmem_shared>> -> memref<10000x64xf32, #tpu.memory_space<vmem_shared>>
      tpu.wait_indirect_dma semaphore(%arg20 : memref<!tpu.dma_semaphore, #tpu.memory_space<semaphore_mem>>) src(%dma_wait3A_241 : memref<10000x64xf32, #tpu.memory_space<vmem_shared>>) dst(%arg12 : memref<80x64xf32, #tpu.memory_space<vmem>>)
      %dma_start3A_242 = arith.constant 1 : i32
      %dma_start3A_243 = arith.constant 0 : i32
      %dma_start3A_244 = tpu.memref_slice %arg10[%dma_start3A_242, %dma_start3A_243] : memref<132x80xi32, #tpu.memory_space<vmem>> -> memref<1x80xi32, #tpu.memory_space<vmem>>
      %dma_start3A_245 = tpu.memref_squeeze %dma_start3A_244 : memref<1x80xi32, #tpu.memory_space<vmem>> -> memref<80xi32, #tpu.memory_space<vmem>>
      %dma_start3A_246 = arith.constant 0 : i32
      %dma_start3A_247 = tpu.memref_slice %arg18[%dma_start3A_246] : memref<10240xf32, #tpu.memory_space<vmem_shared>> -> memref<10240xf32, #tpu.memory_space<vmem_shared>>
      tpu.enqueue_indirect_dma source(%arg15 : memref<80xf32, #tpu.memory_space<vmem>>) target(%dma_start3A_247 : memref<10240xf32, #tpu.memory_space<vmem_shared>>) offsets(%dma_start3A_245 : memref<80xi32, #tpu.memory_space<vmem>>) semaphore(%arg27 : memref<!tpu.dma_semaphore, #tpu.memory_space<semaphore_mem>>) {add = true}
      %dma_start3A_248 = arith.constant 1 : i32
      %dma_start3A_249 = arith.constant 0 : i32
      %dma_start3A_250 = tpu.memref_slice %arg10[%dma_start3A_248, %dma_start3A_249] : memref<132x80xi32, #tpu.memory_space<vmem>> -> memref<1x80xi32, #tpu.memory_space<vmem>>
      %dma_start3A_251 = tpu.memref_squeeze %dma_start3A_250 : memref<1x80xi32, #tpu.memory_space<vmem>> -> memref<80xi32, #tpu.memory_space<vmem>>
      %dma_start3A_252 = arith.constant 0 : i32
      %dma_start3A_253 = arith.constant 0 : i32
      %dma_start3A_254 = tpu.memref_slice %arg17[%dma_start3A_252, %dma_start3A_253] : memref<10240x64xf32, #tpu.memory_space<vmem_shared>> -> memref<10240x64xf32, #tpu.memory_space<vmem_shared>>
      tpu.enqueue_indirect_dma source(%arg12 : memref<80x64xf32, #tpu.memory_space<vmem>>) target(%dma_start3A_254 : memref<10240x64xf32, #tpu.memory_space<vmem_shared>>) offsets(%dma_start3A_251 : memref<80xi32, #tpu.memory_space<vmem>>) semaphore(%arg24 : memref<!tpu.dma_semaphore, #tpu.memory_space<semaphore_mem>>) {add = true}
      %dma_start3A_255 = arith.constant 3 : i32
      %dma_start3A_256 = arith.constant 0 : i32
      %dma_start3A_257 = tpu.memref_slice %arg9[%dma_start3A_255, %dma_start3A_256] : memref<132x80xi32, #tpu.memory_space<vmem>> -> memref<1x80xi32, #tpu.memory_space<vmem>>
      %dma_start3A_258 = tpu.memref_squeeze %dma_start3A_257 : memref<1x80xi32, #tpu.memory_space<vmem>> -> memref<80xi32, #tpu.memory_space<vmem>>
      %dma_start3A_259 = arith.constant 0 : i32
      %dma_start3A_260 = arith.constant 0 : i32
      %dma_start3A_261 = tpu.memref_slice %arg16[%dma_start3A_259, %dma_start3A_260] : memref<10000x64xf32, #tpu.memory_space<vmem_shared>> -> memref<10000x64xf32, #tpu.memory_space<vmem_shared>>
      tpu.enqueue_indirect_dma source(%dma_start3A_261 : memref<10000x64xf32, #tpu.memory_space<vmem_shared>>) target(%arg14 : memref<80x64xf32, #tpu.memory_space<vmem>>) offsets(%dma_start3A_258 : memref<80xi32, #tpu.memory_space<vmem>>) semaphore(%arg22 : memref<!tpu.dma_semaphore, #tpu.memory_space<semaphore_mem>>)
      %scan3A_262 = arith.constant 0 : i32
      %scan3A_263 = arith.constant 0 : i32
      %scan3A_264 = arith.constant 32 : i32
      %scan3A_265 = arith.addi %scan3A_263, %scan3A_264 : i32
      %scan3A_266 = arith.constant 1 : i32
      scf.for %scan3A_308 = %scan3A_263 to %scan3A_265 step %scan3A_266  : i32 {
        %mul3A_309 = arith.constant 4 : i32
        %mul3A_310 = arith.muli %mul3A_309, %scan3A_308 : i32
        %add3A_311 = arith.constant 2 : i32
        %add3A_312 = arith.addi %mul3A_310, %add3A_311 : i32
        %dma_wait3A_313 = arith.constant 0 : i32
        %dma_wait3A_314 = tpu.memref_slice %arg9[%add3A_312, %dma_wait3A_313] : memref<132x80xi32, #tpu.memory_space<vmem>> -> memref<1x80xi32, #tpu.memory_space<vmem>>
        %dma_wait3A_315 = tpu.memref_squeeze %dma_wait3A_314 : memref<1x80xi32, #tpu.memory_space<vmem>> -> memref<80xi32, #tpu.memory_space<vmem>>
        %dma_wait3A_316 = arith.constant 0 : i32
        %dma_wait3A_317 = arith.constant 0 : i32
        %dma_wait3A_318 = tpu.memref_slice %arg16[%dma_wait3A_316, %dma_wait3A_317] : memref<10000x64xf32, #tpu.memory_space<vmem_shared>> -> memref<10000x64xf32, #tpu.memory_space<vmem_shared>>
        tpu.wait_indirect_dma semaphore(%arg21 : memref<!tpu.dma_semaphore, #tpu.memory_space<semaphore_mem>>) src(%dma_wait3A_318 : memref<10000x64xf32, #tpu.memory_space<vmem_shared>>) dst(%arg13 : memref<80x64xf32, #tpu.memory_space<vmem>>)
        %dma_start3A_319 = arith.constant 0 : i32
        %dma_start3A_320 = tpu.memref_slice %arg10[%add3A_312, %dma_start3A_319] : memref<132x80xi32, #tpu.memory_space<vmem>> -> memref<1x80xi32, #tpu.memory_space<vmem>>
        %dma_start3A_321 = tpu.memref_squeeze %dma_start3A_320 : memref<1x80xi32, #tpu.memory_space<vmem>> -> memref<80xi32, #tpu.memory_space<vmem>>
        %dma_start3A_322 = arith.constant 0 : i32
        %dma_start3A_323 = tpu.memref_slice %arg18[%dma_start3A_322] : memref<10240xf32, #tpu.memory_space<vmem_shared>> -> memref<10240xf32, #tpu.memory_space<vmem_shared>>
        tpu.enqueue_indirect_dma source(%arg15 : memref<80xf32, #tpu.memory_space<vmem>>) target(%dma_start3A_323 : memref<10240xf32, #tpu.memory_space<vmem_shared>>) offsets(%dma_start3A_321 : memref<80xi32, #tpu.memory_space<vmem>>) semaphore(%arg27 : memref<!tpu.dma_semaphore, #tpu.memory_space<semaphore_mem>>) {add = true}
        %sub3A = arith.constant 2 : i32
        %sub3A_324 = arith.subi %add3A_312, %sub3A : i32
        %dma_wait3A_325 = arith.constant 0 : i32
        %dma_wait3A_326 = tpu.memref_slice %arg10[%sub3A_324, %dma_wait3A_325] : memref<132x80xi32, #tpu.memory_space<vmem>> -> memref<1x80xi32, #tpu.memory_space<vmem>>
        %dma_wait3A_327 = tpu.memref_squeeze %dma_wait3A_326 : memref<1x80xi32, #tpu.memory_space<vmem>> -> memref<80xi32, #tpu.memory_space<vmem>>
        %dma_wait3A_328 = arith.constant 0 : i32
        %dma_wait3A_329 = tpu.memref_slice %arg18[%dma_wait3A_328] : memref<10240xf32, #tpu.memory_space<vmem_shared>> -> memref<10240xf32, #tpu.memory_space<vmem_shared>>
        tpu.wait_indirect_dma semaphore(%arg27 : memref<!tpu.dma_semaphore, #tpu.memory_space<semaphore_mem>>) src(%arg15 : memref<80xf32, #tpu.memory_space<vmem>>) dst(%dma_wait3A_329 : memref<10240xf32, #tpu.memory_space<vmem_shared>>)
        %dma_start3A_330 = arith.constant 0 : i32
        %dma_start3A_331 = tpu.memref_slice %arg10[%add3A_312, %dma_start3A_330] : memref<132x80xi32, #tpu.memory_space<vmem>> -> memref<1x80xi32, #tpu.memory_space<vmem>>
        %dma_start3A_332 = tpu.memref_squeeze %dma_start3A_331 : memref<1x80xi32, #tpu.memory_space<vmem>> -> memref<80xi32, #tpu.memory_space<vmem>>
        %dma_start3A_333 = arith.constant 0 : i32
        %dma_start3A_334 = arith.constant 0 : i32
        %dma_start3A_335 = tpu.memref_slice %arg17[%dma_start3A_333, %dma_start3A_334] : memref<10240x64xf32, #tpu.memory_space<vmem_shared>> -> memref<10240x64xf32, #tpu.memory_space<vmem_shared>>
        tpu.enqueue_indirect_dma source(%arg13 : memref<80x64xf32, #tpu.memory_space<vmem>>) target(%dma_start3A_335 : memref<10240x64xf32, #tpu.memory_space<vmem_shared>>) offsets(%dma_start3A_332 : memref<80xi32, #tpu.memory_space<vmem>>) semaphore(%arg25 : memref<!tpu.dma_semaphore, #tpu.memory_space<semaphore_mem>>) {add = true}
        %sub3A_336 = arith.constant 2 : i32
        %sub3A_337 = arith.subi %add3A_312, %sub3A_336 : i32
        %dma_wait3A_338 = arith.constant 0 : i32
        %dma_wait3A_339 = tpu.memref_slice %arg10[%sub3A_337, %dma_wait3A_338] : memref<132x80xi32, #tpu.memory_space<vmem>> -> memref<1x80xi32, #tpu.memory_space<vmem>>
        %dma_wait3A_340 = tpu.memref_squeeze %dma_wait3A_339 : memref<1x80xi32, #tpu.memory_space<vmem>> -> memref<80xi32, #tpu.memory_space<vmem>>
        %dma_wait3A_341 = arith.constant 0 : i32
        %dma_wait3A_342 = arith.constant 0 : i32
        %dma_wait3A_343 = tpu.memref_slice %arg17[%dma_wait3A_341, %dma_wait3A_342] : memref<10240x64xf32, #tpu.memory_space<vmem_shared>> -> memref<10240x64xf32, #tpu.memory_space<vmem_shared>>
        tpu.wait_indirect_dma semaphore(%arg23 : memref<!tpu.dma_semaphore, #tpu.memory_space<semaphore_mem>>) src(%arg11 : memref<80x64xf32, #tpu.memory_space<vmem>>) dst(%dma_wait3A_343 : memref<10240x64xf32, #tpu.memory_space<vmem_shared>>)
        %add3A_344 = arith.constant 2 : i32
        %add3A_345 = arith.addi %add3A_312, %add3A_344 : i32
        %dma_start3A_346 = arith.constant 0 : i32
        %dma_start3A_347 = tpu.memref_slice %arg9[%add3A_345, %dma_start3A_346] : memref<132x80xi32, #tpu.memory_space<vmem>> -> memref<1x80xi32, #tpu.memory_space<vmem>>
        %dma_start3A_348 = tpu.memref_squeeze %dma_start3A_347 : memref<1x80xi32, #tpu.memory_space<vmem>> -> memref<80xi32, #tpu.memory_space<vmem>>
        %dma_start3A_349 = arith.constant 0 : i32
        %dma_start3A_350 = arith.constant 0 : i32
        %dma_start3A_351 = tpu.memref_slice %arg16[%dma_start3A_349, %dma_start3A_350] : memref<10000x64xf32, #tpu.memory_space<vmem_shared>> -> memref<10000x64xf32, #tpu.memory_space<vmem_shared>>
        tpu.enqueue_indirect_dma source(%dma_start3A_351 : memref<10000x64xf32, #tpu.memory_space<vmem_shared>>) target(%arg11 : memref<80x64xf32, #tpu.memory_space<vmem>>) offsets(%dma_start3A_348 : memref<80xi32, #tpu.memory_space<vmem>>) semaphore(%arg19 : memref<!tpu.dma_semaphore, #tpu.memory_space<semaphore_mem>>)
        %add3A_352 = arith.constant 1 : i32
        %add3A_353 = arith.addi %add3A_312, %add3A_352 : i32
        %dma_wait3A_354 = arith.constant 0 : i32
        %dma_wait3A_355 = tpu.memref_slice %arg9[%add3A_353, %dma_wait3A_354] : memref<132x80xi32, #tpu.memory_space<vmem>> -> memref<1x80xi32, #tpu.memory_space<vmem>>
        %dma_wait3A_356 = tpu.memref_squeeze %dma_wait3A_355 : memref<1x80xi32, #tpu.memory_space<vmem>> -> memref<80xi32, #tpu.memory_space<vmem>>
        %dma_wait3A_357 = arith.constant 0 : i32
        %dma_wait3A_358 = arith.constant 0 : i32
        %dma_wait3A_359 = tpu.memref_slice %arg16[%dma_wait3A_357, %dma_wait3A_358] : memref<10000x64xf32, #tpu.memory_space<vmem_shared>> -> memref<10000x64xf32, #tpu.memory_space<vmem_shared>>
        tpu.wait_indirect_dma semaphore(%arg22 : memref<!tpu.dma_semaphore, #tpu.memory_space<semaphore_mem>>) src(%dma_wait3A_359 : memref<10000x64xf32, #tpu.memory_space<vmem_shared>>) dst(%arg14 : memref<80x64xf32, #tpu.memory_space<vmem>>)
        %dma_start3A_360 = arith.constant 0 : i32
        %dma_start3A_361 = tpu.memref_slice %arg10[%add3A_353, %dma_start3A_360] : memref<132x80xi32, #tpu.memory_space<vmem>> -> memref<1x80xi32, #tpu.memory_space<vmem>>
        %dma_start3A_362 = tpu.memref_squeeze %dma_start3A_361 : memref<1x80xi32, #tpu.memory_space<vmem>> -> memref<80xi32, #tpu.memory_space<vmem>>
        %dma_start3A_363 = arith.constant 0 : i32
        %dma_start3A_364 = tpu.memref_slice %arg18[%dma_start3A_363] : memref<10240xf32, #tpu.memory_space<vmem_shared>> -> memref<10240xf32, #tpu.memory_space<vmem_shared>>
        tpu.enqueue_indirect_dma source(%arg15 : memref<80xf32, #tpu.memory_space<vmem>>) target(%dma_start3A_364 : memref<10240xf32, #tpu.memory_space<vmem_shared>>) offsets(%dma_start3A_362 : memref<80xi32, #tpu.memory_space<vmem>>) semaphore(%arg27 : memref<!tpu.dma_semaphore, #tpu.memory_space<semaphore_mem>>) {add = true}
        %sub3A_365 = arith.constant 2 : i32
        %sub3A_366 = arith.subi %add3A_353, %sub3A_365 : i32
        %dma_wait3A_367 = arith.constant 0 : i32
        %dma_wait3A_368 = tpu.memref_slice %arg10[%sub3A_366, %dma_wait3A_367] : memref<132x80xi32, #tpu.memory_space<vmem>> -> memref<1x80xi32, #tpu.memory_space<vmem>>
        %dma_wait3A_369 = tpu.memref_squeeze %dma_wait3A_368 : memref<1x80xi32, #tpu.memory_space<vmem>> -> memref<80xi32, #tpu.memory_space<vmem>>
        %dma_wait3A_370 = arith.constant 0 : i32
        %dma_wait3A_371 = tpu.memref_slice %arg18[%dma_wait3A_370] : memref<10240xf32, #tpu.memory_space<vmem_shared>> -> memref<10240xf32, #tpu.memory_space<vmem_shared>>
        tpu.wait_indirect_dma semaphore(%arg27 : memref<!tpu.dma_semaphore, #tpu.memory_space<semaphore_mem>>) src(%arg15 : memref<80xf32, #tpu.memory_space<vmem>>) dst(%dma_wait3A_371 : memref<10240xf32, #tpu.memory_space<vmem_shared>>)
        %dma_start3A_372 = arith.constant 0 : i32
        %dma_start3A_373 = tpu.memref_slice %arg10[%add3A_353, %dma_start3A_372] : memref<132x80xi32, #tpu.memory_space<vmem>> -> memref<1x80xi32, #tpu.memory_space<vmem>>
        %dma_start3A_374 = tpu.memref_squeeze %dma_start3A_373 : memref<1x80xi32, #tpu.memory_space<vmem>> -> memref<80xi32, #tpu.memory_space<vmem>>
        %dma_start3A_375 = arith.constant 0 : i32
        %dma_start3A_376 = arith.constant 0 : i32
        %dma_start3A_377 = tpu.memref_slice %arg17[%dma_start3A_375, %dma_start3A_376] : memref<10240x64xf32, #tpu.memory_space<vmem_shared>> -> memref<10240x64xf32, #tpu.memory_space<vmem_shared>>
        tpu.enqueue_indirect_dma source(%arg14 : memref<80x64xf32, #tpu.memory_space<vmem>>) target(%dma_start3A_377 : memref<10240x64xf32, #tpu.memory_space<vmem_shared>>) offsets(%dma_start3A_374 : memref<80xi32, #tpu.memory_space<vmem>>) semaphore(%arg26 : memref<!tpu.dma_semaphore, #tpu.memory_space<semaphore_mem>>) {add = true}
        %sub3A_378 = arith.constant 2 : i32
        %sub3A_379 = arith.subi %add3A_353, %sub3A_378 : i32
        %dma_wait3A_380 = arith.constant 0 : i32
        %dma_wait3A_381 = tpu.memref_slice %arg10[%sub3A_379, %dma_wait3A_380] : memref<132x80xi32, #tpu.memory_space<vmem>> -> memref<1x80xi32, #tpu.memory_space<vmem>>
        %dma_wait3A_382 = tpu.memref_squeeze %dma_wait3A_381 : memref<1x80xi32, #tpu.memory_space<vmem>> -> memref<80xi32, #tpu.memory_space<vmem>>
        %dma_wait3A_383 = arith.constant 0 : i32
        %dma_wait3A_384 = arith.constant 0 : i32
        %dma_wait3A_385 = tpu.memref_slice %arg17[%dma_wait3A_383, %dma_wait3A_384] : memref<10240x64xf32, #tpu.memory_space<vmem_shared>> -> memref<10240x64xf32, #tpu.memory_space<vmem_shared>>
        tpu.wait_indirect_dma semaphore(%arg24 : memref<!tpu.dma_semaphore, #tpu.memory_space<semaphore_mem>>) src(%arg12 : memref<80x64xf32, #tpu.memory_space<vmem>>) dst(%dma_wait3A_385 : memref<10240x64xf32, #tpu.memory_space<vmem_shared>>)
        %add3A_386 = arith.constant 2 : i32
        %add3A_387 = arith.addi %add3A_353, %add3A_386 : i32
        %dma_start3A_388 = arith.constant 0 : i32
        %dma_start3A_389 = tpu.memref_slice %arg9[%add3A_387, %dma_start3A_388] : memref<132x80xi32, #tpu.memory_space<vmem>> -> memref<1x80xi32, #tpu.memory_space<vmem>>
        %dma_start3A_390 = tpu.memref_squeeze %dma_start3A_389 : memref<1x80xi32, #tpu.memory_space<vmem>> -> memref<80xi32, #tpu.memory_space<vmem>>
        %dma_start3A_391 = arith.constant 0 : i32
        %dma_start3A_392 = arith.constant 0 : i32
        %dma_start3A_393 = tpu.memref_slice %arg16[%dma_start3A_391, %dma_start3A_392] : memref<10000x64xf32, #tpu.memory_space<vmem_shared>> -> memref<10000x64xf32, #tpu.memory_space<vmem_shared>>
        tpu.enqueue_indirect_dma source(%dma_start3A_393 : memref<10000x64xf32, #tpu.memory_space<vmem_shared>>) target(%arg12 : memref<80x64xf32, #tpu.memory_space<vmem>>) offsets(%dma_start3A_390 : memref<80xi32, #tpu.memory_space<vmem>>) semaphore(%arg20 : memref<!tpu.dma_semaphore, #tpu.memory_space<semaphore_mem>>)
        %add3A_394 = arith.constant 2 : i32
        %add3A_395 = arith.addi %add3A_312, %add3A_394 : i32
        %dma_wait3A_396 = arith.constant 0 : i32
        %dma_wait3A_397 = tpu.memref_slice %arg9[%add3A_395, %dma_wait3A_396] : memref<132x80xi32, #tpu.memory_space<vmem>> -> memref<1x80xi32, #tpu.memory_space<vmem>>
        %dma_wait3A_398 = tpu.memref_squeeze %dma_wait3A_397 : memref<1x80xi32, #tpu.memory_space<vmem>> -> memref<80xi32, #tpu.memory_space<vmem>>
        %dma_wait3A_399 = arith.constant 0 : i32
        %dma_wait3A_400 = arith.constant 0 : i32
        %dma_wait3A_401 = tpu.memref_slice %arg16[%dma_wait3A_399, %dma_wait3A_400] : memref<10000x64xf32, #tpu.memory_space<vmem_shared>> -> memref<10000x64xf32, #tpu.memory_space<vmem_shared>>
        tpu.wait_indirect_dma semaphore(%arg19 : memref<!tpu.dma_semaphore, #tpu.memory_space<semaphore_mem>>) src(%dma_wait3A_401 : memref<10000x64xf32, #tpu.memory_space<vmem_shared>>) dst(%arg11 : memref<80x64xf32, #tpu.memory_space<vmem>>)
        %dma_start3A_402 = arith.constant 0 : i32
        %dma_start3A_403 = tpu.memref_slice %arg10[%add3A_395, %dma_start3A_402] : memref<132x80xi32, #tpu.memory_space<vmem>> -> memref<1x80xi32, #tpu.memory_space<vmem>>
        %dma_start3A_404 = tpu.memref_squeeze %dma_start3A_403 : memref<1x80xi32, #tpu.memory_space<vmem>> -> memref<80xi32, #tpu.memory_space<vmem>>
        %dma_start3A_405 = arith.constant 0 : i32
        %dma_start3A_406 = tpu.memref_slice %arg18[%dma_start3A_405] : memref<10240xf32, #tpu.memory_space<vmem_shared>> -> memref<10240xf32, #tpu.memory_space<vmem_shared>>
        tpu.enqueue_indirect_dma source(%arg15 : memref<80xf32, #tpu.memory_space<vmem>>) target(%dma_start3A_406 : memref<10240xf32, #tpu.memory_space<vmem_shared>>) offsets(%dma_start3A_404 : memref<80xi32, #tpu.memory_space<vmem>>) semaphore(%arg27 : memref<!tpu.dma_semaphore, #tpu.memory_space<semaphore_mem>>) {add = true}
        %sub3A_407 = arith.constant 2 : i32
        %sub3A_408 = arith.subi %add3A_395, %sub3A_407 : i32
        %dma_wait3A_409 = arith.constant 0 : i32
        %dma_wait3A_410 = tpu.memref_slice %arg10[%sub3A_408, %dma_wait3A_409] : memref<132x80xi32, #tpu.memory_space<vmem>> -> memref<1x80xi32, #tpu.memory_space<vmem>>
        %dma_wait3A_411 = tpu.memref_squeeze %dma_wait3A_410 : memref<1x80xi32, #tpu.memory_space<vmem>> -> memref<80xi32, #tpu.memory_space<vmem>>
        %dma_wait3A_412 = arith.constant 0 : i32
        %dma_wait3A_413 = tpu.memref_slice %arg18[%dma_wait3A_412] : memref<10240xf32, #tpu.memory_space<vmem_shared>> -> memref<10240xf32, #tpu.memory_space<vmem_shared>>
        tpu.wait_indirect_dma semaphore(%arg27 : memref<!tpu.dma_semaphore, #tpu.memory_space<semaphore_mem>>) src(%arg15 : memref<80xf32, #tpu.memory_space<vmem>>) dst(%dma_wait3A_413 : memref<10240xf32, #tpu.memory_space<vmem_shared>>)
        %dma_start3A_414 = arith.constant 0 : i32
        %dma_start3A_415 = tpu.memref_slice %arg10[%add3A_395, %dma_start3A_414] : memref<132x80xi32, #tpu.memory_space<vmem>> -> memref<1x80xi32, #tpu.memory_space<vmem>>
        %dma_start3A_416 = tpu.memref_squeeze %dma_start3A_415 : memref<1x80xi32, #tpu.memory_space<vmem>> -> memref<80xi32, #tpu.memory_space<vmem>>
        %dma_start3A_417 = arith.constant 0 : i32
        %dma_start3A_418 = arith.constant 0 : i32
        %dma_start3A_419 = tpu.memref_slice %arg17[%dma_start3A_417, %dma_start3A_418] : memref<10240x64xf32, #tpu.memory_space<vmem_shared>> -> memref<10240x64xf32, #tpu.memory_space<vmem_shared>>
        tpu.enqueue_indirect_dma source(%arg11 : memref<80x64xf32, #tpu.memory_space<vmem>>) target(%dma_start3A_419 : memref<10240x64xf32, #tpu.memory_space<vmem_shared>>) offsets(%dma_start3A_416 : memref<80xi32, #tpu.memory_space<vmem>>) semaphore(%arg23 : memref<!tpu.dma_semaphore, #tpu.memory_space<semaphore_mem>>) {add = true}
        %sub3A_420 = arith.constant 2 : i32
        %sub3A_421 = arith.subi %add3A_395, %sub3A_420 : i32
        %dma_wait3A_422 = arith.constant 0 : i32
        %dma_wait3A_423 = tpu.memref_slice %arg10[%sub3A_421, %dma_wait3A_422] : memref<132x80xi32, #tpu.memory_space<vmem>> -> memref<1x80xi32, #tpu.memory_space<vmem>>
        %dma_wait3A_424 = tpu.memref_squeeze %dma_wait3A_423 : memref<1x80xi32, #tpu.memory_space<vmem>> -> memref<80xi32, #tpu.memory_space<vmem>>
        %dma_wait3A_425 = arith.constant 0 : i32
        %dma_wait3A_426 = arith.constant 0 : i32
        %dma_wait3A_427 = tpu.memref_slice %arg17[%dma_wait3A_425, %dma_wait3A_426] : memref<10240x64xf32, #tpu.memory_space<vmem_shared>> -> memref<10240x64xf32, #tpu.memory_space<vmem_shared>>
        tpu.wait_indirect_dma semaphore(%arg25 : memref<!tpu.dma_semaphore, #tpu.memory_space<semaphore_mem>>) src(%arg13 : memref<80x64xf32, #tpu.memory_space<vmem>>) dst(%dma_wait3A_427 : memref<10240x64xf32, #tpu.memory_space<vmem_shared>>)
        %add3A_428 = arith.constant 2 : i32
        %add3A_429 = arith.addi %add3A_395, %add3A_428 : i32
        %dma_start3A_430 = arith.constant 0 : i32
        %dma_start3A_431 = tpu.memref_slice %arg9[%add3A_429, %dma_start3A_430] : memref<132x80xi32, #tpu.memory_space<vmem>> -> memref<1x80xi32, #tpu.memory_space<vmem>>
        %dma_start3A_432 = tpu.memref_squeeze %dma_start3A_431 : memref<1x80xi32, #tpu.memory_space<vmem>> -> memref<80xi32, #tpu.memory_space<vmem>>
        %dma_start3A_433 = arith.constant 0 : i32
        %dma_start3A_434 = arith.constant 0 : i32
        %dma_start3A_435 = tpu.memref_slice %arg16[%dma_start3A_433, %dma_start3A_434] : memref<10000x64xf32, #tpu.memory_space<vmem_shared>> -> memref<10000x64xf32, #tpu.memory_space<vmem_shared>>
        tpu.enqueue_indirect_dma source(%dma_start3A_435 : memref<10000x64xf32, #tpu.memory_space<vmem_shared>>) target(%arg13 : memref<80x64xf32, #tpu.memory_space<vmem>>) offsets(%dma_start3A_432 : memref<80xi32, #tpu.memory_space<vmem>>) semaphore(%arg21 : memref<!tpu.dma_semaphore, #tpu.memory_space<semaphore_mem>>)
        %add3A_436 = arith.constant 3 : i32
        %add3A_437 = arith.addi %add3A_312, %add3A_436 : i32
        %dma_wait3A_438 = arith.constant 0 : i32
        %dma_wait3A_439 = tpu.memref_slice %arg9[%add3A_437, %dma_wait3A_438] : memref<132x80xi32, #tpu.memory_space<vmem>> -> memref<1x80xi32, #tpu.memory_space<vmem>>
        %dma_wait3A_440 = tpu.memref_squeeze %dma_wait3A_439 : memref<1x80xi32, #tpu.memory_space<vmem>> -> memref<80xi32, #tpu.memory_space<vmem>>
        %dma_wait3A_441 = arith.constant 0 : i32
        %dma_wait3A_442 = arith.constant 0 : i32
        %dma_wait3A_443 = tpu.memref_slice %arg16[%dma_wait3A_441, %dma_wait3A_442] : memref<10000x64xf32, #tpu.memory_space<vmem_shared>> -> memref<10000x64xf32, #tpu.memory_space<vmem_shared>>
        tpu.wait_indirect_dma semaphore(%arg20 : memref<!tpu.dma_semaphore, #tpu.memory_space<semaphore_mem>>) src(%dma_wait3A_443 : memref<10000x64xf32, #tpu.memory_space<vmem_shared>>) dst(%arg12 : memref<80x64xf32, #tpu.memory_space<vmem>>)
        %dma_start3A_444 = arith.constant 0 : i32
        %dma_start3A_445 = tpu.memref_slice %arg10[%add3A_437, %dma_start3A_444] : memref<132x80xi32, #tpu.memory_space<vmem>> -> memref<1x80xi32, #tpu.memory_space<vmem>>
        %dma_start3A_446 = tpu.memref_squeeze %dma_start3A_445 : memref<1x80xi32, #tpu.memory_space<vmem>> -> memref<80xi32, #tpu.memory_space<vmem>>
        %dma_start3A_447 = arith.constant 0 : i32
        %dma_start3A_448 = tpu.memref_slice %arg18[%dma_start3A_447] : memref<10240xf32, #tpu.memory_space<vmem_shared>> -> memref<10240xf32, #tpu.memory_space<vmem_shared>>
        tpu.enqueue_indirect_dma source(%arg15 : memref<80xf32, #tpu.memory_space<vmem>>) target(%dma_start3A_448 : memref<10240xf32, #tpu.memory_space<vmem_shared>>) offsets(%dma_start3A_446 : memref<80xi32, #tpu.memory_space<vmem>>) semaphore(%arg27 : memref<!tpu.dma_semaphore, #tpu.memory_space<semaphore_mem>>) {add = true}
        %sub3A_449 = arith.constant 2 : i32
        %sub3A_450 = arith.subi %add3A_437, %sub3A_449 : i32
        %dma_wait3A_451 = arith.constant 0 : i32
        %dma_wait3A_452 = tpu.memref_slice %arg10[%sub3A_450, %dma_wait3A_451] : memref<132x80xi32, #tpu.memory_space<vmem>> -> memref<1x80xi32, #tpu.memory_space<vmem>>
        %dma_wait3A_453 = tpu.memref_squeeze %dma_wait3A_452 : memref<1x80xi32, #tpu.memory_space<vmem>> -> memref<80xi32, #tpu.memory_space<vmem>>
        %dma_wait3A_454 = arith.constant 0 : i32
        %dma_wait3A_455 = tpu.memref_slice %arg18[%dma_wait3A_454] : memref<10240xf32, #tpu.memory_space<vmem_shared>> -> memref<10240xf32, #tpu.memory_space<vmem_shared>>
        tpu.wait_indirect_dma semaphore(%arg27 : memref<!tpu.dma_semaphore, #tpu.memory_space<semaphore_mem>>) src(%arg15 : memref<80xf32, #tpu.memory_space<vmem>>) dst(%dma_wait3A_455 : memref<10240xf32, #tpu.memory_space<vmem_shared>>)
        %dma_start3A_456 = arith.constant 0 : i32
        %dma_start3A_457 = tpu.memref_slice %arg10[%add3A_437, %dma_start3A_456] : memref<132x80xi32, #tpu.memory_space<vmem>> -> memref<1x80xi32, #tpu.memory_space<vmem>>
        %dma_start3A_458 = tpu.memref_squeeze %dma_start3A_457 : memref<1x80xi32, #tpu.memory_space<vmem>> -> memref<80xi32, #tpu.memory_space<vmem>>
        %dma_start3A_459 = arith.constant 0 : i32
        %dma_start3A_460 = arith.constant 0 : i32
        %dma_start3A_461 = tpu.memref_slice %arg17[%dma_start3A_459, %dma_start3A_460] : memref<10240x64xf32, #tpu.memory_space<vmem_shared>> -> memref<10240x64xf32, #tpu.memory_space<vmem_shared>>
        tpu.enqueue_indirect_dma source(%arg12 : memref<80x64xf32, #tpu.memory_space<vmem>>) target(%dma_start3A_461 : memref<10240x64xf32, #tpu.memory_space<vmem_shared>>) offsets(%dma_start3A_458 : memref<80xi32, #tpu.memory_space<vmem>>) semaphore(%arg24 : memref<!tpu.dma_semaphore, #tpu.memory_space<semaphore_mem>>) {add = true}
        %sub3A_462 = arith.constant 2 : i32
        %sub3A_463 = arith.subi %add3A_437, %sub3A_462 : i32
        %dma_wait3A_464 = arith.constant 0 : i32
        %dma_wait3A_465 = tpu.memref_slice %arg10[%sub3A_463, %dma_wait3A_464] : memref<132x80xi32, #tpu.memory_space<vmem>> -> memref<1x80xi32, #tpu.memory_space<vmem>>
        %dma_wait3A_466 = tpu.memref_squeeze %dma_wait3A_465 : memref<1x80xi32, #tpu.memory_space<vmem>> -> memref<80xi32, #tpu.memory_space<vmem>>
        %dma_wait3A_467 = arith.constant 0 : i32
        %dma_wait3A_468 = arith.constant 0 : i32
        %dma_wait3A_469 = tpu.memref_slice %arg17[%dma_wait3A_467, %dma_wait3A_468] : memref<10240x64xf32, #tpu.memory_space<vmem_shared>> -> memref<10240x64xf32, #tpu.memory_space<vmem_shared>>
        tpu.wait_indirect_dma semaphore(%arg26 : memref<!tpu.dma_semaphore, #tpu.memory_space<semaphore_mem>>) src(%arg14 : memref<80x64xf32, #tpu.memory_space<vmem>>) dst(%dma_wait3A_469 : memref<10240x64xf32, #tpu.memory_space<vmem_shared>>)
        %add3A_470 = arith.constant 2 : i32
        %add3A_471 = arith.addi %add3A_437, %add3A_470 : i32
        %dma_start3A_472 = arith.constant 0 : i32
        %dma_start3A_473 = tpu.memref_slice %arg9[%add3A_471, %dma_start3A_472] : memref<132x80xi32, #tpu.memory_space<vmem>> -> memref<1x80xi32, #tpu.memory_space<vmem>>
        %dma_start3A_474 = tpu.memref_squeeze %dma_start3A_473 : memref<1x80xi32, #tpu.memory_space<vmem>> -> memref<80xi32, #tpu.memory_space<vmem>>
        %dma_start3A_475 = arith.constant 0 : i32
        %dma_start3A_476 = arith.constant 0 : i32
        %dma_start3A_477 = tpu.memref_slice %arg16[%dma_start3A_475, %dma_start3A_476] : memref<10000x64xf32, #tpu.memory_space<vmem_shared>> -> memref<10000x64xf32, #tpu.memory_space<vmem_shared>>
        tpu.enqueue_indirect_dma source(%dma_start3A_477 : memref<10000x64xf32, #tpu.memory_space<vmem_shared>>) target(%arg14 : memref<80x64xf32, #tpu.memory_space<vmem>>) offsets(%dma_start3A_474 : memref<80xi32, #tpu.memory_space<vmem>>) semaphore(%arg22 : memref<!tpu.dma_semaphore, #tpu.memory_space<semaphore_mem>>)
      }
      %scan3A_267 = arith.constant 32 : i32
      %dma_wait3A_268 = arith.constant 128 : i32
      %dma_wait3A_269 = arith.constant 0 : i32
      %dma_wait3A_270 = tpu.memref_slice %arg10[%dma_wait3A_268, %dma_wait3A_269] : memref<132x80xi32, #tpu.memory_space<vmem>> -> memref<1x80xi32, #tpu.memory_space<vmem>>
      %dma_wait3A_271 = tpu.memref_squeeze %dma_wait3A_270 : memref<1x80xi32, #tpu.memory_space<vmem>> -> memref<80xi32, #tpu.memory_space<vmem>>
      %dma_wait3A_272 = arith.constant 0 : i32
      %dma_wait3A_273 = tpu.memref_slice %arg18[%dma_wait3A_272] : memref<10240xf32, #tpu.memory_space<vmem_shared>> -> memref<10240xf32, #tpu.memory_space<vmem_shared>>
      tpu.wait_indirect_dma semaphore(%arg27 : memref<!tpu.dma_semaphore, #tpu.memory_space<semaphore_mem>>) src(%arg15 : memref<80xf32, #tpu.memory_space<vmem>>) dst(%dma_wait3A_273 : memref<10240xf32, #tpu.memory_space<vmem_shared>>)
      %dma_wait3A_274 = arith.constant 129 : i32
      %dma_wait3A_275 = arith.constant 0 : i32
      %dma_wait3A_276 = tpu.memref_slice %arg10[%dma_wait3A_274, %dma_wait3A_275] : memref<132x80xi32, #tpu.memory_space<vmem>> -> memref<1x80xi32, #tpu.memory_space<vmem>>
      %dma_wait3A_277 = tpu.memref_squeeze %dma_wait3A_276 : memref<1x80xi32, #tpu.memory_space<vmem>> -> memref<80xi32, #tpu.memory_space<vmem>>
      %dma_wait3A_278 = arith.constant 0 : i32
      %dma_wait3A_279 = tpu.memref_slice %arg18[%dma_wait3A_278] : memref<10240xf32, #tpu.memory_space<vmem_shared>> -> memref<10240xf32, #tpu.memory_space<vmem_shared>>
      tpu.wait_indirect_dma semaphore(%arg27 : memref<!tpu.dma_semaphore, #tpu.memory_space<semaphore_mem>>) src(%arg15 : memref<80xf32, #tpu.memory_space<vmem>>) dst(%dma_wait3A_279 : memref<10240xf32, #tpu.memory_space<vmem_shared>>)
      %dma_wait3A_280 = arith.constant 128 : i32
      %dma_wait3A_281 = arith.constant 0 : i32
      %dma_wait3A_282 = tpu.memref_slice %arg10[%dma_wait3A_280, %dma_wait3A_281] : memref<132x80xi32, #tpu.memory_space<vmem>> -> memref<1x80xi32, #tpu.memory_space<vmem>>
      %dma_wait3A_283 = tpu.memref_squeeze %dma_wait3A_282 : memref<1x80xi32, #tpu.memory_space<vmem>> -> memref<80xi32, #tpu.memory_space<vmem>>
      %dma_wait3A_284 = arith.constant 0 : i32
      %dma_wait3A_285 = arith.constant 0 : i32
      %dma_wait3A_286 = tpu.memref_slice %arg17[%dma_wait3A_284, %dma_wait3A_285] : memref<10240x64xf32, #tpu.memory_space<vmem_shared>> -> memref<10240x64xf32, #tpu.memory_space<vmem_shared>>
      tpu.wait_indirect_dma semaphore(%arg23 : memref<!tpu.dma_semaphore, #tpu.memory_space<semaphore_mem>>) src(%arg11 : memref<80x64xf32, #tpu.memory_space<vmem>>) dst(%dma_wait3A_286 : memref<10240x64xf32, #tpu.memory_space<vmem_shared>>)
      %dma_wait3A_287 = arith.constant 129 : i32
      %dma_wait3A_288 = arith.constant 0 : i32
      %dma_wait3A_289 = tpu.memref_slice %arg10[%dma_wait3A_287, %dma_wait3A_288] : memref<132x80xi32, #tpu.memory_space<vmem>> -> memref<1x80xi32, #tpu.memory_space<vmem>>
      %dma_wait3A_290 = tpu.memref_squeeze %dma_wait3A_289 : memref<1x80xi32, #tpu.memory_space<vmem>> -> memref<80xi32, #tpu.memory_space<vmem>>
      %dma_wait3A_291 = arith.constant 0 : i32
      %dma_wait3A_292 = arith.constant 0 : i32
      %dma_wait3A_293 = tpu.memref_slice %arg17[%dma_wait3A_291, %dma_wait3A_292] : memref<10240x64xf32, #tpu.memory_space<vmem_shared>> -> memref<10240x64xf32, #tpu.memory_space<vmem_shared>>
      tpu.wait_indirect_dma semaphore(%arg24 : memref<!tpu.dma_semaphore, #tpu.memory_space<semaphore_mem>>) src(%arg12 : memref<80x64xf32, #tpu.memory_space<vmem>>) dst(%dma_wait3A_293 : memref<10240x64xf32, #tpu.memory_space<vmem_shared>>)
      %dma_wait3A_294 = arith.constant 130 : i32
      %dma_wait3A_295 = arith.constant 0 : i32
      %dma_wait3A_296 = tpu.memref_slice %arg9[%dma_wait3A_294, %dma_wait3A_295] : memref<132x80xi32, #tpu.memory_space<vmem>> -> memref<1x80xi32, #tpu.memory_space<vmem>>
      %dma_wait3A_297 = tpu.memref_squeeze %dma_wait3A_296 : memref<1x80xi32, #tpu.memory_space<vmem>> -> memref<80xi32, #tpu.memory_space<vmem>>
      %dma_wait3A_298 = arith.constant 0 : i32
      %dma_wait3A_299 = arith.constant 0 : i32
      %dma_wait3A_300 = tpu.memref_slice %arg16[%dma_wait3A_298, %dma_wait3A_299] : memref<10000x64xf32, #tpu.memory_space<vmem_shared>> -> memref<10000x64xf32, #tpu.memory_space<vmem_shared>>
      tpu.wait_indirect_dma semaphore(%arg21 : memref<!tpu.dma_semaphore, #tpu.memory_space<semaphore_mem>>) src(%dma_wait3A_300 : memref<10000x64xf32, #tpu.memory_space<vmem_shared>>) dst(%arg13 : memref<80x64xf32, #tpu.memory_space<vmem>>)
      %dma_wait3A_301 = arith.constant 131 : i32
      %dma_wait3A_302 = arith.constant 0 : i32
      %dma_wait3A_303 = tpu.memref_slice %arg9[%dma_wait3A_301, %dma_wait3A_302] : memref<132x80xi32, #tpu.memory_space<vmem>> -> memref<1x80xi32, #tpu.memory_space<vmem>>
      %dma_wait3A_304 = tpu.memref_squeeze %dma_wait3A_303 : memref<1x80xi32, #tpu.memory_space<vmem>> -> memref<80xi32, #tpu.memory_space<vmem>>
      %dma_wait3A_305 = arith.constant 0 : i32
      %dma_wait3A_306 = arith.constant 0 : i32
      %dma_wait3A_307 = tpu.memref_slice %arg16[%dma_wait3A_305, %dma_wait3A_306] : memref<10000x64xf32, #tpu.memory_space<vmem_shared>> -> memref<10000x64xf32, #tpu.memory_space<vmem_shared>>
      tpu.wait_indirect_dma semaphore(%arg22 : memref<!tpu.dma_semaphore, #tpu.memory_space<semaphore_mem>>) src(%dma_wait3A_307 : memref<10000x64xf32, #tpu.memory_space<vmem_shared>>) dst(%arg14 : memref<80x64xf32, #tpu.memory_space<vmem>>)
    } else {
    }
    %eq3A_62 = arith.constant 1 : i32
    %eq3A_63 = arith.cmpi eq, %arg0, %eq3A_62 : i32
    %convert_element_type3A_64 = arith.extui %eq3A_63 : i1 to i32
    %cond3A_65 = arith.constant 0 : i32
    %cond3A_66 = arith.cmpi ne, %convert_element_type3A_64, %cond3A_65 : i32
    scf.if %cond3A_66 {
      %dma_start3A_194 = arith.constant 0 : i32
      %dma_start3A_195 = arith.constant 0 : i32
      %dma_start3A_196 = tpu.memref_slice %arg9[%dma_start3A_194, %dma_start3A_195] : memref<132x80xi32, #tpu.memory_space<vmem>> -> memref<1x80xi32, #tpu.memory_space<vmem>>
      %dma_start3A_197 = tpu.memref_squeeze %dma_start3A_196 : memref<1x80xi32, #tpu.memory_space<vmem>> -> memref<80xi32, #tpu.memory_space<vmem>>
      %dma_start3A_198 = arith.constant 0 : i32
      %dma_start3A_199 = arith.constant 0 : i32
      %dma_start3A_200 = tpu.memref_slice %arg16[%dma_start3A_198, %dma_start3A_199] : memref<10000x64xf32, #tpu.memory_space<vmem_shared>> -> memref<10000x64xf32, #tpu.memory_space<vmem_shared>>
      tpu.enqueue_indirect_dma source(%dma_start3A_200 : memref<10000x64xf32, #tpu.memory_space<vmem_shared>>) target(%arg11 : memref<80x64xf32, #tpu.memory_space<vmem>>) offsets(%dma_start3A_197 : memref<80xi32, #tpu.memory_space<vmem>>) semaphore(%arg19 : memref<!tpu.dma_semaphore, #tpu.memory_space<semaphore_mem>>)
      %dma_start3A_201 = arith.constant 1 : i32
      %dma_start3A_202 = arith.constant 0 : i32
      %dma_start3A_203 = tpu.memref_slice %arg9[%dma_start3A_201, %dma_start3A_202] : memref<132x80xi32, #tpu.memory_space<vmem>> -> memref<1x80xi32, #tpu.memory_space<vmem>>
      %dma_start3A_204 = tpu.memref_squeeze %dma_start3A_203 : memref<1x80xi32, #tpu.memory_space<vmem>> -> memref<80xi32, #tpu.memory_space<vmem>>
      %dma_start3A_205 = arith.constant 0 : i32
      %dma_start3A_206 = arith.constant 0 : i32
      %dma_start3A_207 = tpu.memref_slice %arg16[%dma_start3A_205, %dma_start3A_206] : memref<10000x64xf32, #tpu.memory_space<vmem_shared>> -> memref<10000x64xf32, #tpu.memory_space<vmem_shared>>
      tpu.enqueue_indirect_dma source(%dma_start3A_207 : memref<10000x64xf32, #tpu.memory_space<vmem_shared>>) target(%arg12 : memref<80x64xf32, #tpu.memory_space<vmem>>) offsets(%dma_start3A_204 : memref<80xi32, #tpu.memory_space<vmem>>) semaphore(%arg20 : memref<!tpu.dma_semaphore, #tpu.memory_space<semaphore_mem>>)
      %dma_wait3A_208 = arith.constant 0 : i32
      %dma_wait3A_209 = arith.constant 0 : i32
      %dma_wait3A_210 = tpu.memref_slice %arg9[%dma_wait3A_208, %dma_wait3A_209] : memref<132x80xi32, #tpu.memory_space<vmem>> -> memref<1x80xi32, #tpu.memory_space<vmem>>
      %dma_wait3A_211 = tpu.memref_squeeze %dma_wait3A_210 : memref<1x80xi32, #tpu.memory_space<vmem>> -> memref<80xi32, #tpu.memory_space<vmem>>
      %dma_wait3A_212 = arith.constant 0 : i32
      %dma_wait3A_213 = arith.constant 0 : i32
      %dma_wait3A_214 = tpu.memref_slice %arg16[%dma_wait3A_212, %dma_wait3A_213] : memref<10000x64xf32, #tpu.memory_space<vmem_shared>> -> memref<10000x64xf32, #tpu.memory_space<vmem_shared>>
      tpu.wait_indirect_dma semaphore(%arg19 : memref<!tpu.dma_semaphore, #tpu.memory_space<semaphore_mem>>) src(%dma_wait3A_214 : memref<10000x64xf32, #tpu.memory_space<vmem_shared>>) dst(%arg11 : memref<80x64xf32, #tpu.memory_space<vmem>>)
      %dma_start3A_215 = arith.constant 0 : i32
      %dma_start3A_216 = arith.constant 0 : i32
      %dma_start3A_217 = tpu.memref_slice %arg10[%dma_start3A_215, %dma_start3A_216] : memref<132x80xi32, #tpu.memory_space<vmem>> -> memref<1x80xi32, #tpu.memory_space<vmem>>
      %dma_start3A_218 = tpu.memref_squeeze %dma_start3A_217 : memref<1x80xi32, #tpu.memory_space<vmem>> -> memref<80xi32, #tpu.memory_space<vmem>>
      %dma_start3A_219 = arith.constant 0 : i32
      %dma_start3A_220 = arith.constant 0 : i32
      %dma_start3A_221 = tpu.memref_slice %arg17[%dma_start3A_219, %dma_start3A_220] : memref<10240x64xf32, #tpu.memory_space<vmem_shared>> -> memref<10240x64xf32, #tpu.memory_space<vmem_shared>>
      tpu.enqueue_indirect_dma source(%arg11 : memref<80x64xf32, #tpu.memory_space<vmem>>) target(%dma_start3A_221 : memref<10240x64xf32, #tpu.memory_space<vmem_shared>>) offsets(%dma_start3A_218 : memref<80xi32, #tpu.memory_space<vmem>>) semaphore(%arg23 : memref<!tpu.dma_semaphore, #tpu.memory_space<semaphore_mem>>) {add = true}
      %dma_start3A_222 = arith.constant 2 : i32
      %dma_start3A_223 = arith.constant 0 : i32
      %dma_start3A_224 = tpu.memref_slice %arg9[%dma_start3A_222, %dma_start3A_223] : memref<132x80xi32, #tpu.memory_space<vmem>> -> memref<1x80xi32, #tpu.memory_space<vmem>>
      %dma_start3A_225 = tpu.memref_squeeze %dma_start3A_224 : memref<1x80xi32, #tpu.memory_space<vmem>> -> memref<80xi32, #tpu.memory_space<vmem>>
      %dma_start3A_226 = arith.constant 0 : i32
      %dma_start3A_227 = arith.constant 0 : i32
      %dma_start3A_228 = tpu.memref_slice %arg16[%dma_start3A_226, %dma_start3A_227] : memref<10000x64xf32, #tpu.memory_space<vmem_shared>> -> memref<10000x64xf32, #tpu.memory_space<vmem_shared>>
      tpu.enqueue_indirect_dma source(%dma_start3A_228 : memref<10000x64xf32, #tpu.memory_space<vmem_shared>>) target(%arg13 : memref<80x64xf32, #tpu.memory_space<vmem>>) offsets(%dma_start3A_225 : memref<80xi32, #tpu.memory_space<vmem>>) semaphore(%arg21 : memref<!tpu.dma_semaphore, #tpu.memory_space<semaphore_mem>>)
      %dma_wait3A_229 = arith.constant 1 : i32
      %dma_wait3A_230 = arith.constant 0 : i32
      %dma_wait3A_231 = tpu.memref_slice %arg9[%dma_wait3A_229, %dma_wait3A_230] : memref<132x80xi32, #tpu.memory_space<vmem>> -> memref<1x80xi32, #tpu.memory_space<vmem>>
      %dma_wait3A_232 = tpu.memref_squeeze %dma_wait3A_231 : memref<1x80xi32, #tpu.memory_space<vmem>> -> memref<80xi32, #tpu.memory_space<vmem>>
      %dma_wait3A_233 = arith.constant 0 : i32
      %dma_wait3A_234 = arith.constant 0 : i32
      %dma_wait3A_235 = tpu.memref_slice %arg16[%dma_wait3A_233, %dma_wait3A_234] : memref<10000x64xf32, #tpu.memory_space<vmem_shared>> -> memref<10000x64xf32, #tpu.memory_space<vmem_shared>>
      tpu.wait_indirect_dma semaphore(%arg20 : memref<!tpu.dma_semaphore, #tpu.memory_space<semaphore_mem>>) src(%dma_wait3A_235 : memref<10000x64xf32, #tpu.memory_space<vmem_shared>>) dst(%arg12 : memref<80x64xf32, #tpu.memory_space<vmem>>)
      %dma_start3A_236 = arith.constant 1 : i32
      %dma_start3A_237 = arith.constant 0 : i32
      %dma_start3A_238 = tpu.memref_slice %arg10[%dma_start3A_236, %dma_start3A_237] : memref<132x80xi32, #tpu.memory_space<vmem>> -> memref<1x80xi32, #tpu.memory_space<vmem>>
      %dma_start3A_239 = tpu.memref_squeeze %dma_start3A_238 : memref<1x80xi32, #tpu.memory_space<vmem>> -> memref<80xi32, #tpu.memory_space<vmem>>
      %dma_start3A_240 = arith.constant 0 : i32
      %dma_start3A_241 = arith.constant 0 : i32
      %dma_start3A_242 = tpu.memref_slice %arg17[%dma_start3A_240, %dma_start3A_241] : memref<10240x64xf32, #tpu.memory_space<vmem_shared>> -> memref<10240x64xf32, #tpu.memory_space<vmem_shared>>
      tpu.enqueue_indirect_dma source(%arg12 : memref<80x64xf32, #tpu.memory_space<vmem>>) target(%dma_start3A_242 : memref<10240x64xf32, #tpu.memory_space<vmem_shared>>) offsets(%dma_start3A_239 : memref<80xi32, #tpu.memory_space<vmem>>) semaphore(%arg24 : memref<!tpu.dma_semaphore, #tpu.memory_space<semaphore_mem>>) {add = true}
      %dma_start3A_243 = arith.constant 3 : i32
      %dma_start3A_244 = arith.constant 0 : i32
      %dma_start3A_245 = tpu.memref_slice %arg9[%dma_start3A_243, %dma_start3A_244] : memref<132x80xi32, #tpu.memory_space<vmem>> -> memref<1x80xi32, #tpu.memory_space<vmem>>
      %dma_start3A_246 = tpu.memref_squeeze %dma_start3A_245 : memref<1x80xi32, #tpu.memory_space<vmem>> -> memref<80xi32, #tpu.memory_space<vmem>>
      %dma_start3A_247 = arith.constant 0 : i32
      %dma_start3A_248 = arith.constant 0 : i32
      %dma_start3A_249 = tpu.memref_slice %arg16[%dma_start3A_247, %dma_start3A_248] : memref<10000x64xf32, #tpu.memory_space<vmem_shared>> -> memref<10000x64xf32, #tpu.memory_space<vmem_shared>>
      tpu.enqueue_indirect_dma source(%dma_start3A_249 : memref<10000x64xf32, #tpu.memory_space<vmem_shared>>) target(%arg14 : memref<80x64xf32, #tpu.memory_space<vmem>>) offsets(%dma_start3A_246 : memref<80xi32, #tpu.memory_space<vmem>>) semaphore(%arg22 : memref<!tpu.dma_semaphore, #tpu.memory_space<semaphore_mem>>)
      %scan3A_250 = arith.constant 0 : i32
      %scan3A_251 = arith.constant 0 : i32
      %scan3A_252 = arith.constant 32 : i32
      %scan3A_253 = arith.addi %scan3A_251, %scan3A_252 : i32
      %scan3A_254 = arith.constant 1 : i32
      scf.for %scan3A_284 = %scan3A_251 to %scan3A_253 step %scan3A_254  : i32 {
        %mul3A_285 = arith.constant 4 : i32
        %mul3A_286 = arith.muli %mul3A_285, %scan3A_284 : i32
        %add3A_287 = arith.constant 2 : i32
        %add3A_288 = arith.addi %mul3A_286, %add3A_287 : i32
        %dma_wait3A_289 = arith.constant 0 : i32
        %dma_wait3A_290 = tpu.memref_slice %arg9[%add3A_288, %dma_wait3A_289] : memref<132x80xi32, #tpu.memory_space<vmem>> -> memref<1x80xi32, #tpu.memory_space<vmem>>
        %dma_wait3A_291 = tpu.memref_squeeze %dma_wait3A_290 : memref<1x80xi32, #tpu.memory_space<vmem>> -> memref<80xi32, #tpu.memory_space<vmem>>
        %dma_wait3A_292 = arith.constant 0 : i32
        %dma_wait3A_293 = arith.constant 0 : i32
        %dma_wait3A_294 = tpu.memref_slice %arg16[%dma_wait3A_292, %dma_wait3A_293] : memref<10000x64xf32, #tpu.memory_space<vmem_shared>> -> memref<10000x64xf32, #tpu.memory_space<vmem_shared>>
        tpu.wait_indirect_dma semaphore(%arg21 : memref<!tpu.dma_semaphore, #tpu.memory_space<semaphore_mem>>) src(%dma_wait3A_294 : memref<10000x64xf32, #tpu.memory_space<vmem_shared>>) dst(%arg13 : memref<80x64xf32, #tpu.memory_space<vmem>>)
        %dma_start3A_295 = arith.constant 0 : i32
        %dma_start3A_296 = tpu.memref_slice %arg10[%add3A_288, %dma_start3A_295] : memref<132x80xi32, #tpu.memory_space<vmem>> -> memref<1x80xi32, #tpu.memory_space<vmem>>
        %dma_start3A_297 = tpu.memref_squeeze %dma_start3A_296 : memref<1x80xi32, #tpu.memory_space<vmem>> -> memref<80xi32, #tpu.memory_space<vmem>>
        %dma_start3A_298 = arith.constant 0 : i32
        %dma_start3A_299 = arith.constant 0 : i32
        %dma_start3A_300 = tpu.memref_slice %arg17[%dma_start3A_298, %dma_start3A_299] : memref<10240x64xf32, #tpu.memory_space<vmem_shared>> -> memref<10240x64xf32, #tpu.memory_space<vmem_shared>>
        tpu.enqueue_indirect_dma source(%arg13 : memref<80x64xf32, #tpu.memory_space<vmem>>) target(%dma_start3A_300 : memref<10240x64xf32, #tpu.memory_space<vmem_shared>>) offsets(%dma_start3A_297 : memref<80xi32, #tpu.memory_space<vmem>>) semaphore(%arg25 : memref<!tpu.dma_semaphore, #tpu.memory_space<semaphore_mem>>) {add = true}
        %sub3A = arith.constant 2 : i32
        %sub3A_301 = arith.subi %add3A_288, %sub3A : i32
        %dma_wait3A_302 = arith.constant 0 : i32
        %dma_wait3A_303 = tpu.memref_slice %arg10[%sub3A_301, %dma_wait3A_302] : memref<132x80xi32, #tpu.memory_space<vmem>> -> memref<1x80xi32, #tpu.memory_space<vmem>>
        %dma_wait3A_304 = tpu.memref_squeeze %dma_wait3A_303 : memref<1x80xi32, #tpu.memory_space<vmem>> -> memref<80xi32, #tpu.memory_space<vmem>>
        %dma_wait3A_305 = arith.constant 0 : i32
        %dma_wait3A_306 = arith.constant 0 : i32
        %dma_wait3A_307 = tpu.memref_slice %arg17[%dma_wait3A_305, %dma_wait3A_306] : memref<10240x64xf32, #tpu.memory_space<vmem_shared>> -> memref<10240x64xf32, #tpu.memory_space<vmem_shared>>
        tpu.wait_indirect_dma semaphore(%arg23 : memref<!tpu.dma_semaphore, #tpu.memory_space<semaphore_mem>>) src(%arg11 : memref<80x64xf32, #tpu.memory_space<vmem>>) dst(%dma_wait3A_307 : memref<10240x64xf32, #tpu.memory_space<vmem_shared>>)
        %add3A_308 = arith.constant 2 : i32
        %add3A_309 = arith.addi %add3A_288, %add3A_308 : i32
        %dma_start3A_310 = arith.constant 0 : i32
        %dma_start3A_311 = tpu.memref_slice %arg9[%add3A_309, %dma_start3A_310] : memref<132x80xi32, #tpu.memory_space<vmem>> -> memref<1x80xi32, #tpu.memory_space<vmem>>
        %dma_start3A_312 = tpu.memref_squeeze %dma_start3A_311 : memref<1x80xi32, #tpu.memory_space<vmem>> -> memref<80xi32, #tpu.memory_space<vmem>>
        %dma_start3A_313 = arith.constant 0 : i32
        %dma_start3A_314 = arith.constant 0 : i32
        %dma_start3A_315 = tpu.memref_slice %arg16[%dma_start3A_313, %dma_start3A_314] : memref<10000x64xf32, #tpu.memory_space<vmem_shared>> -> memref<10000x64xf32, #tpu.memory_space<vmem_shared>>
        tpu.enqueue_indirect_dma source(%dma_start3A_315 : memref<10000x64xf32, #tpu.memory_space<vmem_shared>>) target(%arg11 : memref<80x64xf32, #tpu.memory_space<vmem>>) offsets(%dma_start3A_312 : memref<80xi32, #tpu.memory_space<vmem>>) semaphore(%arg19 : memref<!tpu.dma_semaphore, #tpu.memory_space<semaphore_mem>>)
        %add3A_316 = arith.constant 1 : i32
        %add3A_317 = arith.addi %add3A_288, %add3A_316 : i32
        %dma_wait3A_318 = arith.constant 0 : i32
        %dma_wait3A_319 = tpu.memref_slice %arg9[%add3A_317, %dma_wait3A_318] : memref<132x80xi32, #tpu.memory_space<vmem>> -> memref<1x80xi32, #tpu.memory_space<vmem>>
        %dma_wait3A_320 = tpu.memref_squeeze %dma_wait3A_319 : memref<1x80xi32, #tpu.memory_space<vmem>> -> memref<80xi32, #tpu.memory_space<vmem>>
        %dma_wait3A_321 = arith.constant 0 : i32
        %dma_wait3A_322 = arith.constant 0 : i32
        %dma_wait3A_323 = tpu.memref_slice %arg16[%dma_wait3A_321, %dma_wait3A_322] : memref<10000x64xf32, #tpu.memory_space<vmem_shared>> -> memref<10000x64xf32, #tpu.memory_space<vmem_shared>>
        tpu.wait_indirect_dma semaphore(%arg22 : memref<!tpu.dma_semaphore, #tpu.memory_space<semaphore_mem>>) src(%dma_wait3A_323 : memref<10000x64xf32, #tpu.memory_space<vmem_shared>>) dst(%arg14 : memref<80x64xf32, #tpu.memory_space<vmem>>)
        %dma_start3A_324 = arith.constant 0 : i32
        %dma_start3A_325 = tpu.memref_slice %arg10[%add3A_317, %dma_start3A_324] : memref<132x80xi32, #tpu.memory_space<vmem>> -> memref<1x80xi32, #tpu.memory_space<vmem>>
        %dma_start3A_326 = tpu.memref_squeeze %dma_start3A_325 : memref<1x80xi32, #tpu.memory_space<vmem>> -> memref<80xi32, #tpu.memory_space<vmem>>
        %dma_start3A_327 = arith.constant 0 : i32
        %dma_start3A_328 = arith.constant 0 : i32
        %dma_start3A_329 = tpu.memref_slice %arg17[%dma_start3A_327, %dma_start3A_328] : memref<10240x64xf32, #tpu.memory_space<vmem_shared>> -> memref<10240x64xf32, #tpu.memory_space<vmem_shared>>
        tpu.enqueue_indirect_dma source(%arg14 : memref<80x64xf32, #tpu.memory_space<vmem>>) target(%dma_start3A_329 : memref<10240x64xf32, #tpu.memory_space<vmem_shared>>) offsets(%dma_start3A_326 : memref<80xi32, #tpu.memory_space<vmem>>) semaphore(%arg26 : memref<!tpu.dma_semaphore, #tpu.memory_space<semaphore_mem>>) {add = true}
        %sub3A_330 = arith.constant 2 : i32
        %sub3A_331 = arith.subi %add3A_317, %sub3A_330 : i32
        %dma_wait3A_332 = arith.constant 0 : i32
        %dma_wait3A_333 = tpu.memref_slice %arg10[%sub3A_331, %dma_wait3A_332] : memref<132x80xi32, #tpu.memory_space<vmem>> -> memref<1x80xi32, #tpu.memory_space<vmem>>
        %dma_wait3A_334 = tpu.memref_squeeze %dma_wait3A_333 : memref<1x80xi32, #tpu.memory_space<vmem>> -> memref<80xi32, #tpu.memory_space<vmem>>
        %dma_wait3A_335 = arith.constant 0 : i32
        %dma_wait3A_336 = arith.constant 0 : i32
        %dma_wait3A_337 = tpu.memref_slice %arg17[%dma_wait3A_335, %dma_wait3A_336] : memref<10240x64xf32, #tpu.memory_space<vmem_shared>> -> memref<10240x64xf32, #tpu.memory_space<vmem_shared>>
        tpu.wait_indirect_dma semaphore(%arg24 : memref<!tpu.dma_semaphore, #tpu.memory_space<semaphore_mem>>) src(%arg12 : memref<80x64xf32, #tpu.memory_space<vmem>>) dst(%dma_wait3A_337 : memref<10240x64xf32, #tpu.memory_space<vmem_shared>>)
        %add3A_338 = arith.constant 2 : i32
        %add3A_339 = arith.addi %add3A_317, %add3A_338 : i32
        %dma_start3A_340 = arith.constant 0 : i32
        %dma_start3A_341 = tpu.memref_slice %arg9[%add3A_339, %dma_start3A_340] : memref<132x80xi32, #tpu.memory_space<vmem>> -> memref<1x80xi32, #tpu.memory_space<vmem>>
        %dma_start3A_342 = tpu.memref_squeeze %dma_start3A_341 : memref<1x80xi32, #tpu.memory_space<vmem>> -> memref<80xi32, #tpu.memory_space<vmem>>
        %dma_start3A_343 = arith.constant 0 : i32
        %dma_start3A_344 = arith.constant 0 : i32
        %dma_start3A_345 = tpu.memref_slice %arg16[%dma_start3A_343, %dma_start3A_344] : memref<10000x64xf32, #tpu.memory_space<vmem_shared>> -> memref<10000x64xf32, #tpu.memory_space<vmem_shared>>
        tpu.enqueue_indirect_dma source(%dma_start3A_345 : memref<10000x64xf32, #tpu.memory_space<vmem_shared>>) target(%arg12 : memref<80x64xf32, #tpu.memory_space<vmem>>) offsets(%dma_start3A_342 : memref<80xi32, #tpu.memory_space<vmem>>) semaphore(%arg20 : memref<!tpu.dma_semaphore, #tpu.memory_space<semaphore_mem>>)
        %add3A_346 = arith.constant 2 : i32
        %add3A_347 = arith.addi %add3A_288, %add3A_346 : i32
        %dma_wait3A_348 = arith.constant 0 : i32
        %dma_wait3A_349 = tpu.memref_slice %arg9[%add3A_347, %dma_wait3A_348] : memref<132x80xi32, #tpu.memory_space<vmem>> -> memref<1x80xi32, #tpu.memory_space<vmem>>
        %dma_wait3A_350 = tpu.memref_squeeze %dma_wait3A_349 : memref<1x80xi32, #tpu.memory_space<vmem>> -> memref<80xi32, #tpu.memory_space<vmem>>
        %dma_wait3A_351 = arith.constant 0 : i32
        %dma_wait3A_352 = arith.constant 0 : i32
        %dma_wait3A_353 = tpu.memref_slice %arg16[%dma_wait3A_351, %dma_wait3A_352] : memref<10000x64xf32, #tpu.memory_space<vmem_shared>> -> memref<10000x64xf32, #tpu.memory_space<vmem_shared>>
        tpu.wait_indirect_dma semaphore(%arg19 : memref<!tpu.dma_semaphore, #tpu.memory_space<semaphore_mem>>) src(%dma_wait3A_353 : memref<10000x64xf32, #tpu.memory_space<vmem_shared>>) dst(%arg11 : memref<80x64xf32, #tpu.memory_space<vmem>>)
        %dma_start3A_354 = arith.constant 0 : i32
        %dma_start3A_355 = tpu.memref_slice %arg10[%add3A_347, %dma_start3A_354] : memref<132x80xi32, #tpu.memory_space<vmem>> -> memref<1x80xi32, #tpu.memory_space<vmem>>
        %dma_start3A_356 = tpu.memref_squeeze %dma_start3A_355 : memref<1x80xi32, #tpu.memory_space<vmem>> -> memref<80xi32, #tpu.memory_space<vmem>>
        %dma_start3A_357 = arith.constant 0 : i32
        %dma_start3A_358 = arith.constant 0 : i32
        %dma_start3A_359 = tpu.memref_slice %arg17[%dma_start3A_357, %dma_start3A_358] : memref<10240x64xf32, #tpu.memory_space<vmem_shared>> -> memref<10240x64xf32, #tpu.memory_space<vmem_shared>>
        tpu.enqueue_indirect_dma source(%arg11 : memref<80x64xf32, #tpu.memory_space<vmem>>) target(%dma_start3A_359 : memref<10240x64xf32, #tpu.memory_space<vmem_shared>>) offsets(%dma_start3A_356 : memref<80xi32, #tpu.memory_space<vmem>>) semaphore(%arg23 : memref<!tpu.dma_semaphore, #tpu.memory_space<semaphore_mem>>) {add = true}
        %sub3A_360 = arith.constant 2 : i32
        %sub3A_361 = arith.subi %add3A_347, %sub3A_360 : i32
        %dma_wait3A_362 = arith.constant 0 : i32
        %dma_wait3A_363 = tpu.memref_slice %arg10[%sub3A_361, %dma_wait3A_362] : memref<132x80xi32, #tpu.memory_space<vmem>> -> memref<1x80xi32, #tpu.memory_space<vmem>>
        %dma_wait3A_364 = tpu.memref_squeeze %dma_wait3A_363 : memref<1x80xi32, #tpu.memory_space<vmem>> -> memref<80xi32, #tpu.memory_space<vmem>>
        %dma_wait3A_365 = arith.constant 0 : i32
        %dma_wait3A_366 = arith.constant 0 : i32
        %dma_wait3A_367 = tpu.memref_slice %arg17[%dma_wait3A_365, %dma_wait3A_366] : memref<10240x64xf32, #tpu.memory_space<vmem_shared>> -> memref<10240x64xf32, #tpu.memory_space<vmem_shared>>
        tpu.wait_indirect_dma semaphore(%arg25 : memref<!tpu.dma_semaphore, #tpu.memory_space<semaphore_mem>>) src(%arg13 : memref<80x64xf32, #tpu.memory_space<vmem>>) dst(%dma_wait3A_367 : memref<10240x64xf32, #tpu.memory_space<vmem_shared>>)
        %add3A_368 = arith.constant 2 : i32
        %add3A_369 = arith.addi %add3A_347, %add3A_368 : i32
        %dma_start3A_370 = arith.constant 0 : i32
        %dma_start3A_371 = tpu.memref_slice %arg9[%add3A_369, %dma_start3A_370] : memref<132x80xi32, #tpu.memory_space<vmem>> -> memref<1x80xi32, #tpu.memory_space<vmem>>
        %dma_start3A_372 = tpu.memref_squeeze %dma_start3A_371 : memref<1x80xi32, #tpu.memory_space<vmem>> -> memref<80xi32, #tpu.memory_space<vmem>>
        %dma_start3A_373 = arith.constant 0 : i32
        %dma_start3A_374 = arith.constant 0 : i32
        %dma_start3A_375 = tpu.memref_slice %arg16[%dma_start3A_373, %dma_start3A_374] : memref<10000x64xf32, #tpu.memory_space<vmem_shared>> -> memref<10000x64xf32, #tpu.memory_space<vmem_shared>>
        tpu.enqueue_indirect_dma source(%dma_start3A_375 : memref<10000x64xf32, #tpu.memory_space<vmem_shared>>) target(%arg13 : memref<80x64xf32, #tpu.memory_space<vmem>>) offsets(%dma_start3A_372 : memref<80xi32, #tpu.memory_space<vmem>>) semaphore(%arg21 : memref<!tpu.dma_semaphore, #tpu.memory_space<semaphore_mem>>)
        %add3A_376 = arith.constant 3 : i32
        %add3A_377 = arith.addi %add3A_288, %add3A_376 : i32
        %dma_wait3A_378 = arith.constant 0 : i32
        %dma_wait3A_379 = tpu.memref_slice %arg9[%add3A_377, %dma_wait3A_378] : memref<132x80xi32, #tpu.memory_space<vmem>> -> memref<1x80xi32, #tpu.memory_space<vmem>>
        %dma_wait3A_380 = tpu.memref_squeeze %dma_wait3A_379 : memref<1x80xi32, #tpu.memory_space<vmem>> -> memref<80xi32, #tpu.memory_space<vmem>>
        %dma_wait3A_381 = arith.constant 0 : i32
        %dma_wait3A_382 = arith.constant 0 : i32
        %dma_wait3A_383 = tpu.memref_slice %arg16[%dma_wait3A_381, %dma_wait3A_382] : memref<10000x64xf32, #tpu.memory_space<vmem_shared>> -> memref<10000x64xf32, #tpu.memory_space<vmem_shared>>
        tpu.wait_indirect_dma semaphore(%arg20 : memref<!tpu.dma_semaphore, #tpu.memory_space<semaphore_mem>>) src(%dma_wait3A_383 : memref<10000x64xf32, #tpu.memory_space<vmem_shared>>) dst(%arg12 : memref<80x64xf32, #tpu.memory_space<vmem>>)
        %dma_start3A_384 = arith.constant 0 : i32
        %dma_start3A_385 = tpu.memref_slice %arg10[%add3A_377, %dma_start3A_384] : memref<132x80xi32, #tpu.memory_space<vmem>> -> memref<1x80xi32, #tpu.memory_space<vmem>>
        %dma_start3A_386 = tpu.memref_squeeze %dma_start3A_385 : memref<1x80xi32, #tpu.memory_space<vmem>> -> memref<80xi32, #tpu.memory_space<vmem>>
        %dma_start3A_387 = arith.constant 0 : i32
        %dma_start3A_388 = arith.constant 0 : i32
        %dma_start3A_389 = tpu.memref_slice %arg17[%dma_start3A_387, %dma_start3A_388] : memref<10240x64xf32, #tpu.memory_space<vmem_shared>> -> memref<10240x64xf32, #tpu.memory_space<vmem_shared>>
        tpu.enqueue_indirect_dma source(%arg12 : memref<80x64xf32, #tpu.memory_space<vmem>>) target(%dma_start3A_389 : memref<10240x64xf32, #tpu.memory_space<vmem_shared>>) offsets(%dma_start3A_386 : memref<80xi32, #tpu.memory_space<vmem>>) semaphore(%arg24 : memref<!tpu.dma_semaphore, #tpu.memory_space<semaphore_mem>>) {add = true}
        %sub3A_390 = arith.constant 2 : i32
        %sub3A_391 = arith.subi %add3A_377, %sub3A_390 : i32
        %dma_wait3A_392 = arith.constant 0 : i32
        %dma_wait3A_393 = tpu.memref_slice %arg10[%sub3A_391, %dma_wait3A_392] : memref<132x80xi32, #tpu.memory_space<vmem>> -> memref<1x80xi32, #tpu.memory_space<vmem>>
        %dma_wait3A_394 = tpu.memref_squeeze %dma_wait3A_393 : memref<1x80xi32, #tpu.memory_space<vmem>> -> memref<80xi32, #tpu.memory_space<vmem>>
        %dma_wait3A_395 = arith.constant 0 : i32
        %dma_wait3A_396 = arith.constant 0 : i32
        %dma_wait3A_397 = tpu.memref_slice %arg17[%dma_wait3A_395, %dma_wait3A_396] : memref<10240x64xf32, #tpu.memory_space<vmem_shared>> -> memref<10240x64xf32, #tpu.memory_space<vmem_shared>>
        tpu.wait_indirect_dma semaphore(%arg26 : memref<!tpu.dma_semaphore, #tpu.memory_space<semaphore_mem>>) src(%arg14 : memref<80x64xf32, #tpu.memory_space<vmem>>) dst(%dma_wait3A_397 : memref<10240x64xf32, #tpu.memory_space<vmem_shared>>)
        %add3A_398 = arith.constant 2 : i32
        %add3A_399 = arith.addi %add3A_377, %add3A_398 : i32
        %dma_start3A_400 = arith.constant 0 : i32
        %dma_start3A_401 = tpu.memref_slice %arg9[%add3A_399, %dma_start3A_400] : memref<132x80xi32, #tpu.memory_space<vmem>> -> memref<1x80xi32, #tpu.memory_space<vmem>>
        %dma_start3A_402 = tpu.memref_squeeze %dma_start3A_401 : memref<1x80xi32, #tpu.memory_space<vmem>> -> memref<80xi32, #tpu.memory_space<vmem>>
        %dma_start3A_403 = arith.constant 0 : i32
        %dma_start3A_404 = arith.constant 0 : i32
        %dma_start3A_405 = tpu.memref_slice %arg16[%dma_start3A_403, %dma_start3A_404] : memref<10000x64xf32, #tpu.memory_space<vmem_shared>> -> memref<10000x64xf32, #tpu.memory_space<vmem_shared>>
        tpu.enqueue_indirect_dma source(%dma_start3A_405 : memref<10000x64xf32, #tpu.memory_space<vmem_shared>>) target(%arg14 : memref<80x64xf32, #tpu.memory_space<vmem>>) offsets(%dma_start3A_402 : memref<80xi32, #tpu.memory_space<vmem>>) semaphore(%arg22 : memref<!tpu.dma_semaphore, #tpu.memory_space<semaphore_mem>>)
      }
      %scan3A_255 = arith.constant 32 : i32
      %dma_wait3A_256 = arith.constant 128 : i32
      %dma_wait3A_257 = arith.constant 0 : i32
      %dma_wait3A_258 = tpu.memref_slice %arg10[%dma_wait3A_256, %dma_wait3A_257] : memref<132x80xi32, #tpu.memory_space<vmem>> -> memref<1x80xi32, #tpu.memory_space<vmem>>
      %dma_wait3A_259 = tpu.memref_squeeze %dma_wait3A_258 : memref<1x80xi32, #tpu.memory_space<vmem>> -> memref<80xi32, #tpu.memory_space<vmem>>
      %dma_wait3A_260 = arith.constant 0 : i32
      %dma_wait3A_261 = arith.constant 0 : i32
      %dma_wait3A_262 = tpu.memref_slice %arg17[%dma_wait3A_260, %dma_wait3A_261] : memref<10240x64xf32, #tpu.memory_space<vmem_shared>> -> memref<10240x64xf32, #tpu.memory_space<vmem_shared>>
      tpu.wait_indirect_dma semaphore(%arg23 : memref<!tpu.dma_semaphore, #tpu.memory_space<semaphore_mem>>) src(%arg11 : memref<80x64xf32, #tpu.memory_space<vmem>>) dst(%dma_wait3A_262 : memref<10240x64xf32, #tpu.memory_space<vmem_shared>>)
      %dma_wait3A_263 = arith.constant 129 : i32
      %dma_wait3A_264 = arith.constant 0 : i32
      %dma_wait3A_265 = tpu.memref_slice %arg10[%dma_wait3A_263, %dma_wait3A_264] : memref<132x80xi32, #tpu.memory_space<vmem>> -> memref<1x80xi32, #tpu.memory_space<vmem>>
      %dma_wait3A_266 = tpu.memref_squeeze %dma_wait3A_265 : memref<1x80xi32, #tpu.memory_space<vmem>> -> memref<80xi32, #tpu.memory_space<vmem>>
      %dma_wait3A_267 = arith.constant 0 : i32
      %dma_wait3A_268 = arith.constant 0 : i32
      %dma_wait3A_269 = tpu.memref_slice %arg17[%dma_wait3A_267, %dma_wait3A_268] : memref<10240x64xf32, #tpu.memory_space<vmem_shared>> -> memref<10240x64xf32, #tpu.memory_space<vmem_shared>>
      tpu.wait_indirect_dma semaphore(%arg24 : memref<!tpu.dma_semaphore, #tpu.memory_space<semaphore_mem>>) src(%arg12 : memref<80x64xf32, #tpu.memory_space<vmem>>) dst(%dma_wait3A_269 : memref<10240x64xf32, #tpu.memory_space<vmem_shared>>)
      %dma_wait3A_270 = arith.constant 130 : i32
      %dma_wait3A_271 = arith.constant 0 : i32
      %dma_wait3A_272 = tpu.memref_slice %arg9[%dma_wait3A_270, %dma_wait3A_271] : memref<132x80xi32, #tpu.memory_space<vmem>> -> memref<1x80xi32, #tpu.memory_space<vmem>>
      %dma_wait3A_273 = tpu.memref_squeeze %dma_wait3A_272 : memref<1x80xi32, #tpu.memory_space<vmem>> -> memref<80xi32, #tpu.memory_space<vmem>>
      %dma_wait3A_274 = arith.constant 0 : i32
      %dma_wait3A_275 = arith.constant 0 : i32
      %dma_wait3A_276 = tpu.memref_slice %arg16[%dma_wait3A_274, %dma_wait3A_275] : memref<10000x64xf32, #tpu.memory_space<vmem_shared>> -> memref<10000x64xf32, #tpu.memory_space<vmem_shared>>
      tpu.wait_indirect_dma semaphore(%arg21 : memref<!tpu.dma_semaphore, #tpu.memory_space<semaphore_mem>>) src(%dma_wait3A_276 : memref<10000x64xf32, #tpu.memory_space<vmem_shared>>) dst(%arg13 : memref<80x64xf32, #tpu.memory_space<vmem>>)
      %dma_wait3A_277 = arith.constant 131 : i32
      %dma_wait3A_278 = arith.constant 0 : i32
      %dma_wait3A_279 = tpu.memref_slice %arg9[%dma_wait3A_277, %dma_wait3A_278] : memref<132x80xi32, #tpu.memory_space<vmem>> -> memref<1x80xi32, #tpu.memory_space<vmem>>
      %dma_wait3A_280 = tpu.memref_squeeze %dma_wait3A_279 : memref<1x80xi32, #tpu.memory_space<vmem>> -> memref<80xi32, #tpu.memory_space<vmem>>
      %dma_wait3A_281 = arith.constant 0 : i32
      %dma_wait3A_282 = arith.constant 0 : i32
      %dma_wait3A_283 = tpu.memref_slice %arg16[%dma_wait3A_281, %dma_wait3A_282] : memref<10000x64xf32, #tpu.memory_space<vmem_shared>> -> memref<10000x64xf32, #tpu.memory_space<vmem_shared>>
      tpu.wait_indirect_dma semaphore(%arg22 : memref<!tpu.dma_semaphore, #tpu.memory_space<semaphore_mem>>) src(%dma_wait3A_283 : memref<10000x64xf32, #tpu.memory_space<vmem_shared>>) dst(%arg14 : memref<80x64xf32, #tpu.memory_space<vmem>>)
    } else {
    }
    %barrier3A_67 = arith.constant 0 : index
    tpu.barrier barrier_id(%barrier3A_67)
    "tpu.region"() ({
      %run_scoped3A_194 = tpu.sem_alloc : memref<!tpu.dma_semaphore, #tpu.memory_space<semaphore_mem>>
      %dma_start3A_195 = arith.constant 0 : i32
      %dma_start3A_196 = tpu.memref_slice %arg7[%add3A_3, %mul3A_0, %dma_start3A_195] : memref<4x10240x64xf32, #tpu.memory_space<hbm>> -> memref<1x640x64xf32, #tpu.memory_space<hbm>>
      %dma_start3A_197 = tpu.memref_squeeze %dma_start3A_196 : memref<1x640x64xf32, #tpu.memory_space<hbm>> -> memref<640x64xf32, #tpu.memory_space<hbm>>
      %dma_start3A_198 = arith.constant 0 : i32
      %dma_start3A_199 = tpu.memref_slice %arg17[%mul3A_0, %dma_start3A_198] : memref<10240x64xf32, #tpu.memory_space<vmem_shared>> -> memref<640x64xf32, #tpu.memory_space<vmem_shared>>
      tpu.enqueue_dma source(%dma_start3A_199 : memref<640x64xf32, #tpu.memory_space<vmem_shared>>) target(%dma_start3A_197 : memref<640x64xf32, #tpu.memory_space<hbm>>) target_semaphore(%run_scoped3A_194 : memref<!tpu.dma_semaphore, #tpu.memory_space<semaphore_mem>>)
      %dma_wait3A_200 = arith.constant 0 : i32
      %dma_wait3A_201 = tpu.memref_slice %arg7[%add3A_3, %mul3A_0, %dma_wait3A_200] : memref<4x10240x64xf32, #tpu.memory_space<hbm>> -> memref<1x640x64xf32, #tpu.memory_space<hbm>>
      %dma_wait3A_202 = tpu.memref_squeeze %dma_wait3A_201 : memref<1x640x64xf32, #tpu.memory_space<hbm>> -> memref<640x64xf32, #tpu.memory_space<hbm>>
      %dma_wait3A_203 = arith.constant 0 : i32
      %dma_wait3A_204 = tpu.memref_slice %arg17[%mul3A_0, %dma_wait3A_203] : memref<10240x64xf32, #tpu.memory_space<vmem_shared>> -> memref<640x64xf32, #tpu.memory_space<vmem_shared>>
      tpu.wait_dma2 semaphore(%run_scoped3A_194 : memref<!tpu.dma_semaphore, #tpu.memory_space<semaphore_mem>>) src(%dma_wait3A_204 : memref<640x64xf32, #tpu.memory_space<vmem_shared>>) dst(%dma_wait3A_202 : memref<640x64xf32, #tpu.memory_space<hbm>>)
      tpu.yield
    }) : () -> ()
    %eq3A_68 = arith.constant 0 : i32
    %eq3A_69 = arith.cmpi eq, %arg0, %eq3A_68 : i32
    %convert_element_type3A_70 = arith.extui %eq3A_69 : i1 to i32
    %cond3A_71 = arith.constant 0 : i32
    %cond3A_72 = arith.cmpi ne, %convert_element_type3A_70, %cond3A_71 : i32
    scf.if %cond3A_72 {
      "tpu.region"() ({
        %run_scoped3A_194 = tpu.sem_alloc : memref<!tpu.dma_semaphore, #tpu.memory_space<semaphore_mem>>
        %dma_start3A_195 = tpu.memref_slice %arg8[%mul3A_0] : memref<10240xf32, #tpu.memory_space<hbm>> -> memref<640xf32, #tpu.memory_space<hbm>>
        %dma_start3A_196 = tpu.memref_slice %arg18[%mul3A_0] : memref<10240xf32, #tpu.memory_space<vmem_shared>> -> memref<640xf32, #tpu.memory_space<vmem_shared>>
        tpu.enqueue_dma source(%dma_start3A_196 : memref<640xf32, #tpu.memory_space<vmem_shared>>) target(%dma_start3A_195 : memref<640xf32, #tpu.memory_space<hbm>>) target_semaphore(%run_scoped3A_194 : memref<!tpu.dma_semaphore, #tpu.memory_space<semaphore_mem>>)
        %dma_wait3A_197 = tpu.memref_slice %arg8[%mul3A_0] : memref<10240xf32, #tpu.memory_space<hbm>> -> memref<640xf32, #tpu.memory_space<hbm>>
        %dma_wait3A_198 = tpu.memref_slice %arg18[%mul3A_0] : memref<10240xf32, #tpu.memory_space<vmem_shared>> -> memref<640xf32, #tpu.memory_space<vmem_shared>>
        tpu.wait_dma2 semaphore(%run_scoped3A_194 : memref<!tpu.dma_semaphore, #tpu.memory_space<semaphore_mem>>) src(%dma_wait3A_198 : memref<640xf32, #tpu.memory_space<vmem_shared>>) dst(%dma_wait3A_197 : memref<640xf32, #tpu.memory_space<hbm>>)
        tpu.yield
      }) : () -> ()
    } else {
    }
    "tpu.region"() ({
      %run_scoped3A_194 = tpu.sem_alloc : memref<!tpu.dma_semaphore, #tpu.memory_space<semaphore_mem>>
      tpu.enqueue_dma source(%arg5 : memref<80x64xf32, #tpu.memory_space<hbm>>) target(%arg11 : memref<80x64xf32, #tpu.memory_space<vmem>>) target_semaphore(%run_scoped3A_194 : memref<!tpu.dma_semaphore, #tpu.memory_space<semaphore_mem>>)
      tpu.wait_dma2 semaphore(%run_scoped3A_194 : memref<!tpu.dma_semaphore, #tpu.memory_space<semaphore_mem>>) src(%arg5 : memref<80x64xf32, #tpu.memory_space<hbm>>) dst(%arg11 : memref<80x64xf32, #tpu.memory_space<vmem>>)
      tpu.yield
    }) : () -> ()
    %mul3A_73 = arith.constant 2 : i32
    %mul3A_74 = arith.muli %mul3A_73, %arg0 : i32
    %add3A_75 = arith.constant 1 : i32
    %add3A_76 = arith.addi %mul3A_74, %add3A_75 : i32
    %mul3A_77 = arith.constant 64 : i32
    %mul3A_78 = arith.muli %add3A_76, %mul3A_77 : i32
    %lt3A_79 = arith.constant 15 : i32
    %lt3A_80 = arith.cmpi slt, %arg1, %lt3A_79 : i32
    %convert_element_type3A_81 = arith.extui %lt3A_80 : i1 to i32
    %cond3A_82 = arith.constant 0 : i32
    %cond3A_83 = arith.cmpi ne, %convert_element_type3A_81, %cond3A_82 : i32
    scf.if %cond3A_83 {
      %mul3A_194 = arith.constant 624 : i32
      %mul3A_195 = arith.muli %arg1, %mul3A_194 : i32
      %mul3A_196 = arith.constant 624 : i32
      %mul3A_197 = arith.muli %arg1, %mul3A_196 : i32
      "tpu.region"() ({
        %run_scoped3A_198 = tpu.sem_alloc : memref<!tpu.dma_semaphore, #tpu.memory_space<semaphore_mem>>
        %dma_start3A_199 = arith.constant 0 : i32
        %dma_start3A_200 = tpu.memref_slice %arg16[%mul3A_197, %dma_start3A_199] : memref<10000x64xf32, #tpu.memory_space<vmem_shared>> -> memref<624x64xf32, #tpu.memory_space<vmem_shared>>
        %dma_start3A_201 = tpu.memref_slice %arg4[%mul3A_195, %mul3A_78] : memref<10000x256xf32, #tpu.memory_space<hbm>> -> memref<624x64xf32, #tpu.memory_space<hbm>>
        tpu.enqueue_dma source(%dma_start3A_201 : memref<624x64xf32, #tpu.memory_space<hbm>>) target(%dma_start3A_200 : memref<624x64xf32, #tpu.memory_space<vmem_shared>>) target_semaphore(%run_scoped3A_198 : memref<!tpu.dma_semaphore, #tpu.memory_space<semaphore_mem>>)
        %dma_wait3A_202 = arith.constant 0 : i32
        %dma_wait3A_203 = tpu.memref_slice %arg16[%mul3A_197, %dma_wait3A_202] : memref<10000x64xf32, #tpu.memory_space<vmem_shared>> -> memref<624x64xf32, #tpu.memory_space<vmem_shared>>
        %dma_wait3A_204 = tpu.memref_slice %arg4[%mul3A_195, %mul3A_78] : memref<10000x256xf32, #tpu.memory_space<hbm>> -> memref<624x64xf32, #tpu.memory_space<hbm>>
        tpu.wait_dma2 semaphore(%run_scoped3A_198 : memref<!tpu.dma_semaphore, #tpu.memory_space<semaphore_mem>>) src(%dma_wait3A_204 : memref<624x64xf32, #tpu.memory_space<hbm>>) dst(%dma_wait3A_203 : memref<624x64xf32, #tpu.memory_space<vmem_shared>>)
        tpu.yield
      }) : () -> ()
    } else {
    }
    %eq3A_84 = arith.constant 15 : i32
    %eq3A_85 = arith.cmpi eq, %arg1, %eq3A_84 : i32
    %convert_element_type3A_86 = arith.extui %eq3A_85 : i1 to i32
    %cond3A_87 = arith.constant 0 : i32
    %cond3A_88 = arith.cmpi ne, %convert_element_type3A_86, %cond3A_87 : i32
    scf.if %cond3A_88 {
      "tpu.region"() ({
        %run_scoped3A_194 = tpu.sem_alloc : memref<!tpu.dma_semaphore, #tpu.memory_space<semaphore_mem>>
        %dma_start3A_195 = arith.constant 9360 : i32
        %dma_start3A_196 = arith.constant 0 : i32
        %dma_start3A_197 = tpu.memref_slice %arg16[%dma_start3A_195, %dma_start3A_196] : memref<10000x64xf32, #tpu.memory_space<vmem_shared>> -> memref<640x64xf32, #tpu.memory_space<vmem_shared>>
        %dma_start3A_198 = arith.constant 9360 : i32
        %dma_start3A_199 = tpu.memref_slice %arg4[%dma_start3A_198, %mul3A_78] : memref<10000x256xf32, #tpu.memory_space<hbm>> -> memref<640x64xf32, #tpu.memory_space<hbm>>
        tpu.enqueue_dma source(%dma_start3A_199 : memref<640x64xf32, #tpu.memory_space<hbm>>) target(%dma_start3A_197 : memref<640x64xf32, #tpu.memory_space<vmem_shared>>) target_semaphore(%run_scoped3A_194 : memref<!tpu.dma_semaphore, #tpu.memory_space<semaphore_mem>>)
        %dma_wait3A_200 = arith.constant 9360 : i32
        %dma_wait3A_201 = arith.constant 0 : i32
        %dma_wait3A_202 = tpu.memref_slice %arg16[%dma_wait3A_200, %dma_wait3A_201] : memref<10000x64xf32, #tpu.memory_space<vmem_shared>> -> memref<640x64xf32, #tpu.memory_space<vmem_shared>>
        %dma_wait3A_203 = arith.constant 9360 : i32
        %dma_wait3A_204 = tpu.memref_slice %arg4[%dma_wait3A_203, %mul3A_78] : memref<10000x256xf32, #tpu.memory_space<hbm>> -> memref<640x64xf32, #tpu.memory_space<hbm>>
        tpu.wait_dma2 semaphore(%run_scoped3A_194 : memref<!tpu.dma_semaphore, #tpu.memory_space<semaphore_mem>>) src(%dma_wait3A_204 : memref<640x64xf32, #tpu.memory_space<hbm>>) dst(%dma_wait3A_202 : memref<640x64xf32, #tpu.memory_space<vmem_shared>>)
        tpu.yield
      }) : () -> ()
    } else {
    }
    %add3A_89 = arith.constant 0 : i32
    %add3A_90 = arith.addi %mul3A_0, %add3A_89 : i32
    "tpu.region"() ({
      %run_scoped3A_194 = tpu.sem_alloc : memref<!tpu.dma_semaphore, #tpu.memory_space<semaphore_mem>>
      %dma_start3A_195 = arith.constant 0 : i32
      %dma_start3A_196 = tpu.memref_slice %arg17[%add3A_90, %dma_start3A_195] : memref<10240x64xf32, #tpu.memory_space<vmem_shared>> -> memref<80x64xf32, #tpu.memory_space<vmem_shared>>
      %dma_start3A_197 = arith.constant 0 : i32
      %dma_start3A_198 = tpu.memref_slice %arg17[%add3A_90, %dma_start3A_197] : memref<10240x64xf32, #tpu.memory_space<vmem_shared>> -> memref<80x64xf32, #tpu.memory_space<vmem_shared>>
      tpu.enqueue_dma source(%arg11 : memref<80x64xf32, #tpu.memory_space<vmem>>) target(%dma_start3A_198 : memref<80x64xf32, #tpu.memory_space<vmem_shared>>) target_semaphore(%run_scoped3A_194 : memref<!tpu.dma_semaphore, #tpu.memory_space<semaphore_mem>>)
      %dma_wait3A_199 = arith.constant 0 : i32
      %dma_wait3A_200 = tpu.memref_slice %arg17[%add3A_90, %dma_wait3A_199] : memref<10240x64xf32, #tpu.memory_space<vmem_shared>> -> memref<80x64xf32, #tpu.memory_space<vmem_shared>>
      %dma_wait3A_201 = arith.constant 0 : i32
      %dma_wait3A_202 = tpu.memref_slice %arg17[%add3A_90, %dma_wait3A_201] : memref<10240x64xf32, #tpu.memory_space<vmem_shared>> -> memref<80x64xf32, #tpu.memory_space<vmem_shared>>
      tpu.wait_dma2 semaphore(%run_scoped3A_194 : memref<!tpu.dma_semaphore, #tpu.memory_space<semaphore_mem>>) src(%arg11 : memref<80x64xf32, #tpu.memory_space<vmem>>) dst(%dma_wait3A_202 : memref<80x64xf32, #tpu.memory_space<vmem_shared>>)
      tpu.yield
    }) : () -> ()
    %add3A_91 = arith.constant 80 : i32
    %add3A_92 = arith.addi %mul3A_0, %add3A_91 : i32
    "tpu.region"() ({
      %run_scoped3A_194 = tpu.sem_alloc : memref<!tpu.dma_semaphore, #tpu.memory_space<semaphore_mem>>
      %dma_start3A_195 = arith.constant 0 : i32
      %dma_start3A_196 = tpu.memref_slice %arg17[%add3A_92, %dma_start3A_195] : memref<10240x64xf32, #tpu.memory_space<vmem_shared>> -> memref<80x64xf32, #tpu.memory_space<vmem_shared>>
      %dma_start3A_197 = arith.constant 0 : i32
      %dma_start3A_198 = tpu.memref_slice %arg17[%add3A_92, %dma_start3A_197] : memref<10240x64xf32, #tpu.memory_space<vmem_shared>> -> memref<80x64xf32, #tpu.memory_space<vmem_shared>>
      tpu.enqueue_dma source(%arg11 : memref<80x64xf32, #tpu.memory_space<vmem>>) target(%dma_start3A_198 : memref<80x64xf32, #tpu.memory_space<vmem_shared>>) target_semaphore(%run_scoped3A_194 : memref<!tpu.dma_semaphore, #tpu.memory_space<semaphore_mem>>)
      %dma_wait3A_199 = arith.constant 0 : i32
      %dma_wait3A_200 = tpu.memref_slice %arg17[%add3A_92, %dma_wait3A_199] : memref<10240x64xf32, #tpu.memory_space<vmem_shared>> -> memref<80x64xf32, #tpu.memory_space<vmem_shared>>
      %dma_wait3A_201 = arith.constant 0 : i32
      %dma_wait3A_202 = tpu.memref_slice %arg17[%add3A_92, %dma_wait3A_201] : memref<10240x64xf32, #tpu.memory_space<vmem_shared>> -> memref<80x64xf32, #tpu.memory_space<vmem_shared>>
      tpu.wait_dma2 semaphore(%run_scoped3A_194 : memref<!tpu.dma_semaphore, #tpu.memory_space<semaphore_mem>>) src(%arg11 : memref<80x64xf32, #tpu.memory_space<vmem>>) dst(%dma_wait3A_202 : memref<80x64xf32, #tpu.memory_space<vmem_shared>>)
      tpu.yield
    }) : () -> ()
    %add3A_93 = arith.constant 160 : i32
    %add3A_94 = arith.addi %mul3A_0, %add3A_93 : i32
    "tpu.region"() ({
      %run_scoped3A_194 = tpu.sem_alloc : memref<!tpu.dma_semaphore, #tpu.memory_space<semaphore_mem>>
      %dma_start3A_195 = arith.constant 0 : i32
      %dma_start3A_196 = tpu.memref_slice %arg17[%add3A_94, %dma_start3A_195] : memref<10240x64xf32, #tpu.memory_space<vmem_shared>> -> memref<80x64xf32, #tpu.memory_space<vmem_shared>>
      %dma_start3A_197 = arith.constant 0 : i32
      %dma_start3A_198 = tpu.memref_slice %arg17[%add3A_94, %dma_start3A_197] : memref<10240x64xf32, #tpu.memory_space<vmem_shared>> -> memref<80x64xf32, #tpu.memory_space<vmem_shared>>
      tpu.enqueue_dma source(%arg11 : memref<80x64xf32, #tpu.memory_space<vmem>>) target(%dma_start3A_198 : memref<80x64xf32, #tpu.memory_space<vmem_shared>>) target_semaphore(%run_scoped3A_194 : memref<!tpu.dma_semaphore, #tpu.memory_space<semaphore_mem>>)
      %dma_wait3A_199 = arith.constant 0 : i32
      %dma_wait3A_200 = tpu.memref_slice %arg17[%add3A_94, %dma_wait3A_199] : memref<10240x64xf32, #tpu.memory_space<vmem_shared>> -> memref<80x64xf32, #tpu.memory_space<vmem_shared>>
      %dma_wait3A_201 = arith.constant 0 : i32
      %dma_wait3A_202 = tpu.memref_slice %arg17[%add3A_94, %dma_wait3A_201] : memref<10240x64xf32, #tpu.memory_space<vmem_shared>> -> memref<80x64xf32, #tpu.memory_space<vmem_shared>>
      tpu.wait_dma2 semaphore(%run_scoped3A_194 : memref<!tpu.dma_semaphore, #tpu.memory_space<semaphore_mem>>) src(%arg11 : memref<80x64xf32, #tpu.memory_space<vmem>>) dst(%dma_wait3A_202 : memref<80x64xf32, #tpu.memory_space<vmem_shared>>)
      tpu.yield
    }) : () -> ()
    %add3A_95 = arith.constant 240 : i32
    %add3A_96 = arith.addi %mul3A_0, %add3A_95 : i32
    "tpu.region"() ({
      %run_scoped3A_194 = tpu.sem_alloc : memref<!tpu.dma_semaphore, #tpu.memory_space<semaphore_mem>>
      %dma_start3A_195 = arith.constant 0 : i32
      %dma_start3A_196 = tpu.memref_slice %arg17[%add3A_96, %dma_start3A_195] : memref<10240x64xf32, #tpu.memory_space<vmem_shared>> -> memref<80x64xf32, #tpu.memory_space<vmem_shared>>
      %dma_start3A_197 = arith.constant 0 : i32
      %dma_start3A_198 = tpu.memref_slice %arg17[%add3A_96, %dma_start3A_197] : memref<10240x64xf32, #tpu.memory_space<vmem_shared>> -> memref<80x64xf32, #tpu.memory_space<vmem_shared>>
      tpu.enqueue_dma source(%arg11 : memref<80x64xf32, #tpu.memory_space<vmem>>) target(%dma_start3A_198 : memref<80x64xf32, #tpu.memory_space<vmem_shared>>) target_semaphore(%run_scoped3A_194 : memref<!tpu.dma_semaphore, #tpu.memory_space<semaphore_mem>>)
      %dma_wait3A_199 = arith.constant 0 : i32
      %dma_wait3A_200 = tpu.memref_slice %arg17[%add3A_96, %dma_wait3A_199] : memref<10240x64xf32, #tpu.memory_space<vmem_shared>> -> memref<80x64xf32, #tpu.memory_space<vmem_shared>>
      %dma_wait3A_201 = arith.constant 0 : i32
      %dma_wait3A_202 = tpu.memref_slice %arg17[%add3A_96, %dma_wait3A_201] : memref<10240x64xf32, #tpu.memory_space<vmem_shared>> -> memref<80x64xf32, #tpu.memory_space<vmem_shared>>
      tpu.wait_dma2 semaphore(%run_scoped3A_194 : memref<!tpu.dma_semaphore, #tpu.memory_space<semaphore_mem>>) src(%arg11 : memref<80x64xf32, #tpu.memory_space<vmem>>) dst(%dma_wait3A_202 : memref<80x64xf32, #tpu.memory_space<vmem_shared>>)
      tpu.yield
    }) : () -> ()
    %add3A_97 = arith.constant 320 : i32
    %add3A_98 = arith.addi %mul3A_0, %add3A_97 : i32
    "tpu.region"() ({
      %run_scoped3A_194 = tpu.sem_alloc : memref<!tpu.dma_semaphore, #tpu.memory_space<semaphore_mem>>
      %dma_start3A_195 = arith.constant 0 : i32
      %dma_start3A_196 = tpu.memref_slice %arg17[%add3A_98, %dma_start3A_195] : memref<10240x64xf32, #tpu.memory_space<vmem_shared>> -> memref<80x64xf32, #tpu.memory_space<vmem_shared>>
      %dma_start3A_197 = arith.constant 0 : i32
      %dma_start3A_198 = tpu.memref_slice %arg17[%add3A_98, %dma_start3A_197] : memref<10240x64xf32, #tpu.memory_space<vmem_shared>> -> memref<80x64xf32, #tpu.memory_space<vmem_shared>>
      tpu.enqueue_dma source(%arg11 : memref<80x64xf32, #tpu.memory_space<vmem>>) target(%dma_start3A_198 : memref<80x64xf32, #tpu.memory_space<vmem_shared>>) target_semaphore(%run_scoped3A_194 : memref<!tpu.dma_semaphore, #tpu.memory_space<semaphore_mem>>)
      %dma_wait3A_199 = arith.constant 0 : i32
      %dma_wait3A_200 = tpu.memref_slice %arg17[%add3A_98, %dma_wait3A_199] : memref<10240x64xf32, #tpu.memory_space<vmem_shared>> -> memref<80x64xf32, #tpu.memory_space<vmem_shared>>
      %dma_wait3A_201 = arith.constant 0 : i32
      %dma_wait3A_202 = tpu.memref_slice %arg17[%add3A_98, %dma_wait3A_201] : memref<10240x64xf32, #tpu.memory_space<vmem_shared>> -> memref<80x64xf32, #tpu.memory_space<vmem_shared>>
      tpu.wait_dma2 semaphore(%run_scoped3A_194 : memref<!tpu.dma_semaphore, #tpu.memory_space<semaphore_mem>>) src(%arg11 : memref<80x64xf32, #tpu.memory_space<vmem>>) dst(%dma_wait3A_202 : memref<80x64xf32, #tpu.memory_space<vmem_shared>>)
      tpu.yield
    }) : () -> ()
    %add3A_99 = arith.constant 400 : i32
    %add3A_100 = arith.addi %mul3A_0, %add3A_99 : i32
    "tpu.region"() ({
      %run_scoped3A_194 = tpu.sem_alloc : memref<!tpu.dma_semaphore, #tpu.memory_space<semaphore_mem>>
      %dma_start3A_195 = arith.constant 0 : i32
      %dma_start3A_196 = tpu.memref_slice %arg17[%add3A_100, %dma_start3A_195] : memref<10240x64xf32, #tpu.memory_space<vmem_shared>> -> memref<80x64xf32, #tpu.memory_space<vmem_shared>>
      %dma_start3A_197 = arith.constant 0 : i32
      %dma_start3A_198 = tpu.memref_slice %arg17[%add3A_100, %dma_start3A_197] : memref<10240x64xf32, #tpu.memory_space<vmem_shared>> -> memref<80x64xf32, #tpu.memory_space<vmem_shared>>
      tpu.enqueue_dma source(%arg11 : memref<80x64xf32, #tpu.memory_space<vmem>>) target(%dma_start3A_198 : memref<80x64xf32, #tpu.memory_space<vmem_shared>>) target_semaphore(%run_scoped3A_194 : memref<!tpu.dma_semaphore, #tpu.memory_space<semaphore_mem>>)
      %dma_wait3A_199 = arith.constant 0 : i32
      %dma_wait3A_200 = tpu.memref_slice %arg17[%add3A_100, %dma_wait3A_199] : memref<10240x64xf32, #tpu.memory_space<vmem_shared>> -> memref<80x64xf32, #tpu.memory_space<vmem_shared>>
      %dma_wait3A_201 = arith.constant 0 : i32
      %dma_wait3A_202 = tpu.memref_slice %arg17[%add3A_100, %dma_wait3A_201] : memref<10240x64xf32, #tpu.memory_space<vmem_shared>> -> memref<80x64xf32, #tpu.memory_space<vmem_shared>>
      tpu.wait_dma2 semaphore(%run_scoped3A_194 : memref<!tpu.dma_semaphore, #tpu.memory_space<semaphore_mem>>) src(%arg11 : memref<80x64xf32, #tpu.memory_space<vmem>>) dst(%dma_wait3A_202 : memref<80x64xf32, #tpu.memory_space<vmem_shared>>)
      tpu.yield
    }) : () -> ()
    %add3A_101 = arith.constant 480 : i32
    %add3A_102 = arith.addi %mul3A_0, %add3A_101 : i32
    "tpu.region"() ({
      %run_scoped3A_194 = tpu.sem_alloc : memref<!tpu.dma_semaphore, #tpu.memory_space<semaphore_mem>>
      %dma_start3A_195 = arith.constant 0 : i32
      %dma_start3A_196 = tpu.memref_slice %arg17[%add3A_102, %dma_start3A_195] : memref<10240x64xf32, #tpu.memory_space<vmem_shared>> -> memref<80x64xf32, #tpu.memory_space<vmem_shared>>
      %dma_start3A_197 = arith.constant 0 : i32
      %dma_start3A_198 = tpu.memref_slice %arg17[%add3A_102, %dma_start3A_197] : memref<10240x64xf32, #tpu.memory_space<vmem_shared>> -> memref<80x64xf32, #tpu.memory_space<vmem_shared>>
      tpu.enqueue_dma source(%arg11 : memref<80x64xf32, #tpu.memory_space<vmem>>) target(%dma_start3A_198 : memref<80x64xf32, #tpu.memory_space<vmem_shared>>) target_semaphore(%run_scoped3A_194 : memref<!tpu.dma_semaphore, #tpu.memory_space<semaphore_mem>>)
      %dma_wait3A_199 = arith.constant 0 : i32
      %dma_wait3A_200 = tpu.memref_slice %arg17[%add3A_102, %dma_wait3A_199] : memref<10240x64xf32, #tpu.memory_space<vmem_shared>> -> memref<80x64xf32, #tpu.memory_space<vmem_shared>>
      %dma_wait3A_201 = arith.constant 0 : i32
      %dma_wait3A_202 = tpu.memref_slice %arg17[%add3A_102, %dma_wait3A_201] : memref<10240x64xf32, #tpu.memory_space<vmem_shared>> -> memref<80x64xf32, #tpu.memory_space<vmem_shared>>
      tpu.wait_dma2 semaphore(%run_scoped3A_194 : memref<!tpu.dma_semaphore, #tpu.memory_space<semaphore_mem>>) src(%arg11 : memref<80x64xf32, #tpu.memory_space<vmem>>) dst(%dma_wait3A_202 : memref<80x64xf32, #tpu.memory_space<vmem_shared>>)
      tpu.yield
    }) : () -> ()
    %add3A_103 = arith.constant 560 : i32
    %add3A_104 = arith.addi %mul3A_0, %add3A_103 : i32
    "tpu.region"() ({
      %run_scoped3A_194 = tpu.sem_alloc : memref<!tpu.dma_semaphore, #tpu.memory_space<semaphore_mem>>
      %dma_start3A_195 = arith.constant 0 : i32
      %dma_start3A_196 = tpu.memref_slice %arg17[%add3A_104, %dma_start3A_195] : memref<10240x64xf32, #tpu.memory_space<vmem_shared>> -> memref<80x64xf32, #tpu.memory_space<vmem_shared>>
      %dma_start3A_197 = arith.constant 0 : i32
      %dma_start3A_198 = tpu.memref_slice %arg17[%add3A_104, %dma_start3A_197] : memref<10240x64xf32, #tpu.memory_space<vmem_shared>> -> memref<80x64xf32, #tpu.memory_space<vmem_shared>>
      tpu.enqueue_dma source(%arg11 : memref<80x64xf32, #tpu.memory_space<vmem>>) target(%dma_start3A_198 : memref<80x64xf32, #tpu.memory_space<vmem_shared>>) target_semaphore(%run_scoped3A_194 : memref<!tpu.dma_semaphore, #tpu.memory_space<semaphore_mem>>)
      %dma_wait3A_199 = arith.constant 0 : i32
      %dma_wait3A_200 = tpu.memref_slice %arg17[%add3A_104, %dma_wait3A_199] : memref<10240x64xf32, #tpu.memory_space<vmem_shared>> -> memref<80x64xf32, #tpu.memory_space<vmem_shared>>
      %dma_wait3A_201 = arith.constant 0 : i32
      %dma_wait3A_202 = tpu.memref_slice %arg17[%add3A_104, %dma_wait3A_201] : memref<10240x64xf32, #tpu.memory_space<vmem_shared>> -> memref<80x64xf32, #tpu.memory_space<vmem_shared>>
      tpu.wait_dma2 semaphore(%run_scoped3A_194 : memref<!tpu.dma_semaphore, #tpu.memory_space<semaphore_mem>>) src(%arg11 : memref<80x64xf32, #tpu.memory_space<vmem>>) dst(%dma_wait3A_202 : memref<80x64xf32, #tpu.memory_space<vmem_shared>>)
      tpu.yield
    }) : () -> ()
    %barrier3A_105 = arith.constant 0 : index
    tpu.barrier barrier_id(%barrier3A_105)
    %dma_start3A = arith.constant 0 : i32
    %dma_start3A_106 = arith.constant 0 : i32
    %dma_start3A_107 = tpu.memref_slice %arg9[%dma_start3A, %dma_start3A_106] : memref<132x80xi32, #tpu.memory_space<vmem>> -> memref<1x80xi32, #tpu.memory_space<vmem>>
    %dma_start3A_108 = tpu.memref_squeeze %dma_start3A_107 : memref<1x80xi32, #tpu.memory_space<vmem>> -> memref<80xi32, #tpu.memory_space<vmem>>
    %dma_start3A_109 = arith.constant 0 : i32
    %dma_start3A_110 = arith.constant 0 : i32
    %dma_start3A_111 = tpu.memref_slice %arg16[%dma_start3A_109, %dma_start3A_110] : memref<10000x64xf32, #tpu.memory_space<vmem_shared>> -> memref<10000x64xf32, #tpu.memory_space<vmem_shared>>
    tpu.enqueue_indirect_dma source(%dma_start3A_111 : memref<10000x64xf32, #tpu.memory_space<vmem_shared>>) target(%arg11 : memref<80x64xf32, #tpu.memory_space<vmem>>) offsets(%dma_start3A_108 : memref<80xi32, #tpu.memory_space<vmem>>) semaphore(%arg19 : memref<!tpu.dma_semaphore, #tpu.memory_space<semaphore_mem>>)
    %dma_start3A_112 = arith.constant 1 : i32
    %dma_start3A_113 = arith.constant 0 : i32
    %dma_start3A_114 = tpu.memref_slice %arg9[%dma_start3A_112, %dma_start3A_113] : memref<132x80xi32, #tpu.memory_space<vmem>> -> memref<1x80xi32, #tpu.memory_space<vmem>>
    %dma_start3A_115 = tpu.memref_squeeze %dma_start3A_114 : memref<1x80xi32, #tpu.memory_space<vmem>> -> memref<80xi32, #tpu.memory_space<vmem>>
    %dma_start3A_116 = arith.constant 0 : i32
    %dma_start3A_117 = arith.constant 0 : i32
    %dma_start3A_118 = tpu.memref_slice %arg16[%dma_start3A_116, %dma_start3A_117] : memref<10000x64xf32, #tpu.memory_space<vmem_shared>> -> memref<10000x64xf32, #tpu.memory_space<vmem_shared>>
    tpu.enqueue_indirect_dma source(%dma_start3A_118 : memref<10000x64xf32, #tpu.memory_space<vmem_shared>>) target(%arg12 : memref<80x64xf32, #tpu.memory_space<vmem>>) offsets(%dma_start3A_115 : memref<80xi32, #tpu.memory_space<vmem>>) semaphore(%arg20 : memref<!tpu.dma_semaphore, #tpu.memory_space<semaphore_mem>>)
    %dma_wait3A = arith.constant 0 : i32
    %dma_wait3A_119 = arith.constant 0 : i32
    %dma_wait3A_120 = tpu.memref_slice %arg9[%dma_wait3A, %dma_wait3A_119] : memref<132x80xi32, #tpu.memory_space<vmem>> -> memref<1x80xi32, #tpu.memory_space<vmem>>
    %dma_wait3A_121 = tpu.memref_squeeze %dma_wait3A_120 : memref<1x80xi32, #tpu.memory_space<vmem>> -> memref<80xi32, #tpu.memory_space<vmem>>
    %dma_wait3A_122 = arith.constant 0 : i32
    %dma_wait3A_123 = arith.constant 0 : i32
    %dma_wait3A_124 = tpu.memref_slice %arg16[%dma_wait3A_122, %dma_wait3A_123] : memref<10000x64xf32, #tpu.memory_space<vmem_shared>> -> memref<10000x64xf32, #tpu.memory_space<vmem_shared>>
    tpu.wait_indirect_dma semaphore(%arg19 : memref<!tpu.dma_semaphore, #tpu.memory_space<semaphore_mem>>) src(%dma_wait3A_124 : memref<10000x64xf32, #tpu.memory_space<vmem_shared>>) dst(%arg11 : memref<80x64xf32, #tpu.memory_space<vmem>>)
    %dma_start3A_125 = arith.constant 0 : i32
    %dma_start3A_126 = arith.constant 0 : i32
    %dma_start3A_127 = tpu.memref_slice %arg10[%dma_start3A_125, %dma_start3A_126] : memref<132x80xi32, #tpu.memory_space<vmem>> -> memref<1x80xi32, #tpu.memory_space<vmem>>
    %dma_start3A_128 = tpu.memref_squeeze %dma_start3A_127 : memref<1x80xi32, #tpu.memory_space<vmem>> -> memref<80xi32, #tpu.memory_space<vmem>>
    %dma_start3A_129 = arith.constant 0 : i32
    %dma_start3A_130 = arith.constant 0 : i32
    %dma_start3A_131 = tpu.memref_slice %arg17[%dma_start3A_129, %dma_start3A_130] : memref<10240x64xf32, #tpu.memory_space<vmem_shared>> -> memref<10240x64xf32, #tpu.memory_space<vmem_shared>>
    tpu.enqueue_indirect_dma source(%arg11 : memref<80x64xf32, #tpu.memory_space<vmem>>) target(%dma_start3A_131 : memref<10240x64xf32, #tpu.memory_space<vmem_shared>>) offsets(%dma_start3A_128 : memref<80xi32, #tpu.memory_space<vmem>>) semaphore(%arg23 : memref<!tpu.dma_semaphore, #tpu.memory_space<semaphore_mem>>) {add = true}
    %dma_start3A_132 = arith.constant 2 : i32
    %dma_start3A_133 = arith.constant 0 : i32
    %dma_start3A_134 = tpu.memref_slice %arg9[%dma_start3A_132, %dma_start3A_133] : memref<132x80xi32, #tpu.memory_space<vmem>> -> memref<1x80xi32, #tpu.memory_space<vmem>>
    %dma_start3A_135 = tpu.memref_squeeze %dma_start3A_134 : memref<1x80xi32, #tpu.memory_space<vmem>> -> memref<80xi32, #tpu.memory_space<vmem>>
    %dma_start3A_136 = arith.constant 0 : i32
    %dma_start3A_137 = arith.constant 0 : i32
    %dma_start3A_138 = tpu.memref_slice %arg16[%dma_start3A_136, %dma_start3A_137] : memref<10000x64xf32, #tpu.memory_space<vmem_shared>> -> memref<10000x64xf32, #tpu.memory_space<vmem_shared>>
    tpu.enqueue_indirect_dma source(%dma_start3A_138 : memref<10000x64xf32, #tpu.memory_space<vmem_shared>>) target(%arg13 : memref<80x64xf32, #tpu.memory_space<vmem>>) offsets(%dma_start3A_135 : memref<80xi32, #tpu.memory_space<vmem>>) semaphore(%arg21 : memref<!tpu.dma_semaphore, #tpu.memory_space<semaphore_mem>>)
    %dma_wait3A_139 = arith.constant 1 : i32
    %dma_wait3A_140 = arith.constant 0 : i32
    %dma_wait3A_141 = tpu.memref_slice %arg9[%dma_wait3A_139, %dma_wait3A_140] : memref<132x80xi32, #tpu.memory_space<vmem>> -> memref<1x80xi32, #tpu.memory_space<vmem>>
    %dma_wait3A_142 = tpu.memref_squeeze %dma_wait3A_141 : memref<1x80xi32, #tpu.memory_space<vmem>> -> memref<80xi32, #tpu.memory_space<vmem>>
    %dma_wait3A_143 = arith.constant 0 : i32
    %dma_wait3A_144 = arith.constant 0 : i32
    %dma_wait3A_145 = tpu.memref_slice %arg16[%dma_wait3A_143, %dma_wait3A_144] : memref<10000x64xf32, #tpu.memory_space<vmem_shared>> -> memref<10000x64xf32, #tpu.memory_space<vmem_shared>>
    tpu.wait_indirect_dma semaphore(%arg20 : memref<!tpu.dma_semaphore, #tpu.memory_space<semaphore_mem>>) src(%dma_wait3A_145 : memref<10000x64xf32, #tpu.memory_space<vmem_shared>>) dst(%arg12 : memref<80x64xf32, #tpu.memory_space<vmem>>)
    %dma_start3A_146 = arith.constant 1 : i32
    %dma_start3A_147 = arith.constant 0 : i32
    %dma_start3A_148 = tpu.memref_slice %arg10[%dma_start3A_146, %dma_start3A_147] : memref<132x80xi32, #tpu.memory_space<vmem>> -> memref<1x80xi32, #tpu.memory_space<vmem>>
    %dma_start3A_149 = tpu.memref_squeeze %dma_start3A_148 : memref<1x80xi32, #tpu.memory_space<vmem>> -> memref<80xi32, #tpu.memory_space<vmem>>
    %dma_start3A_150 = arith.constant 0 : i32
    %dma_start3A_151 = arith.constant 0 : i32
    %dma_start3A_152 = tpu.memref_slice %arg17[%dma_start3A_150, %dma_start3A_151] : memref<10240x64xf32, #tpu.memory_space<vmem_shared>> -> memref<10240x64xf32, #tpu.memory_space<vmem_shared>>
    tpu.enqueue_indirect_dma source(%arg12 : memref<80x64xf32, #tpu.memory_space<vmem>>) target(%dma_start3A_152 : memref<10240x64xf32, #tpu.memory_space<vmem_shared>>) offsets(%dma_start3A_149 : memref<80xi32, #tpu.memory_space<vmem>>) semaphore(%arg24 : memref<!tpu.dma_semaphore, #tpu.memory_space<semaphore_mem>>) {add = true}
    %dma_start3A_153 = arith.constant 3 : i32
    %dma_start3A_154 = arith.constant 0 : i32
    %dma_start3A_155 = tpu.memref_slice %arg9[%dma_start3A_153, %dma_start3A_154] : memref<132x80xi32, #tpu.memory_space<vmem>> -> memref<1x80xi32, #tpu.memory_space<vmem>>
    %dma_start3A_156 = tpu.memref_squeeze %dma_start3A_155 : memref<1x80xi32, #tpu.memory_space<vmem>> -> memref<80xi32, #tpu.memory_space<vmem>>
    %dma_start3A_157 = arith.constant 0 : i32
    %dma_start3A_158 = arith.constant 0 : i32
    %dma_start3A_159 = tpu.memref_slice %arg16[%dma_start3A_157, %dma_start3A_158] : memref<10000x64xf32, #tpu.memory_space<vmem_shared>> -> memref<10000x64xf32, #tpu.memory_space<vmem_shared>>
    tpu.enqueue_indirect_dma source(%dma_start3A_159 : memref<10000x64xf32, #tpu.memory_space<vmem_shared>>) target(%arg14 : memref<80x64xf32, #tpu.memory_space<vmem>>) offsets(%dma_start3A_156 : memref<80xi32, #tpu.memory_space<vmem>>) semaphore(%arg22 : memref<!tpu.dma_semaphore, #tpu.memory_space<semaphore_mem>>)
    %scan3A = arith.constant 0 : i32
    %scan3A_160 = arith.constant 0 : i32
    %scan3A_161 = arith.constant 32 : i32
    %scan3A_162 = arith.addi %scan3A_160, %scan3A_161 : i32
    %scan3A_163 = arith.constant 1 : i32
    scf.for %scan3A_194 = %scan3A_160 to %scan3A_162 step %scan3A_163  : i32 {
      %mul3A_195 = arith.constant 4 : i32
      %mul3A_196 = arith.muli %mul3A_195, %scan3A_194 : i32
      %add3A_197 = arith.constant 2 : i32
      %add3A_198 = arith.addi %mul3A_196, %add3A_197 : i32
      %dma_wait3A_199 = arith.constant 0 : i32
      %dma_wait3A_200 = tpu.memref_slice %arg9[%add3A_198, %dma_wait3A_199] : memref<132x80xi32, #tpu.memory_space<vmem>> -> memref<1x80xi32, #tpu.memory_space<vmem>>
      %dma_wait3A_201 = tpu.memref_squeeze %dma_wait3A_200 : memref<1x80xi32, #tpu.memory_space<vmem>> -> memref<80xi32, #tpu.memory_space<vmem>>
      %dma_wait3A_202 = arith.constant 0 : i32
      %dma_wait3A_203 = arith.constant 0 : i32
      %dma_wait3A_204 = tpu.memref_slice %arg16[%dma_wait3A_202, %dma_wait3A_203] : memref<10000x64xf32, #tpu.memory_space<vmem_shared>> -> memref<10000x64xf32, #tpu.memory_space<vmem_shared>>
      tpu.wait_indirect_dma semaphore(%arg21 : memref<!tpu.dma_semaphore, #tpu.memory_space<semaphore_mem>>) src(%dma_wait3A_204 : memref<10000x64xf32, #tpu.memory_space<vmem_shared>>) dst(%arg13 : memref<80x64xf32, #tpu.memory_space<vmem>>)
      %dma_start3A_205 = arith.constant 0 : i32
      %dma_start3A_206 = tpu.memref_slice %arg10[%add3A_198, %dma_start3A_205] : memref<132x80xi32, #tpu.memory_space<vmem>> -> memref<1x80xi32, #tpu.memory_space<vmem>>
      %dma_start3A_207 = tpu.memref_squeeze %dma_start3A_206 : memref<1x80xi32, #tpu.memory_space<vmem>> -> memref<80xi32, #tpu.memory_space<vmem>>
      %dma_start3A_208 = arith.constant 0 : i32
      %dma_start3A_209 = arith.constant 0 : i32
      %dma_start3A_210 = tpu.memref_slice %arg17[%dma_start3A_208, %dma_start3A_209] : memref<10240x64xf32, #tpu.memory_space<vmem_shared>> -> memref<10240x64xf32, #tpu.memory_space<vmem_shared>>
      tpu.enqueue_indirect_dma source(%arg13 : memref<80x64xf32, #tpu.memory_space<vmem>>) target(%dma_start3A_210 : memref<10240x64xf32, #tpu.memory_space<vmem_shared>>) offsets(%dma_start3A_207 : memref<80xi32, #tpu.memory_space<vmem>>) semaphore(%arg25 : memref<!tpu.dma_semaphore, #tpu.memory_space<semaphore_mem>>) {add = true}
      %sub3A = arith.constant 2 : i32
      %sub3A_211 = arith.subi %add3A_198, %sub3A : i32
      %dma_wait3A_212 = arith.constant 0 : i32
      %dma_wait3A_213 = tpu.memref_slice %arg10[%sub3A_211, %dma_wait3A_212] : memref<132x80xi32, #tpu.memory_space<vmem>> -> memref<1x80xi32, #tpu.memory_space<vmem>>
      %dma_wait3A_214 = tpu.memref_squeeze %dma_wait3A_213 : memref<1x80xi32, #tpu.memory_space<vmem>> -> memref<80xi32, #tpu.memory_space<vmem>>
      %dma_wait3A_215 = arith.constant 0 : i32
      %dma_wait3A_216 = arith.constant 0 : i32
      %dma_wait3A_217 = tpu.memref_slice %arg17[%dma_wait3A_215, %dma_wait3A_216] : memref<10240x64xf32, #tpu.memory_space<vmem_shared>> -> memref<10240x64xf32, #tpu.memory_space<vmem_shared>>
      tpu.wait_indirect_dma semaphore(%arg23 : memref<!tpu.dma_semaphore, #tpu.memory_space<semaphore_mem>>) src(%arg11 : memref<80x64xf32, #tpu.memory_space<vmem>>) dst(%dma_wait3A_217 : memref<10240x64xf32, #tpu.memory_space<vmem_shared>>)
      %add3A_218 = arith.constant 2 : i32
      %add3A_219 = arith.addi %add3A_198, %add3A_218 : i32
      %dma_start3A_220 = arith.constant 0 : i32
      %dma_start3A_221 = tpu.memref_slice %arg9[%add3A_219, %dma_start3A_220] : memref<132x80xi32, #tpu.memory_space<vmem>> -> memref<1x80xi32, #tpu.memory_space<vmem>>
      %dma_start3A_222 = tpu.memref_squeeze %dma_start3A_221 : memref<1x80xi32, #tpu.memory_space<vmem>> -> memref<80xi32, #tpu.memory_space<vmem>>
      %dma_start3A_223 = arith.constant 0 : i32
      %dma_start3A_224 = arith.constant 0 : i32
      %dma_start3A_225 = tpu.memref_slice %arg16[%dma_start3A_223, %dma_start3A_224] : memref<10000x64xf32, #tpu.memory_space<vmem_shared>> -> memref<10000x64xf32, #tpu.memory_space<vmem_shared>>
      tpu.enqueue_indirect_dma source(%dma_start3A_225 : memref<10000x64xf32, #tpu.memory_space<vmem_shared>>) target(%arg11 : memref<80x64xf32, #tpu.memory_space<vmem>>) offsets(%dma_start3A_222 : memref<80xi32, #tpu.memory_space<vmem>>) semaphore(%arg19 : memref<!tpu.dma_semaphore, #tpu.memory_space<semaphore_mem>>)
      %add3A_226 = arith.constant 1 : i32
      %add3A_227 = arith.addi %add3A_198, %add3A_226 : i32
      %dma_wait3A_228 = arith.constant 0 : i32
      %dma_wait3A_229 = tpu.memref_slice %arg9[%add3A_227, %dma_wait3A_228] : memref<132x80xi32, #tpu.memory_space<vmem>> -> memref<1x80xi32, #tpu.memory_space<vmem>>
      %dma_wait3A_230 = tpu.memref_squeeze %dma_wait3A_229 : memref<1x80xi32, #tpu.memory_space<vmem>> -> memref<80xi32, #tpu.memory_space<vmem>>
      %dma_wait3A_231 = arith.constant 0 : i32
      %dma_wait3A_232 = arith.constant 0 : i32
      %dma_wait3A_233 = tpu.memref_slice %arg16[%dma_wait3A_231, %dma_wait3A_232] : memref<10000x64xf32, #tpu.memory_space<vmem_shared>> -> memref<10000x64xf32, #tpu.memory_space<vmem_shared>>
      tpu.wait_indirect_dma semaphore(%arg22 : memref<!tpu.dma_semaphore, #tpu.memory_space<semaphore_mem>>) src(%dma_wait3A_233 : memref<10000x64xf32, #tpu.memory_space<vmem_shared>>) dst(%arg14 : memref<80x64xf32, #tpu.memory_space<vmem>>)
      %dma_start3A_234 = arith.constant 0 : i32
      %dma_start3A_235 = tpu.memref_slice %arg10[%add3A_227, %dma_start3A_234] : memref<132x80xi32, #tpu.memory_space<vmem>> -> memref<1x80xi32, #tpu.memory_space<vmem>>
      %dma_start3A_236 = tpu.memref_squeeze %dma_start3A_235 : memref<1x80xi32, #tpu.memory_space<vmem>> -> memref<80xi32, #tpu.memory_space<vmem>>
      %dma_start3A_237 = arith.constant 0 : i32
      %dma_start3A_238 = arith.constant 0 : i32
      %dma_start3A_239 = tpu.memref_slice %arg17[%dma_start3A_237, %dma_start3A_238] : memref<10240x64xf32, #tpu.memory_space<vmem_shared>> -> memref<10240x64xf32, #tpu.memory_space<vmem_shared>>
      tpu.enqueue_indirect_dma source(%arg14 : memref<80x64xf32, #tpu.memory_space<vmem>>) target(%dma_start3A_239 : memref<10240x64xf32, #tpu.memory_space<vmem_shared>>) offsets(%dma_start3A_236 : memref<80xi32, #tpu.memory_space<vmem>>) semaphore(%arg26 : memref<!tpu.dma_semaphore, #tpu.memory_space<semaphore_mem>>) {add = true}
      %sub3A_240 = arith.constant 2 : i32
      %sub3A_241 = arith.subi %add3A_227, %sub3A_240 : i32
      %dma_wait3A_242 = arith.constant 0 : i32
      %dma_wait3A_243 = tpu.memref_slice %arg10[%sub3A_241, %dma_wait3A_242] : memref<132x80xi32, #tpu.memory_space<vmem>> -> memref<1x80xi32, #tpu.memory_space<vmem>>
      %dma_wait3A_244 = tpu.memref_squeeze %dma_wait3A_243 : memref<1x80xi32, #tpu.memory_space<vmem>> -> memref<80xi32, #tpu.memory_space<vmem>>
      %dma_wait3A_245 = arith.constant 0 : i32
      %dma_wait3A_246 = arith.constant 0 : i32
      %dma_wait3A_247 = tpu.memref_slice %arg17[%dma_wait3A_245, %dma_wait3A_246] : memref<10240x64xf32, #tpu.memory_space<vmem_shared>> -> memref<10240x64xf32, #tpu.memory_space<vmem_shared>>
      tpu.wait_indirect_dma semaphore(%arg24 : memref<!tpu.dma_semaphore, #tpu.memory_space<semaphore_mem>>) src(%arg12 : memref<80x64xf32, #tpu.memory_space<vmem>>) dst(%dma_wait3A_247 : memref<10240x64xf32, #tpu.memory_space<vmem_shared>>)
      %add3A_248 = arith.constant 2 : i32
      %add3A_249 = arith.addi %add3A_227, %add3A_248 : i32
      %dma_start3A_250 = arith.constant 0 : i32
      %dma_start3A_251 = tpu.memref_slice %arg9[%add3A_249, %dma_start3A_250] : memref<132x80xi32, #tpu.memory_space<vmem>> -> memref<1x80xi32, #tpu.memory_space<vmem>>
      %dma_start3A_252 = tpu.memref_squeeze %dma_start3A_251 : memref<1x80xi32, #tpu.memory_space<vmem>> -> memref<80xi32, #tpu.memory_space<vmem>>
      %dma_start3A_253 = arith.constant 0 : i32
      %dma_start3A_254 = arith.constant 0 : i32
      %dma_start3A_255 = tpu.memref_slice %arg16[%dma_start3A_253, %dma_start3A_254] : memref<10000x64xf32, #tpu.memory_space<vmem_shared>> -> memref<10000x64xf32, #tpu.memory_space<vmem_shared>>
      tpu.enqueue_indirect_dma source(%dma_start3A_255 : memref<10000x64xf32, #tpu.memory_space<vmem_shared>>) target(%arg12 : memref<80x64xf32, #tpu.memory_space<vmem>>) offsets(%dma_start3A_252 : memref<80xi32, #tpu.memory_space<vmem>>) semaphore(%arg20 : memref<!tpu.dma_semaphore, #tpu.memory_space<semaphore_mem>>)
      %add3A_256 = arith.constant 2 : i32
      %add3A_257 = arith.addi %add3A_198, %add3A_256 : i32
      %dma_wait3A_258 = arith.constant 0 : i32
      %dma_wait3A_259 = tpu.memref_slice %arg9[%add3A_257, %dma_wait3A_258] : memref<132x80xi32, #tpu.memory_space<vmem>> -> memref<1x80xi32, #tpu.memory_space<vmem>>
      %dma_wait3A_260 = tpu.memref_squeeze %dma_wait3A_259 : memref<1x80xi32, #tpu.memory_space<vmem>> -> memref<80xi32, #tpu.memory_space<vmem>>
      %dma_wait3A_261 = arith.constant 0 : i32
      %dma_wait3A_262 = arith.constant 0 : i32
      %dma_wait3A_263 = tpu.memref_slice %arg16[%dma_wait3A_261, %dma_wait3A_262] : memref<10000x64xf32, #tpu.memory_space<vmem_shared>> -> memref<10000x64xf32, #tpu.memory_space<vmem_shared>>
      tpu.wait_indirect_dma semaphore(%arg19 : memref<!tpu.dma_semaphore, #tpu.memory_space<semaphore_mem>>) src(%dma_wait3A_263 : memref<10000x64xf32, #tpu.memory_space<vmem_shared>>) dst(%arg11 : memref<80x64xf32, #tpu.memory_space<vmem>>)
      %dma_start3A_264 = arith.constant 0 : i32
      %dma_start3A_265 = tpu.memref_slice %arg10[%add3A_257, %dma_start3A_264] : memref<132x80xi32, #tpu.memory_space<vmem>> -> memref<1x80xi32, #tpu.memory_space<vmem>>
      %dma_start3A_266 = tpu.memref_squeeze %dma_start3A_265 : memref<1x80xi32, #tpu.memory_space<vmem>> -> memref<80xi32, #tpu.memory_space<vmem>>
      %dma_start3A_267 = arith.constant 0 : i32
      %dma_start3A_268 = arith.constant 0 : i32
      %dma_start3A_269 = tpu.memref_slice %arg17[%dma_start3A_267, %dma_start3A_268] : memref<10240x64xf32, #tpu.memory_space<vmem_shared>> -> memref<10240x64xf32, #tpu.memory_space<vmem_shared>>
      tpu.enqueue_indirect_dma source(%arg11 : memref<80x64xf32, #tpu.memory_space<vmem>>) target(%dma_start3A_269 : memref<10240x64xf32, #tpu.memory_space<vmem_shared>>) offsets(%dma_start3A_266 : memref<80xi32, #tpu.memory_space<vmem>>) semaphore(%arg23 : memref<!tpu.dma_semaphore, #tpu.memory_space<semaphore_mem>>) {add = true}
      %sub3A_270 = arith.constant 2 : i32
      %sub3A_271 = arith.subi %add3A_257, %sub3A_270 : i32
      %dma_wait3A_272 = arith.constant 0 : i32
      %dma_wait3A_273 = tpu.memref_slice %arg10[%sub3A_271, %dma_wait3A_272] : memref<132x80xi32, #tpu.memory_space<vmem>> -> memref<1x80xi32, #tpu.memory_space<vmem>>
      %dma_wait3A_274 = tpu.memref_squeeze %dma_wait3A_273 : memref<1x80xi32, #tpu.memory_space<vmem>> -> memref<80xi32, #tpu.memory_space<vmem>>
      %dma_wait3A_275 = arith.constant 0 : i32
      %dma_wait3A_276 = arith.constant 0 : i32
      %dma_wait3A_277 = tpu.memref_slice %arg17[%dma_wait3A_275, %dma_wait3A_276] : memref<10240x64xf32, #tpu.memory_space<vmem_shared>> -> memref<10240x64xf32, #tpu.memory_space<vmem_shared>>
      tpu.wait_indirect_dma semaphore(%arg25 : memref<!tpu.dma_semaphore, #tpu.memory_space<semaphore_mem>>) src(%arg13 : memref<80x64xf32, #tpu.memory_space<vmem>>) dst(%dma_wait3A_277 : memref<10240x64xf32, #tpu.memory_space<vmem_shared>>)
      %add3A_278 = arith.constant 2 : i32
      %add3A_279 = arith.addi %add3A_257, %add3A_278 : i32
      %dma_start3A_280 = arith.constant 0 : i32
      %dma_start3A_281 = tpu.memref_slice %arg9[%add3A_279, %dma_start3A_280] : memref<132x80xi32, #tpu.memory_space<vmem>> -> memref<1x80xi32, #tpu.memory_space<vmem>>
      %dma_start3A_282 = tpu.memref_squeeze %dma_start3A_281 : memref<1x80xi32, #tpu.memory_space<vmem>> -> memref<80xi32, #tpu.memory_space<vmem>>
      %dma_start3A_283 = arith.constant 0 : i32
      %dma_start3A_284 = arith.constant 0 : i32
      %dma_start3A_285 = tpu.memref_slice %arg16[%dma_start3A_283, %dma_start3A_284] : memref<10000x64xf32, #tpu.memory_space<vmem_shared>> -> memref<10000x64xf32, #tpu.memory_space<vmem_shared>>
      tpu.enqueue_indirect_dma source(%dma_start3A_285 : memref<10000x64xf32, #tpu.memory_space<vmem_shared>>) target(%arg13 : memref<80x64xf32, #tpu.memory_space<vmem>>) offsets(%dma_start3A_282 : memref<80xi32, #tpu.memory_space<vmem>>) semaphore(%arg21 : memref<!tpu.dma_semaphore, #tpu.memory_space<semaphore_mem>>)
      %add3A_286 = arith.constant 3 : i32
      %add3A_287 = arith.addi %add3A_198, %add3A_286 : i32
      %dma_wait3A_288 = arith.constant 0 : i32
      %dma_wait3A_289 = tpu.memref_slice %arg9[%add3A_287, %dma_wait3A_288] : memref<132x80xi32, #tpu.memory_space<vmem>> -> memref<1x80xi32, #tpu.memory_space<vmem>>
      %dma_wait3A_290 = tpu.memref_squeeze %dma_wait3A_289 : memref<1x80xi32, #tpu.memory_space<vmem>> -> memref<80xi32, #tpu.memory_space<vmem>>
      %dma_wait3A_291 = arith.constant 0 : i32
      %dma_wait3A_292 = arith.constant 0 : i32
      %dma_wait3A_293 = tpu.memref_slice %arg16[%dma_wait3A_291, %dma_wait3A_292] : memref<10000x64xf32, #tpu.memory_space<vmem_shared>> -> memref<10000x64xf32, #tpu.memory_space<vmem_shared>>
      tpu.wait_indirect_dma semaphore(%arg20 : memref<!tpu.dma_semaphore, #tpu.memory_space<semaphore_mem>>) src(%dma_wait3A_293 : memref<10000x64xf32, #tpu.memory_space<vmem_shared>>) dst(%arg12 : memref<80x64xf32, #tpu.memory_space<vmem>>)
      %dma_start3A_294 = arith.constant 0 : i32
      %dma_start3A_295 = tpu.memref_slice %arg10[%add3A_287, %dma_start3A_294] : memref<132x80xi32, #tpu.memory_space<vmem>> -> memref<1x80xi32, #tpu.memory_space<vmem>>
      %dma_start3A_296 = tpu.memref_squeeze %dma_start3A_295 : memref<1x80xi32, #tpu.memory_space<vmem>> -> memref<80xi32, #tpu.memory_space<vmem>>
      %dma_start3A_297 = arith.constant 0 : i32
      %dma_start3A_298 = arith.constant 0 : i32
      %dma_start3A_299 = tpu.memref_slice %arg17[%dma_start3A_297, %dma_start3A_298] : memref<10240x64xf32, #tpu.memory_space<vmem_shared>> -> memref<10240x64xf32, #tpu.memory_space<vmem_shared>>
      tpu.enqueue_indirect_dma source(%arg12 : memref<80x64xf32, #tpu.memory_space<vmem>>) target(%dma_start3A_299 : memref<10240x64xf32, #tpu.memory_space<vmem_shared>>) offsets(%dma_start3A_296 : memref<80xi32, #tpu.memory_space<vmem>>) semaphore(%arg24 : memref<!tpu.dma_semaphore, #tpu.memory_space<semaphore_mem>>) {add = true}
      %sub3A_300 = arith.constant 2 : i32
      %sub3A_301 = arith.subi %add3A_287, %sub3A_300 : i32
      %dma_wait3A_302 = arith.constant 0 : i32
      %dma_wait3A_303 = tpu.memref_slice %arg10[%sub3A_301, %dma_wait3A_302] : memref<132x80xi32, #tpu.memory_space<vmem>> -> memref<1x80xi32, #tpu.memory_space<vmem>>
      %dma_wait3A_304 = tpu.memref_squeeze %dma_wait3A_303 : memref<1x80xi32, #tpu.memory_space<vmem>> -> memref<80xi32, #tpu.memory_space<vmem>>
      %dma_wait3A_305 = arith.constant 0 : i32
      %dma_wait3A_306 = arith.constant 0 : i32
      %dma_wait3A_307 = tpu.memref_slice %arg17[%dma_wait3A_305, %dma_wait3A_306] : memref<10240x64xf32, #tpu.memory_space<vmem_shared>> -> memref<10240x64xf32, #tpu.memory_space<vmem_shared>>
      tpu.wait_indirect_dma semaphore(%arg26 : memref<!tpu.dma_semaphore, #tpu.memory_space<semaphore_mem>>) src(%arg14 : memref<80x64xf32, #tpu.memory_space<vmem>>) dst(%dma_wait3A_307 : memref<10240x64xf32, #tpu.memory_space<vmem_shared>>)
      %add3A_308 = arith.constant 2 : i32
      %add3A_309 = arith.addi %add3A_287, %add3A_308 : i32
      %dma_start3A_310 = arith.constant 0 : i32
      %dma_start3A_311 = tpu.memref_slice %arg9[%add3A_309, %dma_start3A_310] : memref<132x80xi32, #tpu.memory_space<vmem>> -> memref<1x80xi32, #tpu.memory_space<vmem>>
      %dma_start3A_312 = tpu.memref_squeeze %dma_start3A_311 : memref<1x80xi32, #tpu.memory_space<vmem>> -> memref<80xi32, #tpu.memory_space<vmem>>
      %dma_start3A_313 = arith.constant 0 : i32
      %dma_start3A_314 = arith.constant 0 : i32
      %dma_start3A_315 = tpu.memref_slice %arg16[%dma_start3A_313, %dma_start3A_314] : memref<10000x64xf32, #tpu.memory_space<vmem_shared>> -> memref<10000x64xf32, #tpu.memory_space<vmem_shared>>
      tpu.enqueue_indirect_dma source(%dma_start3A_315 : memref<10000x64xf32, #tpu.memory_space<vmem_shared>>) target(%arg14 : memref<80x64xf32, #tpu.memory_space<vmem>>) offsets(%dma_start3A_312 : memref<80xi32, #tpu.memory_space<vmem>>) semaphore(%arg22 : memref<!tpu.dma_semaphore, #tpu.memory_space<semaphore_mem>>)
    }
    %scan3A_164 = arith.constant 32 : i32
    %dma_wait3A_165 = arith.constant 128 : i32
    %dma_wait3A_166 = arith.constant 0 : i32
    %dma_wait3A_167 = tpu.memref_slice %arg10[%dma_wait3A_165, %dma_wait3A_166] : memref<132x80xi32, #tpu.memory_space<vmem>> -> memref<1x80xi32, #tpu.memory_space<vmem>>
    %dma_wait3A_168 = tpu.memref_squeeze %dma_wait3A_167 : memref<1x80xi32, #tpu.memory_space<vmem>> -> memref<80xi32, #tpu.memory_space<vmem>>
    %dma_wait3A_169 = arith.constant 0 : i32
    %dma_wait3A_170 = arith.constant 0 : i32
    %dma_wait3A_171 = tpu.memref_slice %arg17[%dma_wait3A_169, %dma_wait3A_170] : memref<10240x64xf32, #tpu.memory_space<vmem_shared>> -> memref<10240x64xf32, #tpu.memory_space<vmem_shared>>
    tpu.wait_indirect_dma semaphore(%arg23 : memref<!tpu.dma_semaphore, #tpu.memory_space<semaphore_mem>>) src(%arg11 : memref<80x64xf32, #tpu.memory_space<vmem>>) dst(%dma_wait3A_171 : memref<10240x64xf32, #tpu.memory_space<vmem_shared>>)
    %dma_wait3A_172 = arith.constant 129 : i32
    %dma_wait3A_173 = arith.constant 0 : i32
    %dma_wait3A_174 = tpu.memref_slice %arg10[%dma_wait3A_172, %dma_wait3A_173] : memref<132x80xi32, #tpu.memory_space<vmem>> -> memref<1x80xi32, #tpu.memory_space<vmem>>
    %dma_wait3A_175 = tpu.memref_squeeze %dma_wait3A_174 : memref<1x80xi32, #tpu.memory_space<vmem>> -> memref<80xi32, #tpu.memory_space<vmem>>
    %dma_wait3A_176 = arith.constant 0 : i32
    %dma_wait3A_177 = arith.constant 0 : i32
    %dma_wait3A_178 = tpu.memref_slice %arg17[%dma_wait3A_176, %dma_wait3A_177] : memref<10240x64xf32, #tpu.memory_space<vmem_shared>> -> memref<10240x64xf32, #tpu.memory_space<vmem_shared>>
    tpu.wait_indirect_dma semaphore(%arg24 : memref<!tpu.dma_semaphore, #tpu.memory_space<semaphore_mem>>) src(%arg12 : memref<80x64xf32, #tpu.memory_space<vmem>>) dst(%dma_wait3A_178 : memref<10240x64xf32, #tpu.memory_space<vmem_shared>>)
    %dma_wait3A_179 = arith.constant 130 : i32
    %dma_wait3A_180 = arith.constant 0 : i32
    %dma_wait3A_181 = tpu.memref_slice %arg9[%dma_wait3A_179, %dma_wait3A_180] : memref<132x80xi32, #tpu.memory_space<vmem>> -> memref<1x80xi32, #tpu.memory_space<vmem>>
    %dma_wait3A_182 = tpu.memref_squeeze %dma_wait3A_181 : memref<1x80xi32, #tpu.memory_space<vmem>> -> memref<80xi32, #tpu.memory_space<vmem>>
    %dma_wait3A_183 = arith.constant 0 : i32
    %dma_wait3A_184 = arith.constant 0 : i32
    %dma_wait3A_185 = tpu.memref_slice %arg16[%dma_wait3A_183, %dma_wait3A_184] : memref<10000x64xf32, #tpu.memory_space<vmem_shared>> -> memref<10000x64xf32, #tpu.memory_space<vmem_shared>>
    tpu.wait_indirect_dma semaphore(%arg21 : memref<!tpu.dma_semaphore, #tpu.memory_space<semaphore_mem>>) src(%dma_wait3A_185 : memref<10000x64xf32, #tpu.memory_space<vmem_shared>>) dst(%arg13 : memref<80x64xf32, #tpu.memory_space<vmem>>)
    %dma_wait3A_186 = arith.constant 131 : i32
    %dma_wait3A_187 = arith.constant 0 : i32
    %dma_wait3A_188 = tpu.memref_slice %arg9[%dma_wait3A_186, %dma_wait3A_187] : memref<132x80xi32, #tpu.memory_space<vmem>> -> memref<1x80xi32, #tpu.memory_space<vmem>>
    %dma_wait3A_189 = tpu.memref_squeeze %dma_wait3A_188 : memref<1x80xi32, #tpu.memory_space<vmem>> -> memref<80xi32, #tpu.memory_space<vmem>>
    %dma_wait3A_190 = arith.constant 0 : i32
    %dma_wait3A_191 = arith.constant 0 : i32
    %dma_wait3A_192 = tpu.memref_slice %arg16[%dma_wait3A_190, %dma_wait3A_191] : memref<10000x64xf32, #tpu.memory_space<vmem_shared>> -> memref<10000x64xf32, #tpu.memory_space<vmem_shared>>
    tpu.wait_indirect_dma semaphore(%arg22 : memref<!tpu.dma_semaphore, #tpu.memory_space<semaphore_mem>>) src(%dma_wait3A_192 : memref<10000x64xf32, #tpu.memory_space<vmem_shared>>) dst(%arg14 : memref<80x64xf32, #tpu.memory_space<vmem>>)
    %barrier3A_193 = arith.constant 0 : index
    tpu.barrier barrier_id(%barrier3A_193)
    "tpu.region"() ({
      %run_scoped3A_194 = tpu.sem_alloc : memref<!tpu.dma_semaphore, #tpu.memory_space<semaphore_mem>>
      %dma_start3A_195 = arith.constant 0 : i32
      %dma_start3A_196 = tpu.memref_slice %arg7[%add3A_76, %mul3A_0, %dma_start3A_195] : memref<4x10240x64xf32, #tpu.memory_space<hbm>> -> memref<1x640x64xf32, #tpu.memory_space<hbm>>
      %dma_start3A_197 = tpu.memref_squeeze %dma_start3A_196 : memref<1x640x64xf32, #tpu.memory_space<hbm>> -> memref<640x64xf32, #tpu.memory_space<hbm>>
      %dma_start3A_198 = arith.constant 0 : i32
      %dma_start3A_199 = tpu.memref_slice %arg17[%mul3A_0, %dma_start3A_198] : memref<10240x64xf32, #tpu.memory_space<vmem_shared>> -> memref<640x64xf32, #tpu.memory_space<vmem_shared>>
      tpu.enqueue_dma source(%dma_start3A_199 : memref<640x64xf32, #tpu.memory_space<vmem_shared>>) target(%dma_start3A_197 : memref<640x64xf32, #tpu.memory_space<hbm>>) target_semaphore(%run_scoped3A_194 : memref<!tpu.dma_semaphore, #tpu.memory_space<semaphore_mem>>)
      %dma_wait3A_200 = arith.constant 0 : i32
      %dma_wait3A_201 = tpu.memref_slice %arg7[%add3A_76, %mul3A_0, %dma_wait3A_200] : memref<4x10240x64xf32, #tpu.memory_space<hbm>> -> memref<1x640x64xf32, #tpu.memory_space<hbm>>
      %dma_wait3A_202 = tpu.memref_squeeze %dma_wait3A_201 : memref<1x640x64xf32, #tpu.memory_space<hbm>> -> memref<640x64xf32, #tpu.memory_space<hbm>>
      %dma_wait3A_203 = arith.constant 0 : i32
      %dma_wait3A_204 = tpu.memref_slice %arg17[%mul3A_0, %dma_wait3A_203] : memref<10240x64xf32, #tpu.memory_space<vmem_shared>> -> memref<640x64xf32, #tpu.memory_space<vmem_shared>>
      tpu.wait_dma2 semaphore(%run_scoped3A_194 : memref<!tpu.dma_semaphore, #tpu.memory_space<semaphore_mem>>) src(%dma_wait3A_204 : memref<640x64xf32, #tpu.memory_space<vmem_shared>>) dst(%dma_wait3A_202 : memref<640x64xf32, #tpu.memory_space<hbm>>)
      tpu.yield
    }) : () -> ()
    return
  }
}

module attributes {stable_mosaic.version = 14 : i64} {
  func.func @_tc_fused_body(%arg0: i32, %arg1: i32, %arg2: memref<4x1000x64xf32, #tpu.memory_space<vmem>>, %arg3: memref<1000x1xf32, #tpu.memory_space<vmem>>, %arg4: memref<1000x256xf32, #tpu.memory_space<vmem>>, %arg5: memref<256x256xf32, #tpu.memory_space<vmem>>, %arg6: memref<1x256xf32, #tpu.memory_space<vmem>>, %arg7: memref<256x256xf32, #tpu.memory_space<vmem>>, %arg8: memref<1x256xf32, #tpu.memory_space<vmem>>, %arg9: memref<1x256xf32, #tpu.memory_space<vmem>>, %arg10: memref<1000x256xf32, #tpu.memory_space<vmem>>, %arg11: memref<10000x256xf32, #tpu.memory_space<vmem>>, %arg12: memref<8x256xf32, #tpu.memory_space<vmem>>) attributes {dimension_semantics = [#tpu.dimension_semantics<arbitrary>, #tpu.dimension_semantics<arbitrary>], iteration_bounds = array<i64: 2, 10>, scalar_prefetch = 0 : i64, scratch_operands = 2 : i64, tpu.core_type = #tpu.core_type<tc>, window_params = [{transform_indices = @transform_0, window_bounds = array<i64: 4, 1000, 64>}, {transform_indices = @transform_1, window_bounds = array<i64: 1000, 1>}, {transform_indices = @transform_2, window_bounds = array<i64: 1000, 256>}, {pipeline_mode = #tpu.pipeline_mode<synchronous>, transform_indices = @transform_3, window_bounds = array<i64: 256, 256>}, {pipeline_mode = #tpu.pipeline_mode<synchronous>, transform_indices = @transform_4, window_bounds = array<i64: 1, 256>}, {pipeline_mode = #tpu.pipeline_mode<synchronous>, transform_indices = @transform_5, window_bounds = array<i64: 256, 256>}, {pipeline_mode = #tpu.pipeline_mode<synchronous>, transform_indices = @transform_6, window_bounds = array<i64: 1, 256>}, {pipeline_mode = #tpu.pipeline_mode<synchronous>, transform_indices = @transform_7, window_bounds = array<i64: 1, 256>}, {transform_indices = @transform_8, window_bounds = array<i64: 1000, 256>}]} {
    %eq3A = arith.constant 0 : i32
    %eq3A_0 = arith.cmpi eq, %arg0, %eq3A : i32
    %convert_element_type3A = arith.extui %eq3A_0 : i1 to i32
    %cond3A = arith.constant 0 : i32
    %cond3A_1 = arith.cmpi ne, %convert_element_type3A, %cond3A : i32
    scf.if %cond3A_1 {
      %get3A = arith.constant 0 : index
      %get3A_7 = arith.constant 0 : index
      %get3A_8 = vector.load %arg3[%get3A, %get3A_7] : memref<1000x1xf32, #tpu.memory_space<vmem>>, vector<1000x1xf32>
      %max3A = arith.constant 1.000000e+00 : f32
      %max3A_9 = vector.broadcast %max3A : f32 to vector<1000x1xf32>
      %max3A_10 = arith.maximumf %get3A_8, %max3A_9 : vector<1000x1xf32>
      %div3A = arith.constant 1.000000e+00 : f32
      %div3A_11 = vector.broadcast %div3A : f32 to vector<1000x1xf32>
      %div3A_12 = arith.divf %div3A_11, %max3A_10 : vector<1000x1xf32>
      %get3A_13 = arith.constant 0 : index
      %get3A_14 = arith.constant 0 : index
      %get3A_15 = vector.load %arg5[%get3A_13, %get3A_14] : memref<256x256xf32, #tpu.memory_space<vmem>>, vector<256x256xf32>
      %get3A_16 = arith.constant 0 : index
      %get3A_17 = arith.constant 0 : index
      %get3A_18 = vector.load %arg4[%get3A_16, %get3A_17] : memref<1000x256xf32, #tpu.memory_space<vmem>>, vector<1000x256xf32>
      %get3A_19 = arith.constant 0 : index
      %get3A_20 = arith.constant 0 : index
      %get3A_21 = vector.load %arg7[%get3A_19, %get3A_20] : memref<256x256xf32, #tpu.memory_space<vmem>>, vector<256x256xf32>
      %dot_general3A = arith.constant dense<0.000000e+00> : vector<1000x256xf32>
      %dot_general3A_22 = tpu.matmul %get3A_18, %get3A_21, %dot_general3A {dimension_numbers = #tpu.dot_dimension_numbers<[1], [1], [0], [0], [0, 0, 1, 0], [], []>, transpose_lhs_hint = false} : vector<1000x256xf32>, vector<256x256xf32>, vector<1000x256xf32> -> vector<1000x256xf32>
      %get3A_23 = arith.constant 0 : index
      %get3A_24 = arith.constant 0 : index
      %get3A_25 = arith.constant 0 : index
      %get3A_26 = vector.load %arg2[%get3A_23, %get3A_24, %get3A_25] : memref<4x1000x64xf32, #tpu.memory_space<vmem>>, vector<1x1000x64xf32>
      %get3A_27 = vector.shape_cast %get3A_26 : vector<1x1000x64xf32> to vector<1000x64xf32>
      %mul3A = vector.broadcast %div3A_12 : vector<1000x1xf32> to vector<1000x64xf32>
      %mul3A_28 = arith.mulf %get3A_27, %mul3A : vector<1000x64xf32>
      %slice3A = vector.extract_strided_slice %get3A_15 {offsets = [0, 0], sizes = [256, 64], strides = [1, 1]} : vector<256x256xf32> to vector<256x64xf32>
      %dot_general3A_29 = arith.constant dense<0.000000e+00> : vector<1000x256xf32>
      %dot_general3A_30 = tpu.matmul %mul3A_28, %slice3A, %dot_general3A_29 {dimension_numbers = #tpu.dot_dimension_numbers<[1], [1], [0], [0], [0, 0, 1, 0], [], []>, transpose_lhs_hint = false} : vector<1000x64xf32>, vector<256x64xf32>, vector<1000x256xf32> -> vector<1000x256xf32>
      %add3A = arith.addf %dot_general3A_22, %dot_general3A_30 : vector<1000x256xf32>
      %get3A_31 = arith.constant 1 : index
      %get3A_32 = arith.constant 0 : index
      %get3A_33 = arith.constant 0 : index
      %get3A_34 = vector.load %arg2[%get3A_31, %get3A_32, %get3A_33] : memref<4x1000x64xf32, #tpu.memory_space<vmem>>, vector<1x1000x64xf32>
      %get3A_35 = vector.shape_cast %get3A_34 : vector<1x1000x64xf32> to vector<1000x64xf32>
      %mul3A_36 = vector.broadcast %div3A_12 : vector<1000x1xf32> to vector<1000x64xf32>
      %mul3A_37 = arith.mulf %get3A_35, %mul3A_36 : vector<1000x64xf32>
      %slice3A_38 = vector.extract_strided_slice %get3A_15 {offsets = [0, 64], sizes = [256, 64], strides = [1, 1]} : vector<256x256xf32> to vector<256x64xf32>
      %dot_general3A_39 = arith.constant dense<0.000000e+00> : vector<1000x256xf32>
      %dot_general3A_40 = tpu.matmul %mul3A_37, %slice3A_38, %dot_general3A_39 {dimension_numbers = #tpu.dot_dimension_numbers<[1], [1], [0], [0], [0, 0, 1, 0], [], []>, transpose_lhs_hint = false} : vector<1000x64xf32>, vector<256x64xf32>, vector<1000x256xf32> -> vector<1000x256xf32>
      %add3A_41 = arith.addf %add3A, %dot_general3A_40 : vector<1000x256xf32>
      %get3A_42 = arith.constant 2 : index
      %get3A_43 = arith.constant 0 : index
      %get3A_44 = arith.constant 0 : index
      %get3A_45 = vector.load %arg2[%get3A_42, %get3A_43, %get3A_44] : memref<4x1000x64xf32, #tpu.memory_space<vmem>>, vector<1x1000x64xf32>
      %get3A_46 = vector.shape_cast %get3A_45 : vector<1x1000x64xf32> to vector<1000x64xf32>
      %mul3A_47 = vector.broadcast %div3A_12 : vector<1000x1xf32> to vector<1000x64xf32>
      %mul3A_48 = arith.mulf %get3A_46, %mul3A_47 : vector<1000x64xf32>
      %slice3A_49 = vector.extract_strided_slice %get3A_15 {offsets = [0, 128], sizes = [256, 64], strides = [1, 1]} : vector<256x256xf32> to vector<256x64xf32>
      %dot_general3A_50 = arith.constant dense<0.000000e+00> : vector<1000x256xf32>
      %dot_general3A_51 = tpu.matmul %mul3A_48, %slice3A_49, %dot_general3A_50 {dimension_numbers = #tpu.dot_dimension_numbers<[1], [1], [0], [0], [0, 0, 1, 0], [], []>, transpose_lhs_hint = false} : vector<1000x64xf32>, vector<256x64xf32>, vector<1000x256xf32> -> vector<1000x256xf32>
      %add3A_52 = arith.addf %add3A_41, %dot_general3A_51 : vector<1000x256xf32>
      %get3A_53 = arith.constant 3 : index
      %get3A_54 = arith.constant 0 : index
      %get3A_55 = arith.constant 0 : index
      %get3A_56 = vector.load %arg2[%get3A_53, %get3A_54, %get3A_55] : memref<4x1000x64xf32, #tpu.memory_space<vmem>>, vector<1x1000x64xf32>
      %get3A_57 = vector.shape_cast %get3A_56 : vector<1x1000x64xf32> to vector<1000x64xf32>
      %mul3A_58 = vector.broadcast %div3A_12 : vector<1000x1xf32> to vector<1000x64xf32>
      %mul3A_59 = arith.mulf %get3A_57, %mul3A_58 : vector<1000x64xf32>
      %slice3A_60 = vector.extract_strided_slice %get3A_15 {offsets = [0, 192], sizes = [256, 64], strides = [1, 1]} : vector<256x256xf32> to vector<256x64xf32>
      %dot_general3A_61 = arith.constant dense<0.000000e+00> : vector<1000x256xf32>
      %dot_general3A_62 = tpu.matmul %mul3A_59, %slice3A_60, %dot_general3A_61 {dimension_numbers = #tpu.dot_dimension_numbers<[1], [1], [0], [0], [0, 0, 1, 0], [], []>, transpose_lhs_hint = false} : vector<1000x64xf32>, vector<256x64xf32>, vector<1000x256xf32> -> vector<1000x256xf32>
      %add3A_63 = arith.addf %add3A_52, %dot_general3A_62 : vector<1000x256xf32>
      %get3A_64 = arith.constant 0 : index
      %get3A_65 = arith.constant 0 : index
      %get3A_66 = vector.load %arg6[%get3A_64, %get3A_65] : memref<1x256xf32, #tpu.memory_space<vmem>>, vector<1x256xf32>
      %add3A_67 = vector.broadcast %get3A_66 : vector<1x256xf32> to vector<1000x256xf32>
      %add3A_68 = arith.addf %add3A_63, %add3A_67 : vector<1000x256xf32>
      %mul3A_69 = arith.constant 1000 : i32
      %mul3A_70 = arith.muli %arg1, %mul3A_69 : i32
      %swap3A = arith.index_cast %mul3A_70 : i32 to index
      %swap3A_71 = arith.constant 0 : index
      %swap3A_72 = vector.load %arg11[%swap3A, %swap3A_71] : memref<10000x256xf32, #tpu.memory_space<vmem>>, vector<1000x256xf32>
      tpu.vector_store %arg11[%swap3A, %swap3A_71], %add3A_68 {strides = array<i32>} : memref<10000x256xf32, #tpu.memory_space<vmem>>, vector<1000x256xf32>,
      %eq3A_73 = arith.constant 0 : i32
      %eq3A_74 = arith.cmpi eq, %arg1, %eq3A_73 : i32
      %convert_element_type3A_75 = arith.extui %eq3A_74 : i1 to i32
      %cond3A_76 = arith.constant 0 : i32
      %cond3A_77 = arith.cmpi ne, %convert_element_type3A_75, %cond3A_76 : i32
      scf.if %cond3A_77 {
        %broadcast_in_dim3A_97 = arith.constant 0.000000e+00 : f32
        %broadcast_in_dim3A_98 = vector.broadcast %broadcast_in_dim3A_97 : f32 to vector<8x256xf32>
        %swap3A_99 = arith.constant 0 : index
        %swap3A_100 = arith.constant 0 : index
        %swap3A_101 = vector.load %arg12[%swap3A_99, %swap3A_100] : memref<8x256xf32, #tpu.memory_space<vmem>>, vector<8x256xf32>
        tpu.vector_store %arg12[%swap3A_99, %swap3A_100], %broadcast_in_dim3A_98 {strides = array<i32>} : memref<8x256xf32, #tpu.memory_space<vmem>>, vector<8x256xf32>,
      } else {
      }
      %get3A_78 = arith.constant 0 : index
      %get3A_79 = arith.constant 0 : index
      %get3A_80 = vector.load %arg12[%get3A_78, %get3A_79] : memref<8x256xf32, #tpu.memory_space<vmem>>, vector<1x256xf32>
      %reduce_sum3A = arith.constant dense<0.000000e+00> : vector<256xf32>
      %reduce_sum3A_81 = vector.multi_reduction <add>, %add3A_68, %reduce_sum3A [0] : vector<1000x256xf32> to vector<256xf32>
      %broadcast_in_dim3A = vector.shape_cast %reduce_sum3A_81 : vector<256xf32> to vector<1x256xf32>
      %add3A_82 = arith.addf %get3A_80, %broadcast_in_dim3A : vector<1x256xf32>
      %swap3A_83 = arith.constant 0 : index
      %swap3A_84 = arith.constant 0 : index
      %swap3A_85 = vector.load %arg12[%swap3A_83, %swap3A_84] : memref<8x256xf32, #tpu.memory_space<vmem>>, vector<1x256xf32>
      tpu.vector_store %arg12[%swap3A_83, %swap3A_84], %add3A_82 {strides = array<i32>} : memref<8x256xf32, #tpu.memory_space<vmem>>, vector<1x256xf32>,
      %get3A_86 = arith.constant 1 : index
      %get3A_87 = arith.constant 0 : index
      %get3A_88 = vector.load %arg12[%get3A_86, %get3A_87] : memref<8x256xf32, #tpu.memory_space<vmem>>, vector<1x256xf32>
      %mul3A_89 = arith.mulf %add3A_68, %add3A_68 : vector<1000x256xf32>
      %reduce_sum3A_90 = arith.constant dense<0.000000e+00> : vector<256xf32>
      %reduce_sum3A_91 = vector.multi_reduction <add>, %mul3A_89, %reduce_sum3A_90 [0] : vector<1000x256xf32> to vector<256xf32>
      %broadcast_in_dim3A_92 = vector.shape_cast %reduce_sum3A_91 : vector<256xf32> to vector<1x256xf32>
      %add3A_93 = arith.addf %get3A_88, %broadcast_in_dim3A_92 : vector<1x256xf32>
      %swap3A_94 = arith.constant 1 : index
      %swap3A_95 = arith.constant 0 : index
      %swap3A_96 = vector.load %arg12[%swap3A_94, %swap3A_95] : memref<8x256xf32, #tpu.memory_space<vmem>>, vector<1x256xf32>
      tpu.vector_store %arg12[%swap3A_94, %swap3A_95], %add3A_93 {strides = array<i32>} : memref<8x256xf32, #tpu.memory_space<vmem>>, vector<1x256xf32>,
    } else {
    }
    %eq3A_2 = arith.constant 1 : i32
    %eq3A_3 = arith.cmpi eq, %arg0, %eq3A_2 : i32
    %convert_element_type3A_4 = arith.extui %eq3A_3 : i1 to i32
    %cond3A_5 = arith.constant 0 : i32
    %cond3A_6 = arith.cmpi ne, %convert_element_type3A_4, %cond3A_5 : i32
    scf.if %cond3A_6 {
      %get3A = arith.constant 0 : index
      %get3A_7 = arith.constant 0 : index
      %get3A_8 = vector.load %arg12[%get3A, %get3A_7] : memref<8x256xf32, #tpu.memory_space<vmem>>, vector<1x256xf32>
      %div3A = arith.constant 1.000000e+04 : f32
      %div3A_9 = vector.broadcast %div3A : f32 to vector<1x256xf32>
      %div3A_10 = arith.divf %get3A_8, %div3A_9 : vector<1x256xf32>
      %get3A_11 = arith.constant 1 : index
      %get3A_12 = arith.constant 0 : index
      %get3A_13 = vector.load %arg12[%get3A_11, %get3A_12] : memref<8x256xf32, #tpu.memory_space<vmem>>, vector<1x256xf32>
      %div3A_14 = arith.constant 1.000000e+04 : f32
      %div3A_15 = vector.broadcast %div3A_14 : f32 to vector<1x256xf32>
      %div3A_16 = arith.divf %get3A_13, %div3A_15 : vector<1x256xf32>
      %mul3A = arith.mulf %div3A_10, %div3A_10 : vector<1x256xf32>
      %sub3A = arith.subf %div3A_16, %mul3A : vector<1x256xf32>
      %add3A = arith.constant 9.99999974E-6 : f32
      %add3A_17 = vector.broadcast %add3A : f32 to vector<1x256xf32>
      %add3A_18 = arith.addf %sub3A, %add3A_17 : vector<1x256xf32>
      %rsqrt3A = math.rsqrt %add3A_18 : vector<1x256xf32>
      %mul3A_19 = arith.constant 1000 : i32
      %mul3A_20 = arith.muli %arg1, %mul3A_19 : i32
      %get3A_21 = arith.index_cast %mul3A_20 : i32 to index
      %get3A_22 = arith.constant 0 : index
      %get3A_23 = vector.load %arg11[%get3A_21, %get3A_22] : memref<10000x256xf32, #tpu.memory_space<vmem>>, vector<1000x256xf32>
      %get3A_24 = arith.constant 0 : index
      %get3A_25 = arith.constant 0 : index
      %get3A_26 = vector.load %arg8[%get3A_24, %get3A_25] : memref<1x256xf32, #tpu.memory_space<vmem>>, vector<1x256xf32>
      %sub3A_27 = vector.broadcast %div3A_10 : vector<1x256xf32> to vector<1000x256xf32>
      %sub3A_28 = arith.subf %get3A_23, %sub3A_27 : vector<1000x256xf32>
      %mul3A_29 = vector.broadcast %get3A_26 : vector<1x256xf32> to vector<1000x256xf32>
      %mul3A_30 = arith.mulf %mul3A_29, %sub3A_28 : vector<1000x256xf32>
      %mul3A_31 = vector.broadcast %rsqrt3A : vector<1x256xf32> to vector<1000x256xf32>
      %mul3A_32 = arith.mulf %mul3A_30, %mul3A_31 : vector<1000x256xf32>
      %get3A_33 = arith.constant 0 : index
      %get3A_34 = arith.constant 0 : index
      %get3A_35 = vector.load %arg9[%get3A_33, %get3A_34] : memref<1x256xf32, #tpu.memory_space<vmem>>, vector<1x256xf32>
      %add3A_36 = vector.broadcast %get3A_35 : vector<1x256xf32> to vector<1000x256xf32>
      %add3A_37 = arith.addf %mul3A_32, %add3A_36 : vector<1000x256xf32>
      %max3A = arith.constant 0.000000e+00 : f32
      %max3A_38 = vector.broadcast %max3A : f32 to vector<1000x256xf32>
      %max3A_39 = arith.maximumf %add3A_37, %max3A_38 : vector<1000x256xf32>
      %get3A_40 = arith.constant 0 : index
      %get3A_41 = arith.constant 0 : index
      %get3A_42 = vector.load %arg4[%get3A_40, %get3A_41] : memref<1000x256xf32, #tpu.memory_space<vmem>>, vector<1000x256xf32>
      %add3A_43 = arith.addf %max3A_39, %get3A_42 : vector<1000x256xf32>
      %swap3A = arith.constant 0 : index
      %swap3A_44 = arith.constant 0 : index
      %swap3A_45 = vector.load %arg10[%swap3A, %swap3A_44] : memref<1000x256xf32, #tpu.memory_space<vmem>>, vector<1000x256xf32>
      tpu.vector_store %arg10[%swap3A, %swap3A_44], %add3A_43 {strides = array<i32>} : memref<1000x256xf32, #tpu.memory_space<vmem>>, vector<1000x256xf32>,
    } else {
    }
    return
  }
  func.func @transform_0(%arg0: i32, %arg1: i32) -> (i32, i32, i32) {
    %sub3A = arith.constant 1 : i32
    %sub3A_0 = arith.subi %sub3A, %arg0 : i32
    %mul3A = arith.muli %sub3A_0, %arg1 : i32
    %c0_i32 = arith.constant 0 : i32
    %c0_i32_1 = arith.constant 0 : i32
    %c0_i32_2 = arith.constant 0 : i32
    return %c0_i32, %mul3A, %c0_i32_1 : i32, i32, i32
  }
  func.func @transform_1(%arg0: i32, %arg1: i32) -> (i32, i32) {
    %sub3A = arith.constant 1 : i32
    %sub3A_0 = arith.subi %sub3A, %arg0 : i32
    %mul3A = arith.muli %sub3A_0, %arg1 : i32
    %c0_i32 = arith.constant 0 : i32
    %c0_i32_1 = arith.constant 0 : i32
    return %mul3A, %c0_i32 : i32, i32
  }
  func.func @transform_2(%arg0: i32, %arg1: i32) -> (i32, i32) {
    %c0_i32 = arith.constant 0 : i32
    %c0_i32_0 = arith.constant 0 : i32
    return %arg1, %c0_i32 : i32, i32
  }
  func.func @transform_3(%arg0: i32, %arg1: i32) -> (i32, i32) {
    %c0_i32 = arith.constant 0 : i32
    %c0_i32_0 = arith.constant 0 : i32
    %c0_i32_1 = arith.constant 0 : i32
    return %c0_i32, %c0_i32_0 : i32, i32
  }
  func.func @transform_4(%arg0: i32, %arg1: i32) -> (i32, i32) {
    %c0_i32 = arith.constant 0 : i32
    %c0_i32_0 = arith.constant 0 : i32
    %c0_i32_1 = arith.constant 0 : i32
    return %c0_i32, %c0_i32_0 : i32, i32
  }
  func.func @transform_5(%arg0: i32, %arg1: i32) -> (i32, i32) {
    %c0_i32 = arith.constant 0 : i32
    %c0_i32_0 = arith.constant 0 : i32
    %c0_i32_1 = arith.constant 0 : i32
    return %c0_i32, %c0_i32_0 : i32, i32
  }
  func.func @transform_6(%arg0: i32, %arg1: i32) -> (i32, i32) {
    %c0_i32 = arith.constant 0 : i32
    %c0_i32_0 = arith.constant 0 : i32
    %c0_i32_1 = arith.constant 0 : i32
    return %c0_i32, %c0_i32_0 : i32, i32
  }
  func.func @transform_7(%arg0: i32, %arg1: i32) -> (i32, i32) {
    %c0_i32 = arith.constant 0 : i32
    %c0_i32_0 = arith.constant 0 : i32
    %c0_i32_1 = arith.constant 0 : i32
    return %c0_i32, %c0_i32_0 : i32, i32
  }
  func.func @transform_8(%arg0: i32, %arg1: i32) -> (i32, i32) {
    %c0_i32 = arith.constant 0 : i32
    %c0_i32_0 = arith.constant 0 : i32
    return %arg1, %c0_i32 : i32, i32
  }
}

</mosaic_0001>

<sc_bundles>
// kernel: kernel.4.cloned.1.call-start
scs
__scs_entry_jumppad:
0x0: {  	(pc) =	sbr.rel $0x88, $3  }
0x1: {  	(tag) =	ssettag $0x0;
	lr =	simm.s32 $0x1  }
0x2: {  	[smem:$0x3F9A] =	sst lr;
	_ =	strace $0xD0000000  }
0x3: {  	_ = 	snop  }
0x4: {  	_ = 	snop  }
0x5: {  	_ = 	snop  }
0x6: {  	_ = 	snop  }
0x7: {  	_ = 	snop  }
__scs_overlays_trampoline_lowered:
0x8: {  	[smem:$0x3FA9] =	sst s0  }
0x9: {  	[smem:$0x3FAA] =	sst s1  }
0xa: {  	[smem:$0x3FAB] =	sst s2  }
0xb: {  	[smem:$0x3FAC] =	sst s3  }
0xc: {  	[smem:$0x3FAD] =	sst s4  }
0xd: {  	[smem:$0x3FAE] =	sst s5  }
0xe: {  	[smem:$0x3FAF] =	sst s6  }
0xf: {  	[smem:$0x3FB0] =	sst s7  }
0x10: {  	[smem:$0x3FB1] =	sst s8  }
0x11: {  	[smem:$0x3FB2] =	sst s9;
	s0 =	simm.s32 @!p0 $0x0  }
0x12: {  	s1 =	sld [smem:$0x3F98];
	s0 =	simm.s32 @p0 $0x1  }
0x13: {  	[smem:$0x3FB3] =	sst s0;
	s0 =	simm.s32 @!p1 $0x0  }
0x14: {  	s2 =	sld [smem:$0x3F97];
	s0 =	simm.s32 @p1 $0x1  }
0x15: {  	[smem:$0x3FB4] =	sst s0;
	s0 =	simm.s32 @!p2 $0x0  }
0x16: {  	s3 =	sld [smem:$0x3FDB];
	s0 =	simm.s32 @p2 $0x1  }
0x17: {  	s4 =	simm.s32 $0x1BF5;
	[smem:$0x3FB6] =	sst s0  }
0x18: {  	s0 =	sld [smem:$0x3F99];
	_ =	swait.ge [sflag:s4], $0x0  }
0x19: {  	s7 =	sld [smem:$0x3F9A]  }
0x1a: {  	s8 =	sadd.s32 $0xFFFFE003, lr  }
0x1b: {  	s9 =	sadd.s32 $0xFFFFFEF7, lr;
	s5 =	simm.s32 $0xFFFFFFFF;
	p2 =	slt.u32 s8, $0xFFFFF086  }
0x1c: {  	p1 =	slt.u32 s9, $0xF7A;
	s5 =	simm.s32 @!p2 $0x0  }
0x1d: {  	s5 =	simm.s32 @p1 $0x1;
	p0 =	seq.s32 s7, s2  }
0x1e: {  	s7 =	smul.u32 @!p0 $0xF7A, s2;
	p2 =	seq.s32 @!p0 s5, $0x0  }
0x1f: {  	s9 =	smul.u32 $0xF7A, s1;
	s8 =	simm.s32 @!p0 $0x1BF5;
	p2 =	por !p2, p0  }
0x20: {  	[sflag:s8] =	ssyncset.s32 @!p0 $0xFFFFF086;
	s6 =	sadd.s32 @!p0 s3, s7;
	s7 =	simm.s32 @!p0 $0x108  }
0x21: {  	s3 =	sadd.s32 s3, s9;
	s6 =	sadd.s32 @!p0 $0x88, s6;
	s7 =	simm.s32 @p2 $0x1082  }
0x22: {  	[simem:s7], [sflag:s8] =	dma.local @!p0 [hbm:s6], $0xF7A  }
0x23: {  	s9 =	sor.u32 $0xD0000000, s2;
	s6 =	simm.s32 $0x108;
	_ =	swait.ge @!p0 [sflag:s8], $0x0  }
0x24: {  	s3 =	sadd.s32 $0x88, s3;
	s6 =	simm.s32 @!p1 $0x1082;
	[sflag:s4] =	ssyncset.s32 $0xFFFFF086  }
0x25: {  	[simem:s6], [sflag:s4] =	dma.local [hbm:s3], $0xF7A  }
0x26: {  	[smem:$0x3F9A] =	sst s1;
	(tag) =	ssettag s2;
	_ =	strace s9  }
0x27: {  	s1 =	sld [smem:$0x3FAA]  }
0x28: {  	s2 =	sld [smem:$0x3FAB]  }
0x29: {  	s4 =	sld [smem:$0x3FAD]  }
0x2a: {  	p0 =	seq.s32 s5, $0x0;
	s5 =	sld [smem:$0x3FAE]  }
0x2b: {  	s6 =	sld [smem:$0x3FAF]  }
0x2c: {  	s7 =	sld [smem:$0x3FB0]  }
0x2d: {  	s3 =	simm.s32 $0x108;
	s8 =	sld [smem:$0x3FB1]  }
0x2e: {  	s3 =	simm.s32 @!p0 $0x1082;
	s9 =	sld [smem:$0x3FB2]  }
0x2f: {  	lr =	sadd.s32 s0, s3;
	s0 =	sld [smem:$0x3FA9]  }
0x30: {  	s3 =	sld [smem:$0x3FAC]  }
0x31: {  	[smem:$0x3FB5] =	sst s10  }
0x32: {  	s10 =	sld [smem:$0x3FB3];
	_ =	sdelay $0x3  }
0x33: {  	p0 =	seq.s32 s10, $0x1;
	s10 =	sld [smem:$0x3FB5];
	_ =	sdelay $0x3  }
0x34: {  	[smem:$0x3FB5] =	sst s10  }
0x35: {  	s10 =	sld [smem:$0x3FB4];
	_ =	sdelay $0x3  }
0x36: {  	p1 =	seq.s32 s10, $0x1;
	s10 =	sld [smem:$0x3FB5];
	_ =	sdelay $0x3  }
0x37: {  	[smem:$0x3FB5] =	sst s10  }
0x38: {  	s10 =	sld [smem:$0x3FB6]  }
0x39: {  	_ = 	snop;
	(pc) =	sbr.ind lr, $3  }
0x3a: {  	_ = 	snop  }
0x3b: {  	_ = 	snop  }
0x3c: {  	p2 =	seq.s32 s10, $0x1;
	s10 =	sld [smem:$0x3FB5]  }
0x3d: {  	_ =	shalt  }
0x3e: {  	_ =	shalt  }
0x3f: {  	_ =	shalt  }
0x40: {  	_ =	shalt  }
0x41: {  	_ =	shalt  }
0x42: {  	_ =	shalt  }
0x43: {  	_ =	shalt  }
0x44: {  	_ =	shalt  }
0x45: {  	_ =	shalt  }
0x46: {  	_ =	shalt  }
0x47: {  	_ =	shalt  }
0x48: {  	_ =	shalt  }
0x49: {  	_ =	shalt  }
0x4a: {  	_ =	shalt  }
0x4b: {  	_ =	shalt  }
0x4c: {  	_ =	shalt  }
0x4d: {  	_ =	shalt  }
0x4e: {  	_ =	shalt  }
0x4f: {  	_ =	shalt  }
0x50: {  	_ =	shalt  }
0x51: {  	_ =	shalt  }
0x52: {  	_ =	shalt  }
0x53: {  	_ =	shalt  }
0x54: {  	_ =	shalt  }
0x55: {  	_ =	shalt  }
0x56: {  	_ =	shalt  }
0x57: {  	_ =	shalt  }
0x58: {  	_ =	shalt  }
0x59: {  	_ =	shalt  }
0x5a: {  	_ =	shalt  }
0x5b: {  	_ =	shalt  }
0x5c: {  	_ =	shalt  }
0x5d: {  	_ =	shalt  }
0x5e: {  	_ =	shalt  }
0x5f: {  	_ =	shalt  }
0x60: {  	_ =	shalt  }
0x61: {  	_ =	shalt  }
0x62: {  	_ =	shalt  }
0x63: {  	_ =	shalt  }
0x64: {  	_ =	shalt  }
0x65: {  	_ =	shalt  }
0x66: {  	_ =	shalt  }
0x67: {  	_ =	shalt  }
0x68: {  	_ =	shalt  }
0x69: {  	_ =	shalt  }
0x6a: {  	_ =	shalt  }
0x6b: {  	_ =	shalt  }
0x6c: {  	_ =	shalt  }
0x6d: {  	_ =	shalt  }
0x6e: {  	_ =	shalt  }
0x6f: {  	_ =	shalt  }
0x70: {  	_ =	shalt  }
0x71: {  	_ =	shalt  }
0x72: {  	_ =	shalt  }
0x73: {  	_ =	shalt  }
0x74: {  	_ =	shalt  }
0x75: {  	_ =	shalt  }
0x76: {  	_ =	shalt  }
0x77: {  	_ =	shalt  }
0x78: {  	_ =	shalt  }
0x79: {  	_ =	shalt  }
0x7a: {  	_ =	shalt  }
0x7b: {  	_ =	shalt  }
0x7c: {  	_ =	shalt  }
0x7d: {  	_ =	shalt  }
0x7e: {  	_ =	shalt  }
0x7f: {  	_ =	shalt  }
0x80: {  	_ =	shalt  }
0x81: {  	_ =	shalt  }
0x82: {  	_ =	shalt  }
0x83: {  	_ =	shalt  }
0x84: {  	_ =	shalt  }
0x85: {  	_ =	shalt  }
0x86: {  	_ =	shalt  }
0x87: {  	_ =	shalt  }
.Lfunc_end0:
.L_simem_size_0:
called_computation_lowered:
.L_overlay_start_0:
0x88: {  	s2 =	sld [smem:$0x3FD9]  }
0x89: {  	s3 =	sld [smem:$0x3FFE];
	_ =	sdelay $0x1  }
0x8a: {  	s1 =	srdreg.scid  }
0x8b: {  	s0 =	sand.u32 $0x1, s1  }
0x8c: {  	s17 =	sshll.u32 s0, $0xA;
	s2 =	sadd.s32 s3, s2  }
0x8d: {  	s2 =	sadd.s32 s2, s17  }
0x8e: {  	[smem:$0x3FC1] =	sst s2  }
0x8f: {  	_ = 	snop  }
0x90: {  	s2 =	sld [smem:$0x3FD0];
	(tm) =	ssettm $0x1  }
0x91: {  	s18 =	sld [smem:$0x3FFB];
	_ =	sdelay $0x3  }
0x92: {  	_ =	strace s18  }
0x93: {  	s3 =	sld [smem:$0x3FFC];
	_ =	sdelay $0x3  }
0x94: {  	_ =	strace s3  }
0x95: {  	s3 =	sld [smem:$0x3FFD];
	_ =	sdelay $0x3  }
0x96: {  	_ =	strace s3  }
0x97: {  	_ =	strace $0x8FFFFFFF  }
0x98: {  	s19 =	sld [smem:$0x3FDB];
	_ =	sdelay $0x1  }
0x99: {  	s4 =	simm.s32 $_scs_section_size  }
0x9a: {  	s5 =	simm.s32 $_size__tile_overlayer_lowered;
	s6 =	simm.s32 $_tile_overlayer_lowered  }
0x9b: {  	s22 =	simm.s32 $0x1BFF;
	s21 =	sshll.u32 s6, $0x1;
	s3 =	sadd.s32 s4, s19  }
0x9c: {  	s7 =	simm.s32 $0x0;
	s20 =	sshll.u32 s5, $0x1;
	s5 =	sadd.s32 s21, s3  }
0x9d: {  	[timem:s7], [sflag:s22] =	dma.local [hbm:s5], s20  }
0x9e: {  	_ =	swait.ge [sflag:s22], s20  }
0x9f: {  	s4 =	ssub.s32 $0x0, s20;
	[sflag:s22] =	ssyncset.done $0x0  }
0xa0: {  	[sflag:s22] =	ssyncadd.s32 s4;
	_ =	sdelay $0x1  }
0xa1: {  	s23 =	simm.s32 $0x1B8B  }
0xa2: {  	_ =	swait.ge [sflag:s23], $0x1  }
0xa3: {  	[sflag:s23] =	ssyncset.done $0x0  }
0xa4: {  	s25 =	simm.s32 $0x1B8E;
	s24 =	sld [smem:$0x3FFE];
	[sflag:s23] =	ssyncadd.s32 $0xFFFFFFFF  }
0xa5: {  	s26 =	simm.s32 $execute0_lowered;
	[smem:$0x3FD2] =	sst s25  }
0xa6: {  	s5 =	sshll.u32 s26, $0x1;
	_ =	strace $0x80000046;
	[dreg:$0x1] =	wrdreg $0xFFFFFFFF  }
0xa7: {  	s28 =	simm.s32 $_size_execute0_lowered;
	s3 =	sadd.s32 s3, s5;
	[dreg:$0x0] =	wrdreg $0x0  }
0xa8: {  	s5 =	sshll.u32 s28, $0x1;
	[dreg:$0x2] =	wrdreg s3  }
0xa9: {  	[dreg:$0x3] =	wrdreg s5  }
0xaa: {  	[dreg:$0x4] =	wrdreg $0xC0  }
0xab: {  	_ =	task [dreg:s7], $0x5FFFF  }
0xac: {  	[dreg:$0x1] =	wrdreg $0xFFFFFFFF  }
0xad: {  	[dreg:$0x0] =	wrdreg $0x60  }
0xae: {  	[dreg:$0x2] =	wrdreg s24  }
0xaf: {  	[dreg:$0x3] =	wrdreg s2  }
0xb0: {  	[dreg:$0x4] =	wrdreg $0xA2D00  }
0xb1: {  	[dreg:$0x5] =	wrdreg $0x13F100  }
0xb2: {  	[dreg:$0x6] =	wrdreg $0x1DF100  }
0xb3: {  	[dreg:$0x7] =	wrdreg $0x9  }
0xb4: {  	_ =	task.clear_ibuf [dreg:s7], $0x8FFFF;
	_ =	strace $0x90000046  }
0xb5: {  	s29 =	simm.s32 $0x9;
	_ =	strace $0x80000048  }
0xb6: {  	_ =	swait.ge [sflag:s29], $0x1  }
0xb7: {  	[sflag:s29] =	ssyncadd.s32 $0xFFFFFFFF  }
0xb8: {  	_ =	strace $0x90000048  }
0xb9: {  	_ =	sfence  }
0xba: {  	s30 =	sld [smem:$0x0];
	_ =	sdelay $0x2  }
0xbb: {  	s31 =	sshll.u32 s1, $0xD;
	s1 =	sshrl.u32 s1, $0x2  }
0xbc: {  	s3 =	sand.u32 $0x4000, s31;
	s1 =	sadd.s32 s1, s30  }
0xbd: {  	s0 =	sor.u32 s3, s0;
	s1 =	sshll.u32 s1, $0x11  }
0xbe: {  	s0 =	sor.u32 s1, s0  }
0xbf: {  	s0 =	sadd.s32 $0x8F2B, s0  }
0xc0: {  	[sflag:s0] =	ssyncadd.remote.s32 $0x1  }
0xc1: {  	_ =	sfence.sel $0xFFFF  }
0xc2: {  	[dreg:$0x0] =	wrdreg $0xFFFFFFFF;
	(pc) =	sbr.abs _section_cstart, $3  }
0xc3: {  	[dreg:$0x1] =	wrdreg $0xFFFFFFFF  }
0xc4: {  	_ =	task.clear_ibuf [dreg:s7], $0x2FFFF;
	_ =	strace $0x9FFFFFFF  }
0xc5: {  	(tm) =	ssettm $0x7FFFFFFF  }
tec
execute0_lowered:
.L_overlay_start_1:
0x0: {  	(tag) =	ssettag $0x1  }
0x1: {  	s0 =	rddreg [dreg:$0x0]  }
0x2: {  	s1 =	rddreg [dreg:$0x1]  }
0x3: {  	s2 =	rddreg [dreg:$0x2]  }
0x4: {  	s3 =	rddreg [dreg:$0x3]  }
0x5: {  	s4 =	rddreg [dreg:$0x4];
	s23 =	stileid.u32;
	s5 =	simm.s32 $0x0  }
0x6: {  	s7 =	srdreg.scid;
	s28 =	simm.s32 $0x1;
	s30 =	simm.s32 $0x7A80  }
0x7: {  	s31 =	simm.s32 $0x2;
	s29 =	simm.s32 $0x9;
	s6 =	smul.u32 $0x528, s23  }
0x8: {  	[smem:$0x7FF] =	sst s5;
	s8 =	sadd.s32 $0xB600, s0;
	s13 =	smul.u32 $0x27000, s23  }
0x9: {  	s7 =	sand.u32 $0x1, s7;
	s9 =	sadd.s32 $0xBA00, s0;
	s14 =	smul.u32 $0x28000, s23  }
0xa: {  	s25 =	sadd.s32 $0x49200, s1;
	s26 =	smul.u32 $0xA000, s23;
	p1 =	seq.s32 s23, $0xF  }
0xb: {  	_ =	strace $0x80000047;
	[dreg:$0x6] =	wrdreg s8;
	s8 =	smul.u32 $0x280, s23  }
0xc: {  	[dreg:$0x7] =	wrdreg s9;
	s9 =	sadd.s32 $0xBC00, s0;
	s10 =	ssub.s32 $0x2, s7  }
0xd: {  	s17 =	sshll.u32 s7, $0x7;
	s22 =	sshll.u32 s7, $0x4;
	s24 =	sshllo.u32 s7, $0x1  }
0xe: {  	s16 =	smul.u32 $0x140000, s7;
	p0 =	sne.s32 s7, $0x0;
	s6 =	sadd.s32 s6, s0  }
0xf: {  	s19 =	sshrl.u32 s13, $0x2;
	s15 =	sshll.u32 s24, $0x6;
	s18 =	sadd.s32 $0x6200, s6  }
0x10: {  	s11 =	sshrl.u32 s8, $0x3;
	s6 =	sadd.s32 $0xE00, s6;
	[dreg:$0x8] =	wrdreg s18  }
0x11: {  	s20 =	sadd.s32 s19, s2;
	s0 =	sadd.s32 s11, s0;
	[dreg:$0x9] =	wrdreg s6  }
0x12: {  	s11 =	sor.u32 s17, s13;
	[dreg:$0xa] =	wrdreg s20;
	s13 =	sor.u32 s13, s15  }
0x13: {  	s17 =	sshrl.u32 s14, $0x2;
	s21 =	sshrl.u32 s11, $0x3;
	s0 =	sadd.s32 $0x5BC00, s0  }
0x14: {  	s19 =	sadd.s32 s17, s3;
	s17 =	sadd.s32 $0x92400, s2;
	[dreg:$0x19] =	wrdreg s0  }
0x15: {  	s13 =	sshrl.u32 s13, $0x3;
	s6 =	sadd.s32 s1, s21;
	[dreg:$0x1b] =	wrdreg s17  }
0x16: {  	s12 =	sshrl.u32 s10, $0x1;
	s1 =	sadd.s32 s1, s13;
	[dreg:$0xb] =	wrdreg s6  }
0x17: {  	s10 =	ssub.s32 s10, s12;
	s20 =	sadd.s32 $0x1400, s19;
	[dreg:$0xd] =	wrdreg s1  }
0x18: {  	s18 =	sshll.u32 s24, $0x3;
	s7 =	sadd.s32 $0x6400, s19;
	[dreg:$0xf] =	wrdreg s20  }
0x19: {  	s14 =	sadd.s32 s26, s3;
	s12 =	sadd.s32 $0x8C00, s19;
	[dreg:$0x15] =	wrdreg s7  }
0x1a: {  	s21 =	sadd.s32 s26, s16;
	s16 =	smax.u32 s10, $0x1;
	[dreg:$0x17] =	wrdreg s12  }
0x1b: {  	s11 =	smul.u32 $0xA0000, s24;
	s13 =	sadd.s32 s8, s4;
	[dreg:$0x1a] =	wrdreg s16  }
0x1c: {  	s17 =	simm.s32 $0xA280;
	s6 =	sadd.s32 s22, s25;
	[smem:$0x7FC] =	sst s13  }
0x1d: {  	s10 =	simm.s32 $0x5;
	s1 =	sadd.s32 s18, s25;
	[dreg:$0xc] =	wrdreg s6  }
0x1e: {  	s0 =	simm.s32 $0x8;
	s18 =	sadd.s32 $0x40, s13;
	[dreg:$0xe] =	wrdreg s1  }
0x1f: {  	s22 =	sadd.s32 $0x140, s8;
	s20 =	sadd.s32 $0xC0, s13;
	[dreg:$0x1c] =	wrdreg s18  }
0x20: {  	s6 =	sadd.s32 s26, s11;
	s26 =	sadd.s32 $0x2800, s19;
	[dreg:$0x1e] =	wrdreg s20  }
0x21: {  	s8 =	simm.s32 $0x8E80;
	s15 =	sadd.s32 s22, s4;
	[dreg:$0x12] =	wrdreg s26  }
0x22: {  	s1 =	sshrl.u32 s21, $0x3;
	s21 =	sadd.s32 $0x100, s13;
	[dreg:$0x18] =	wrdreg s15  }
0x23: {  	s25 =	sshll.u32 s22, $0x6;
	s22 =	sadd.s32 $0x180, s13;
	[dreg:$0x1f] =	wrdreg s21  }
0x24: {  	s12 =	simm.s32 $0x6;
	s1 =	sadd.s32 s9, s1;
	[smem:$0x7F9] =	sst s22  }
0x25: {  	s6 =	sshrl.u32 s6, $0x3;
	s26 =	sadd.s32 $0x240, s13;
	[dreg:$0x10] =	wrdreg s1  }
0x26: {  	s7 =	simm.s32 $0x7;
	s24 =	sadd.s32 s9, s6;
	[smem:$0x7FD] =	sst s26  }
0x27: {  	s11 =	simm.s32 $0x4;
	s1 =	sadd.s32 s25, s3;
	[dreg:$0x11] =	wrdreg s24  }
0x28: {  	s18 =	simm.s32 $0x0;
	s6 =	sadd.s32 $0x3C00, s19;
	[dreg:$0x13] =	wrdreg s1  }
0x29: {  	s15 =	simm.s32 $0xA;
	s9 =	sadd.s32 $0x7800, s19;
	[dreg:$0x14] =	wrdreg s6  }
0x2a: {  	s22 =	simm.s32 $0x2940;
	s19 =	sadd.s32 $0x80, s13;
	[dreg:$0x16] =	wrdreg s9  }
0x2b: {  	s25 =	sadd.s32 $0x200, s13;
	s26 =	simm.s32 $0x50;
	[dreg:$0x1d] =	wrdreg s19  }
0x2c: {  	s24 =	sadd.s32 $0x1C0, s13;
	[smem:$0x7FB] =	sst s25;
	s13 =	simm.s32 $0x5280  }
0x2d: {  	s1 =	simm.s32 $0x6680;
	s9 =	simm.s32 $0x3;
	[smem:$0x7FA] =	sst s24  }
.LBB2_1:
0x2e: {  	s6 =	rddreg [dreg:$0x6]  }
0x2f: {  	[tilespmem:s13], [sflag:$0xA] =	stream.linear.gather [hbm4b:s6+s5], $0x1400, $0x38;
	[tilespmem:$0x1E190] =	vst v63  }
0x30: {  	_ =	swait.ge [sflag:s15], $0x1400  }
0x31: {  	[sflag:s15] =	ssyncset.done $0x0  }
0x32: {  	s19 =	rddreg [dreg:$0x7];
	[sflag:s15] =	ssyncadd.s32 $0xFFFFEC00  }
0x33: {  	[tilespmem:s17], [sflag:$0xA] =	stream.linear.gather [hbm4b:s19+s5], $0x50, $0x38;
	[tilespmem:$0x1E190] =	vst v63  }
0x34: {  	_ =	swait.ge [sflag:s15], $0x50  }
0x35: {  	[sflag:s15] =	ssyncset.done $0x0  }
0x36: {  	s20 =	rddreg [dreg:$0x8];
	[sflag:s15] =	ssyncadd.s32 $0xFFFFFFB0  }
0x37: {  	[tilespmem:s5], [sflag:$0xA] =	stream.linear.gather [hbm4b:s20+s5], $0x2940, $0x38;
	[tilespmem:$0x1E190] =	vst v63  }
0x38: {  	_ =	swait.ge [sflag:s15], $0x2940  }
0x39: {  	[sflag:s15] =	ssyncset.done $0x0  }
0x3a: {  	s16 =	simm.s32 @p1 $0x1;
	s21 =	rddreg [dreg:$0x9];
	[sflag:s15] =	ssyncadd.s32 $0xFFFFD6C0  }
0x3b: {  	[tilespmem:s22], [sflag:$0xA] =	stream.linear.gather [hbm4b:s21+s5], $0x2940, $0x38;
	[tilespmem:$0x1E190] =	vst v63  }
0x3c: {  	s19 =	simm.s32 @p1 $0x8;
	s20 =	simm.s32 @p1 $0x20;
	_ =	swait.ge [sflag:s15], $0x2940  }
0x3d: {  	s21 =	simm.s32 @p1 $0x1FCA;
	[sflag:s15] =	ssyncset.done $0x0;
	s6 =	rddreg [dreg:$0x1b]  }
0x3e: {  	s22 =	rddreg [dreg:$0xc];
	[sflag:s15] =	ssyncadd.s32 $0xFFFFD6C0;
	s6 =	sshrl.u32 @p1 s6, $0x3  }
0x3f: {  	[spmem:s6@s19], [sflag:s21] =	dma.strided @p1 [hbm:s22@s20], $0x1400, s16, $0x8   }
0x40: {  	s16 =	simm.s32 @p1 $0xA  }
0x41: {  	s19 =	sshll.u32 @!p1 s23, $0x6;
	_ =	swait.ge @p1 [sflag:s16], $0x1400  }
0x42: {  	s20 =	simm.s32 @!p1 $0x1;
	s21 =	simm.s32 @!p1 $0x8;
	[sflag:s16] =	ssyncset.done @p1 $0x0  }
0x43: {  	s22 =	simm.s32 @!p1 $0x20;
	[sflag:s16] =	ssyncadd.s32 @p1 $0xFFFFEC00;
	s16 =	rddreg [dreg:$0xa]  }
0x44: {  	s19 =	sor.u32 @!p1 $0x1C0A, s19;
	s24 =	rddreg [dreg:$0xb];
	s16 =	sshrl.u32 @!p1 s16, $0x3  }
0x45: {  	[spmem:s16@s21], [sflag:s19] =	dma.strided @!p1 [hbm:s24@s22], $0x1380, s20, $0x8   }
0x46: {  	s19 =	simm.s32 @!p1 $0xA  }
0x47: {  	_ =	swait.ge @!p1 [sflag:s19], $0x1380  }
0x48: {  	[sflag:s19] =	ssyncset.done @!p1 $0x0  }
0x49: {  	[sflag:s19] =	ssyncadd.s32 @!p1 $0xFFFFEC80  }
0x4a: {  	[spmem:s14] =	stream.linear.scatter [tilespmem:s13], [sflag:$0xA], $0x1400, $0x38;
	[tilespmem:$0x1E190] =	vst v63  }
0x4b: {  	_ =	swait.ge [sflag:s15], $0x1400  }
0x4c: {  	[sflag:s15] =	ssyncset.done $0x0  }
0x4d: {  	s24 =	rddreg [dreg:$0xf];
	[sflag:s15] =	ssyncadd.s32 $0xFFFFEC00  }
0x4e: {  	[spmem:s24] =	stream.linear.scatter [tilespmem:s13], [sflag:$0xA], $0x1400, $0x38;
	[tilespmem:$0x1E190] =	vst v63  }
0x4f: {  	_ =	swait.ge [sflag:s15], $0x1400  }
0x50: {  	[sflag:s15] =	ssyncset.done $0x0  }
0x51: {  	s20 =	rddreg [dreg:$0x12];
	[sflag:s15] =	ssyncadd.s32 $0xFFFFEC00  }
0x52: {  	[spmem:s20] =	stream.linear.scatter [tilespmem:s13], [sflag:$0xA], $0x1400, $0x38;
	[tilespmem:$0x1E190] =	vst v63  }
0x53: {  	_ =	swait.ge [sflag:s15], $0x1400  }
0x54: {  	[sflag:s15] =	ssyncset.done $0x0  }
0x55: {  	s21 =	rddreg [dreg:$0x14];
	[sflag:s15] =	ssyncadd.s32 $0xFFFFEC00  }
0x56: {  	[spmem:s21] =	stream.linear.scatter [tilespmem:s13], [sflag:$0xA], $0x1400, $0x38;
	[tilespmem:$0x1E190] =	vst v63  }
0x57: {  	_ =	swait.ge [sflag:s15], $0x1400  }
0x58: {  	[sflag:s15] =	ssyncset.done $0x0  }
0x59: {  	s22 =	rddreg [dreg:$0x13];
	[sflag:s15] =	ssyncadd.s32 $0xFFFFEC00  }
0x5a: {  	[spmem:s22] =	stream.linear.scatter [tilespmem:s13], [sflag:$0xA], $0x1400, $0x38;
	[tilespmem:$0x1E190] =	vst v63  }
0x5b: {  	_ =	swait.ge [sflag:s15], $0x1400  }
0x5c: {  	[sflag:s15] =	ssyncset.done $0x0  }
0x5d: {  	s24 =	rddreg [dreg:$0x15];
	[sflag:s15] =	ssyncadd.s32 $0xFFFFEC00  }
0x5e: {  	[spmem:s24] =	stream.linear.scatter [tilespmem:s13], [sflag:$0xA], $0x1400, $0x38;
	[tilespmem:$0x1E190] =	vst v63  }
0x5f: {  	_ =	swait.ge [sflag:s15], $0x1400  }
0x60: {  	[sflag:s15] =	ssyncset.done $0x0  }
0x61: {  	s20 =	rddreg [dreg:$0x16];
	[sflag:s15] =	ssyncadd.s32 $0xFFFFEC00  }
0x62: {  	[spmem:s20] =	stream.linear.scatter [tilespmem:s13], [sflag:$0xA], $0x1400, $0x38;
	[tilespmem:$0x1E190] =	vst v63  }
0x63: {  	_ =	swait.ge [sflag:s15], $0x1400  }
0x64: {  	[sflag:s15] =	ssyncset.done $0x0  }
0x65: {  	s21 =	rddreg [dreg:$0x17];
	[sflag:s15] =	ssyncadd.s32 $0xFFFFEC00  }
0x66: {  	[spmem:s21] =	stream.linear.scatter [tilespmem:s13], [sflag:$0xA], $0x1400, $0x38;
	[tilespmem:$0x1E190] =	vst v63  }
0x67: {  	_ =	swait.ge [sflag:s15], $0x1400  }
0x68: {  	s22 =	sld [smem:$0x7FC]  }
0x69: {  	[sflag:s15] =	ssyncset.done $0x0  }
0x6a: {  	[sflag:s15] =	ssyncadd.s32 $0xFFFFEC00  }
0x6b: {  	[spmem:s22] =	stream.linear.scatter [tilespmem:s13], [sflag:$0xA], $0x40, $0x38;
	[tilespmem:$0x1E190] =	vst v63  }
0x6c: {  	_ =	swait.ge [sflag:s15], $0x40  }
0x6d: {  	[sflag:s15] =	ssyncset.done $0x0  }
0x6e: {  	s24 =	rddreg [dreg:$0x1c];
	[sflag:s15] =	ssyncadd.s32 $0xFFFFFFC0  }
0x6f: {  	[spmem:s24] =	stream.linear.scatter [tilespmem:s13], [sflag:$0xA], $0x40, $0x38;
	[tilespmem:$0x1E190] =	vst v63  }
0x70: {  	_ =	swait.ge [sflag:s15], $0x40  }
0x71: {  	[sflag:s15] =	ssyncset.done $0x0  }
0x72: {  	s20 =	rddreg [dreg:$0x1d];
	[sflag:s15] =	ssyncadd.s32 $0xFFFFFFC0  }
0x73: {  	[spmem:s20] =	stream.linear.scatter [tilespmem:s13], [sflag:$0xA], $0x40, $0x38;
	[tilespmem:$0x1E190] =	vst v63  }
0x74: {  	_ =	swait.ge [sflag:s15], $0x40  }
0x75: {  	[sflag:s15] =	ssyncset.done $0x0  }
0x76: {  	s21 =	rddreg [dreg:$0x1e];
	[sflag:s15] =	ssyncadd.s32 $0xFFFFFFC0  }
0x77: {  	[spmem:s21] =	stream.linear.scatter [tilespmem:s13], [sflag:$0xA], $0x40, $0x38;
	[tilespmem:$0x1E190] =	vst v63  }
0x78: {  	_ =	swait.ge [sflag:s15], $0x40  }
0x79: {  	[sflag:s15] =	ssyncset.done $0x0  }
0x7a: {  	s22 =	rddreg [dreg:$0x1f];
	[sflag:s15] =	ssyncadd.s32 $0xFFFFFFC0  }
0x7b: {  	[spmem:s22] =	stream.linear.scatter [tilespmem:s13], [sflag:$0xA], $0x40, $0x38;
	[tilespmem:$0x1E190] =	vst v63  }
0x7c: {  	_ =	swait.ge [sflag:s15], $0x40  }
0x7d: {  	[sflag:s15] =	ssyncset.done $0x0  }
0x7e: {  	s24 =	rddreg [dreg:$0x18];
	[sflag:s15] =	ssyncadd.s32 $0xFFFFFFC0  }
0x7f: {  	[spmem:s24] =	stream.linear.scatter [tilespmem:s13], [sflag:$0xA], $0x40, $0x38;
	[tilespmem:$0x1E190] =	vst v63  }
0x80: {  	_ =	swait.ge [sflag:s15], $0x40  }
0x81: {  	s20 =	sld [smem:$0x7F9]  }
0x82: {  	[sflag:s15] =	ssyncset.done $0x0  }
0x83: {  	[sflag:s15] =	ssyncadd.s32 $0xFFFFFFC0  }
0x84: {  	[spmem:s20] =	stream.linear.scatter [tilespmem:s13], [sflag:$0xA], $0x40, $0x38;
	[tilespmem:$0x1E190] =	vst v63  }
0x85: {  	_ =	swait.ge [sflag:s15], $0x40  }
0x86: {  	s21 =	sld [smem:$0x7FA]  }
0x87: {  	[sflag:s15] =	ssyncset.done $0x0  }
0x88: {  	[sflag:s15] =	ssyncadd.s32 $0xFFFFFFC0  }
0x89: {  	[spmem:s21] =	stream.linear.scatter [tilespmem:s13], [sflag:$0xA], $0x40, $0x38;
	[tilespmem:$0x1E190] =	vst v63  }
0x8a: {  	_ =	swait.ge [sflag:s15], $0x40  }
0x8b: {  	s22 =	sld [smem:$0x7FB]  }
0x8c: {  	[sflag:s15] =	ssyncset.done $0x0  }
0x8d: {  	[sflag:s15] =	ssyncadd.s32 $0xFFFFFFC0  }
0x8e: {  	[spmem:s22] =	stream.linear.scatter [tilespmem:s13], [sflag:$0xA], $0x40, $0x38;
	[tilespmem:$0x1E190] =	vst v63  }
0x8f: {  	_ =	swait.ge [sflag:s15], $0x40  }
0x90: {  	s24 =	sld [smem:$0x7FD]  }
0x91: {  	[sflag:s15] =	ssyncset.done $0x0  }
0x92: {  	[sflag:s15] =	ssyncadd.s32 $0xFFFFFFC0  }
0x93: {  	[spmem:s24] =	stream.linear.scatter [tilespmem:s13], [sflag:$0xA], $0x40, $0x38;
	[tilespmem:$0x1E190] =	vst v63  }
0x94: {  	_ =	swait.ge [sflag:s15], $0x40  }
0x95: {  	[sflag:s15] =	ssyncset.done $0x0  }
0x96: {  	[sflag:s15] =	ssyncadd.s32 $0xFFFFFFC0  }
0x97: {  	[bflag:$0x0] =	sbarrier.arrive $0xFFFF  }
0x98: {  	[tilespmem:s13], [sflag:$0x1] =	stream.indirect.gather [spmem:s2], $0x40, s5, s26, $0xb8;
	[tilespmem:$0x1E190] =	vst v63  }
.Ltmp0:
0x99: {  	_ = 	snop;
	(pc) =	sbr.rel @p0 .LBB2_5-.Ltmp0, $4  }
0x9a: {  	[tilespmem:s1], [sflag:$0x2] =	stream.indirect.gather [spmem:s2], $0x40, s26, s26, $0xb8;
	[tilespmem:$0x1E190] =	vst v63  }
0x9b: {  	_ =	swait.ge [sflag:s28], $0x1400  }
0x9c: {  	[sflag:s28] =	ssyncset.done $0x0  }
0x9d: {  	s25 =	simm.s32 $0x2940;
	[sflag:s28] =	ssyncadd.s32 $0xFFFFEC00  }
0x9e: {  	[spmem:s4] =	stream.indirect.scatter.add.f32 [tilespmem:s17], [sflag:$0x9], $0x1, s25, s26, $0xb8;
	[tilespmem:$0x1E190] =	vst v63  }
0x9f: {  	_ = 	snop  }
0xa0: {  	[spmem:s3] =	stream.indirect.scatter.add.f32 [tilespmem:s13], [sflag:$0x5], $0x40, s25, s26, $0xb8;
	[tilespmem:$0x1E190] =	vst v63  }
0xa1: {  	s25 =	simm.s32 $0xA0  }
0xa2: {  	[tilespmem:s30], [sflag:$0x3] =	stream.indirect.gather [spmem:s2], $0x40, s25, s26, $0xb8;
	[tilespmem:$0x1E190] =	vst v63  }
0xa3: {  	_ =	swait.ge [sflag:s31], $0x1400  }
0xa4: {  	[sflag:s31] =	ssyncset.done $0x0  }
0xa5: {  	s19 =	simm.s32 $0x2990;
	[sflag:s31] =	ssyncadd.s32 $0xFFFFEC00  }
0xa6: {  	[spmem:s4] =	stream.indirect.scatter.add.f32 [tilespmem:s17], [sflag:$0x9], $0x1, s19, s26, $0xb8;
	[tilespmem:$0x1E190] =	vst v63  }
0xa7: {  	_ = 	snop  }
0xa8: {  	[spmem:s3] =	stream.indirect.scatter.add.f32 [tilespmem:s1], [sflag:$0x6], $0x40, s19, s26, $0xb8;
	[tilespmem:$0x1E190] =	vst v63  }
0xa9: {  	s20 =	simm.s32 $0xF0  }
0xaa: {  	[tilespmem:s8], [sflag:$0x4] =	stream.indirect.gather [spmem:s2], $0x40, s20, s26, $0xb8;
	[tilespmem:$0x1E190] =	vst v63  }
0xab: {  	_ =	swait.ge [sflag:s9], $0x1400  }
0xac: {  	[sflag:s9] =	ssyncset.done $0x0  }
0xad: {  	s21 =	simm.s32 $0x29E0;
	[sflag:s9] =	ssyncadd.s32 $0xFFFFEC00  }
0xae: {  	[spmem:s4] =	stream.indirect.scatter.add.f32 [tilespmem:s17], [sflag:$0x9], $0x1, s21, s26, $0xb8;
	[tilespmem:$0x1E190] =	vst v63  }
0xaf: {  	_ =	swait.ge [sflag:s29], $0x50  }
0xb0: {  	[sflag:s29] =	ssyncset.done $0x0  }
0xb1: {  	[sflag:s29] =	ssyncadd.s32 $0xFFFFFFB0  }
0xb2: {  	[spmem:s3] =	stream.indirect.scatter.add.f32 [tilespmem:s30], [sflag:$0x7], $0x40, s21, s26, $0xb8;
	[tilespmem:$0x1E190] =	vst v63  }
0xb3: {  	_ =	swait.ge [sflag:s10], $0x1400  }
0xb4: {  	[sflag:s10] =	ssyncset.done $0x0  }
0xb5: {  	s22 =	simm.s32 $0x140;
	[sflag:s10] =	ssyncadd.s32 $0xFFFFEC00  }
0xb6: {  	[tilespmem:s13], [sflag:$0x1] =	stream.indirect.gather [spmem:s2], $0x40, s22, s26, $0xb8;
	[tilespmem:$0x1E190] =	vst v63  }
0xb7: {  	_ =	swait.ge [sflag:s11], $0x1400  }
0xb8: {  	[sflag:s11] =	ssyncset.done $0x0  }
0xb9: {  	s24 =	simm.s32 $0x2A30;
	[sflag:s11] =	ssyncadd.s32 $0xFFFFEC00  }
0xba: {  	[spmem:s4] =	stream.indirect.scatter.add.f32 [tilespmem:s17], [sflag:$0x9], $0x1, s24, s26, $0xb8;
	[tilespmem:$0x1E190] =	vst v63  }
0xbb: {  	_ =	swait.ge [sflag:s29], $0x50  }
0xbc: {  	[sflag:s29] =	ssyncset.done $0x0  }
0xbd: {  	[sflag:s29] =	ssyncadd.s32 $0xFFFFFFB0  }
0xbe: {  	[spmem:s3] =	stream.indirect.scatter.add.f32 [tilespmem:s8], [sflag:$0x8], $0x40, s24, s26, $0xb8;
	[tilespmem:$0x1E190] =	vst v63  }
0xbf: {  	_ =	swait.ge [sflag:s12], $0x1400  }
0xc0: {  	[sflag:s12] =	ssyncset.done $0x0  }
0xc1: {  	s20 =	simm.s32 $0x190;
	[sflag:s12] =	ssyncadd.s32 $0xFFFFEC00  }
0xc2: {  	[tilespmem:s1], [sflag:$0x2] =	stream.indirect.gather [spmem:s2], $0x40, s20, s26, $0xb8;
	[tilespmem:$0x1E190] =	vst v63  }
0xc3: {  	_ =	swait.ge [sflag:s28], $0x1400  }
0xc4: {  	[sflag:s28] =	ssyncset.done $0x0  }
0xc5: {  	s21 =	simm.s32 $0x2A80;
	[sflag:s28] =	ssyncadd.s32 $0xFFFFEC00  }
0xc6: {  	[spmem:s4] =	stream.indirect.scatter.add.f32 [tilespmem:s17], [sflag:$0x9], $0x1, s21, s26, $0xb8;
	[tilespmem:$0x1E190] =	vst v63  }
0xc7: {  	_ =	swait.ge [sflag:s29], $0x50  }
0xc8: {  	[sflag:s29] =	ssyncset.done $0x0  }
0xc9: {  	[sflag:s29] =	ssyncadd.s32 $0xFFFFFFB0  }
0xca: {  	[spmem:s3] =	stream.indirect.scatter.add.f32 [tilespmem:s13], [sflag:$0x5], $0x40, s21, s26, $0xb8;
	[tilespmem:$0x1E190] =	vst v63  }
0xcb: {  	_ =	swait.ge [sflag:s7], $0x1400  }
0xcc: {  	[sflag:s7] =	ssyncset.done $0x0  }
0xcd: {  	s22 =	simm.s32 $0x1E0;
	[sflag:s7] =	ssyncadd.s32 $0xFFFFEC00  }
0xce: {  	[tilespmem:s30], [sflag:$0x3] =	stream.indirect.gather [spmem:s2], $0x40, s22, s26, $0xb8;
	[tilespmem:$0x1E190] =	vst v63  }
0xcf: {  	_ =	swait.ge [sflag:s31], $0x1400  }
0xd0: {  	[sflag:s31] =	ssyncset.done $0x0  }
0xd1: {  	s24 =	simm.s32 $0x2AD0;
	[sflag:s31] =	ssyncadd.s32 $0xFFFFEC00  }
0xd2: {  	[spmem:s4] =	stream.indirect.scatter.add.f32 [tilespmem:s17], [sflag:$0x9], $0x1, s24, s26, $0xb8;
	[tilespmem:$0x1E190] =	vst v63  }
0xd3: {  	_ =	swait.ge [sflag:s29], $0x50  }
0xd4: {  	[sflag:s29] =	ssyncset.done $0x0  }
0xd5: {  	[sflag:s29] =	ssyncadd.s32 $0xFFFFFFB0  }
0xd6: {  	[spmem:s3] =	stream.indirect.scatter.add.f32 [tilespmem:s1], [sflag:$0x6], $0x40, s24, s26, $0xb8;
	[tilespmem:$0x1E190] =	vst v63  }
0xd7: {  	_ =	swait.ge [sflag:s0], $0x1400  }
0xd8: {  	[sflag:s0] =	ssyncset.done $0x0  }
0xd9: {  	s19 =	simm.s32 $0x500;
	s20 =	simm.s32 $0x230;
	[sflag:s0] =	ssyncadd.s32 $0xFFFFEC00  }
.LBB2_3:
0xda: {  	[tilespmem:s8], [sflag:$0x4] =	stream.indirect.gather [spmem:s2], $0x40, s20, s26, $0xb8;
	[tilespmem:$0x1E190] =	vst v63  }
0xdb: {  	s20 =	smov.u32 s19  }
0xdc: {  	p2 =	sne.s32 s19, $0x9B00;
	s19 =	sadd.s32 $0x500, s19;
	_ =	swait.ge [sflag:s9], $0x1400  }
0xdd: {  	s20 =	sshra.s32 s20, $0x2;
	[sflag:s9] =	ssyncset.done $0x0  }
0xde: {  	s21 =	sadd.s32 $0x29E0, s20;
	[sflag:s9] =	ssyncadd.s32 $0xFFFFEC00  }
0xdf: {  	[spmem:s4] =	stream.indirect.scatter.add.f32 [tilespmem:s17], [sflag:$0x9], $0x1, s21, s26, $0xb8;
	[tilespmem:$0x1E190] =	vst v63  }
0xe0: {  	_ =	swait.ge [sflag:s29], $0x50  }
0xe1: {  	[sflag:s29] =	ssyncset.done $0x0  }
0xe2: {  	[sflag:s29] =	ssyncadd.s32 $0xFFFFFFB0  }
0xe3: {  	[spmem:s3] =	stream.indirect.scatter.add.f32 [tilespmem:s30], [sflag:$0x7], $0x40, s21, s26, $0xb8;
	[tilespmem:$0x1E190] =	vst v63  }
0xe4: {  	_ =	swait.ge [sflag:s10], $0x1400  }
0xe5: {  	[sflag:s10] =	ssyncset.done $0x0  }
0xe6: {  	s21 =	sadd.s32 $0x140, s20;
	[sflag:s10] =	ssyncadd.s32 $0xFFFFEC00  }
0xe7: {  	[tilespmem:s13], [sflag:$0x1] =	stream.indirect.gather [spmem:s2], $0x40, s21, s26, $0xb8;
	[tilespmem:$0x1E190] =	vst v63  }
0xe8: {  	_ =	swait.ge [sflag:s11], $0x1400  }
0xe9: {  	[sflag:s11] =	ssyncset.done $0x0  }
0xea: {  	s21 =	sadd.s32 $0x2A30, s20;
	[sflag:s11] =	ssyncadd.s32 $0xFFFFEC00  }
0xeb: {  	[spmem:s4] =	stream.indirect.scatter.add.f32 [tilespmem:s17], [sflag:$0x9], $0x1, s21, s26, $0xb8;
	[tilespmem:$0x1E190] =	vst v63  }
0xec: {  	_ =	swait.ge [sflag:s29], $0x50  }
0xed: {  	[sflag:s29] =	ssyncset.done $0x0  }
0xee: {  	[sflag:s29] =	ssyncadd.s32 $0xFFFFFFB0  }
0xef: {  	[spmem:s3] =	stream.indirect.scatter.add.f32 [tilespmem:s8], [sflag:$0x8], $0x40, s21, s26, $0xb8;
	[tilespmem:$0x1E190] =	vst v63  }
0xf0: {  	_ =	swait.ge [sflag:s12], $0x1400  }
0xf1: {  	[sflag:s12] =	ssyncset.done $0x0  }
0xf2: {  	s21 =	sadd.s32 $0x190, s20;
	[sflag:s12] =	ssyncadd.s32 $0xFFFFEC00  }
0xf3: {  	[tilespmem:s1], [sflag:$0x2] =	stream.indirect.gather [spmem:s2], $0x40, s21, s26, $0xb8;
	[tilespmem:$0x1E190] =	vst v63  }
0xf4: {  	_ =	swait.ge [sflag:s28], $0x1400  }
0xf5: {  	[sflag:s28] =	ssyncset.done $0x0  }
0xf6: {  	s21 =	sadd.s32 $0x2A80, s20;
	[sflag:s28] =	ssyncadd.s32 $0xFFFFEC00  }
0xf7: {  	[spmem:s4] =	stream.indirect.scatter.add.f32 [tilespmem:s17], [sflag:$0x9], $0x1, s21, s26, $0xb8;
	[tilespmem:$0x1E190] =	vst v63  }
0xf8: {  	_ =	swait.ge [sflag:s29], $0x50  }
0xf9: {  	[sflag:s29] =	ssyncset.done $0x0  }
0xfa: {  	[sflag:s29] =	ssyncadd.s32 $0xFFFFFFB0  }
0xfb: {  	[spmem:s3] =	stream.indirect.scatter.add.f32 [tilespmem:s13], [sflag:$0x5], $0x40, s21, s26, $0xb8;
	[tilespmem:$0x1E190] =	vst v63  }
0xfc: {  	_ =	swait.ge [sflag:s7], $0x1400  }
0xfd: {  	[sflag:s7] =	ssyncset.done $0x0  }
0xfe: {  	s21 =	sadd.s32 $0x1E0, s20;
	[sflag:s7] =	ssyncadd.s32 $0xFFFFEC00  }
0xff: {  	[tilespmem:s30], [sflag:$0x3] =	stream.indirect.gather [spmem:s2], $0x40, s21, s26, $0xb8;
	[tilespmem:$0x1E190] =	vst v63  }
0x100: {  	_ =	swait.ge [sflag:s31], $0x1400  }
0x101: {  	[sflag:s31] =	ssyncset.done $0x0  }
0x102: {  	s21 =	sadd.s32 $0x2AD0, s20;
	[sflag:s31] =	ssyncadd.s32 $0xFFFFEC00  }
0x103: {  	[spmem:s4] =	stream.indirect.scatter.add.f32 [tilespmem:s17], [sflag:$0x9], $0x1, s21, s26, $0xb8;
	[tilespmem:$0x1E190] =	vst v63  }
0x104: {  	_ =	swait.ge [sflag:s29], $0x50  }
0x105: {  	[sflag:s29] =	ssyncset.done $0x0  }
.Ltmp1:
0x106: {  	[sflag:s29] =	ssyncadd.s32 $0xFFFFFFB0;
	(pc) =	sbr.rel @p2 .LBB2_3-.Ltmp1, $4  }
0x107: {  	[spmem:s3] =	stream.indirect.scatter.add.f32 [tilespmem:s1], [sflag:$0x6], $0x40, s21, s26, $0xb8;
	[tilespmem:$0x1E190] =	vst v63  }
0x108: {  	_ =	swait.ge [sflag:s0], $0x1400  }
0x109: {  	[sflag:s0] =	ssyncset.done $0x0  }
0x10a: {  	s20 =	sadd.s32 $0x230, s20;
	[sflag:s0] =	ssyncadd.s32 $0xFFFFEC00  }
0x10b: {  	[tilespmem:s8], [sflag:$0x4] =	stream.indirect.gather [spmem:s2], $0x40, s20, s26, $0xb8;
	[tilespmem:$0x1E190] =	vst v63  }
0x10c: {  	_ =	swait.ge [sflag:s29], $0x50  }
.Ltmp2:
0x10d: {  	[sflag:s29] =	ssyncset.done $0x0;
	(pc) =	sbr.rel .LBB2_8-.Ltmp2, $4  }
0x10e: {  	[sflag:s29] =	ssyncadd.s32 $0xFFFFFFB0  }
0x10f: {  	_ =	swait.ge [sflag:s29], $0x50  }
0x110: {  	[sflag:s29] =	ssyncset.done $0x0  }
0x111: {  	[sflag:s29] =	ssyncadd.s32 $0xFFFFFFB0  }
.LBB2_5:
0x112: {  	[spmem:s3] =	stream.indirect.scatter.add.f32 [tilespmem:s13], [sflag:$0x5], $0x40, s25, s26, $0xb8;
	[tilespmem:$0x1E190] =	vst v63  }
0x113: {  	s25 =	simm.s32 $0xA0  }
0x114: {  	[tilespmem:s30], [sflag:$0x3] =	stream.indirect.gather [spmem:s2], $0x40, s25, s26, $0xb8;
	[tilespmem:$0x1E190] =	vst v63  }
0x115: {  	_ =	swait.ge [sflag:s31], $0x1400  }
0x116: {  	[sflag:s31] =	ssyncset.done $0x0  }
0x117: {  	s19 =	simm.s32 $0x2990;
	[sflag:s31] =	ssyncadd.s32 $0xFFFFEC00  }
0x118: {  	[spmem:s3] =	stream.indirect.scatter.add.f32 [tilespmem:s1], [sflag:$0x6], $0x40, s19, s26, $0xb8;
	[tilespmem:$0x1E190] =	vst v63  }
0x119: {  	s20 =	simm.s32 $0xF0  }
0x11a: {  	[tilespmem:s8], [sflag:$0x4] =	stream.indirect.gather [spmem:s2], $0x40, s20, s26, $0xb8;
	[tilespmem:$0x1E190] =	vst v63  }
0x11b: {  	_ =	swait.ge [sflag:s9], $0x1400  }
0x11c: {  	[sflag:s9] =	ssyncset.done $0x0  }
0x11d: {  	s21 =	simm.s32 $0x29E0;
	[sflag:s9] =	ssyncadd.s32 $0xFFFFEC00  }
0x11e: {  	[spmem:s3] =	stream.indirect.scatter.add.f32 [tilespmem:s30], [sflag:$0x7], $0x40, s21, s26, $0xb8;
	[tilespmem:$0x1E190] =	vst v63  }
0x11f: {  	_ =	swait.ge [sflag:s10], $0x1400  }
0x120: {  	[sflag:s10] =	ssyncset.done $0x0  }
0x121: {  	s22 =	simm.s32 $0x140;
	[sflag:s10] =	ssyncadd.s32 $0xFFFFEC00  }
0x122: {  	[tilespmem:s13], [sflag:$0x1] =	stream.indirect.gather [spmem:s2], $0x40, s22, s26, $0xb8;
	[tilespmem:$0x1E190] =	vst v63  }
0x123: {  	_ =	swait.ge [sflag:s11], $0x1400  }
0x124: {  	[sflag:s11] =	ssyncset.done $0x0  }
0x125: {  	s24 =	simm.s32 $0x2A30;
	[sflag:s11] =	ssyncadd.s32 $0xFFFFEC00  }
0x126: {  	[spmem:s3] =	stream.indirect.scatter.add.f32 [tilespmem:s8], [sflag:$0x8], $0x40, s24, s26, $0xb8;
	[tilespmem:$0x1E190] =	vst v63  }
0x127: {  	_ =	swait.ge [sflag:s12], $0x1400  }
0x128: {  	[sflag:s12] =	ssyncset.done $0x0  }
0x129: {  	s20 =	simm.s32 $0x190;
	[sflag:s12] =	ssyncadd.s32 $0xFFFFEC00  }
0x12a: {  	[tilespmem:s1], [sflag:$0x2] =	stream.indirect.gather [spmem:s2], $0x40, s20, s26, $0xb8;
	[tilespmem:$0x1E190] =	vst v63  }
0x12b: {  	_ =	swait.ge [sflag:s28], $0x1400  }
0x12c: {  	[sflag:s28] =	ssyncset.done $0x0  }
0x12d: {  	s21 =	simm.s32 $0x2A80;
	[sflag:s28] =	ssyncadd.s32 $0xFFFFEC00  }
0x12e: {  	[spmem:s3] =	stream.indirect.scatter.add.f32 [tilespmem:s13], [sflag:$0x5], $0x40, s21, s26, $0xb8;
	[tilespmem:$0x1E190] =	vst v63  }
0x12f: {  	_ =	swait.ge [sflag:s7], $0x1400  }
0x130: {  	[sflag:s7] =	ssyncset.done $0x0  }
0x131: {  	s22 =	simm.s32 $0x1E0;
	[sflag:s7] =	ssyncadd.s32 $0xFFFFEC00  }
0x132: {  	[tilespmem:s30], [sflag:$0x3] =	stream.indirect.gather [spmem:s2], $0x40, s22, s26, $0xb8;
	[tilespmem:$0x1E190] =	vst v63  }
0x133: {  	_ =	swait.ge [sflag:s31], $0x1400  }
0x134: {  	[sflag:s31] =	ssyncset.done $0x0  }
0x135: {  	s24 =	simm.s32 $0x2AD0;
	[sflag:s31] =	ssyncadd.s32 $0xFFFFEC00  }
0x136: {  	[spmem:s3] =	stream.indirect.scatter.add.f32 [tilespmem:s1], [sflag:$0x6], $0x40, s24, s26, $0xb8;
	[tilespmem:$0x1E190] =	vst v63  }
0x137: {  	_ =	swait.ge [sflag:s0], $0x1400  }
0x138: {  	[sflag:s0] =	ssyncset.done $0x0  }
0x139: {  	s19 =	simm.s32 $0x500;
	s20 =	simm.s32 $0x230;
	[sflag:s0] =	ssyncadd.s32 $0xFFFFEC00  }
.LBB2_6:
0x13a: {  	[tilespmem:s8], [sflag:$0x4] =	stream.indirect.gather [spmem:s2], $0x40, s20, s26, $0xb8;
	[tilespmem:$0x1E190] =	vst v63  }
0x13b: {  	s20 =	smov.u32 s19  }
0x13c: {  	p2 =	sne.s32 s19, $0x9B00;
	s19 =	sadd.s32 $0x500, s19;
	_ =	swait.ge [sflag:s9], $0x1400  }
0x13d: {  	s20 =	sshra.s32 s20, $0x2;
	[sflag:s9] =	ssyncset.done $0x0  }
0x13e: {  	s21 =	sadd.s32 $0x29E0, s20;
	[sflag:s9] =	ssyncadd.s32 $0xFFFFEC00  }
0x13f: {  	[spmem:s3] =	stream.indirect.scatter.add.f32 [tilespmem:s30], [sflag:$0x7], $0x40, s21, s26, $0xb8;
	[tilespmem:$0x1E190] =	vst v63  }
0x140: {  	_ =	swait.ge [sflag:s10], $0x1400  }
0x141: {  	[sflag:s10] =	ssyncset.done $0x0  }
0x142: {  	s21 =	sadd.s32 $0x140, s20;
	[sflag:s10] =	ssyncadd.s32 $0xFFFFEC00  }
0x143: {  	[tilespmem:s13], [sflag:$0x1] =	stream.indirect.gather [spmem:s2], $0x40, s21, s26, $0xb8;
	[tilespmem:$0x1E190] =	vst v63  }
0x144: {  	_ =	swait.ge [sflag:s11], $0x1400  }
0x145: {  	[sflag:s11] =	ssyncset.done $0x0  }
0x146: {  	s21 =	sadd.s32 $0x2A30, s20;
	[sflag:s11] =	ssyncadd.s32 $0xFFFFEC00  }
0x147: {  	[spmem:s3] =	stream.indirect.scatter.add.f32 [tilespmem:s8], [sflag:$0x8], $0x40, s21, s26, $0xb8;
	[tilespmem:$0x1E190] =	vst v63  }
0x148: {  	_ =	swait.ge [sflag:s12], $0x1400  }
0x149: {  	[sflag:s12] =	ssyncset.done $0x0  }
0x14a: {  	s21 =	sadd.s32 $0x190, s20;
	[sflag:s12] =	ssyncadd.s32 $0xFFFFEC00  }
0x14b: {  	[tilespmem:s1], [sflag:$0x2] =	stream.indirect.gather [spmem:s2], $0x40, s21, s26, $0xb8;
	[tilespmem:$0x1E190] =	vst v63  }
0x14c: {  	_ =	swait.ge [sflag:s28], $0x1400  }
0x14d: {  	[sflag:s28] =	ssyncset.done $0x0  }
0x14e: {  	s21 =	sadd.s32 $0x2A80, s20;
	[sflag:s28] =	ssyncadd.s32 $0xFFFFEC00  }
0x14f: {  	[spmem:s3] =	stream.indirect.scatter.add.f32 [tilespmem:s13], [sflag:$0x5], $0x40, s21, s26, $0xb8;
	[tilespmem:$0x1E190] =	vst v63  }
0x150: {  	_ =	swait.ge [sflag:s7], $0x1400  }
0x151: {  	[sflag:s7] =	ssyncset.done $0x0  }
0x152: {  	s21 =	sadd.s32 $0x1E0, s20;
	[sflag:s7] =	ssyncadd.s32 $0xFFFFEC00  }
0x153: {  	[tilespmem:s30], [sflag:$0x3] =	stream.indirect.gather [spmem:s2], $0x40, s21, s26, $0xb8;
	[tilespmem:$0x1E190] =	vst v63  }
0x154: {  	_ =	swait.ge [sflag:s31], $0x1400  }
0x155: {  	[sflag:s31] =	ssyncset.done $0x0  }
.Ltmp3:
0x156: {  	s21 =	sadd.s32 $0x2AD0, s20;
	[sflag:s31] =	ssyncadd.s32 $0xFFFFEC00;
	(pc) =	sbr.rel @p2 .LBB2_6-.Ltmp3, $4  }
0x157: {  	[spmem:s3] =	stream.indirect.scatter.add.f32 [tilespmem:s1], [sflag:$0x6], $0x40, s21, s26, $0xb8;
	[tilespmem:$0x1E190] =	vst v63  }
0x158: {  	_ =	swait.ge [sflag:s0], $0x1400  }
0x159: {  	[sflag:s0] =	ssyncset.done $0x0  }
0x15a: {  	s20 =	sadd.s32 $0x230, s20;
	[sflag:s0] =	ssyncadd.s32 $0xFFFFEC00  }
0x15b: {  	[tilespmem:s8], [sflag:$0x4] =	stream.indirect.gather [spmem:s2], $0x40, s20, s26, $0xb8;
	[tilespmem:$0x1E190] =	vst v63  }
.LBB2_8:
0x15c: {  	_ =	swait.ge [sflag:s10], $0x1400  }
0x15d: {  	[sflag:s10] =	ssyncset.done $0x0  }
0x15e: {  	[sflag:s10] =	ssyncadd.s32 $0xFFFFEC00  }
0x15f: {  	_ =	swait.ge [sflag:s12], $0x1400  }
0x160: {  	[sflag:s12] =	ssyncset.done $0x0  }
0x161: {  	[sflag:s12] =	ssyncadd.s32 $0xFFFFEC00  }
0x162: {  	_ =	swait.ge [sflag:s9], $0x1400  }
0x163: {  	[sflag:s9] =	ssyncset.done $0x0  }
0x164: {  	[sflag:s9] =	ssyncadd.s32 $0xFFFFEC00  }
0x165: {  	_ =	swait.ge [sflag:s11], $0x1400  }
0x166: {  	[sflag:s11] =	ssyncset.done $0x0  }
0x167: {  	[sflag:s11] =	ssyncadd.s32 $0xFFFFEC00  }
0x168: {  	s19 =	sshll.u32 s23, $0x6;
	[bflag:$0x0] =	sbarrier.arrive $0xFFFF  }
0x169: {  	s20 =	sshrl.u32 s14, $0x3;
	s19 =	sor.u32 $0x1C0A, s19;
	s21 =	rddreg [dreg:$0x10]  }
0x16a: {  	[hbm:s21], [sflag:s19] =	dma.local [spmem:s20], $0x1400  }
0x16b: {  	_ =	swait.ge [sflag:s15], $0x1400  }
0x16c: {  	s21 =	sld [smem:$0x7FC];
	_ =	sdelay $0x1  }
0x16d: {  	[sflag:s15] =	ssyncset.done $0x0  }
0x16e: {  	s22 =	rddreg [dreg:$0x19];
	[sflag:s15] =	ssyncadd.s32 $0xFFFFEC00;
	s21 =	sshrl.u32 @!p0 s21, $0x3  }
0x16f: {  	[hbm:s22], [sflag:s19] =	dma.local @!p0 [spmem:s21], $0x50  }
0x170: {  	s21 =	simm.s32 @!p0 $0xA  }
0x171: {  	_ =	swait.ge @!p0 [sflag:s21], $0x50  }
0x172: {  	[sflag:s21] =	ssyncset.done @!p0 $0x0  }
0x173: {  	s22 =	rddreg [dreg:$0x6];
	[sflag:s21] =	ssyncadd.s32 @!p0 $0xFFFFFFB0  }
0x174: {  	[tilespmem:s13], [sflag:$0xA] =	stream.linear.gather [hbm4b:s22+s5], $0x1400, $0x38;
	[tilespmem:$0x1E190] =	vst v63  }
0x175: {  	_ =	swait.ge [sflag:s15], $0x1400  }
0x176: {  	s23 =	simm.s32 @p1 $0x20;
	s21 =	simm.s32 @p1 $0x1;
	[sflag:s15] =	ssyncset.done $0x0  }
0x177: {  	s22 =	simm.s32 @p1 $0x8;
	s24 =	rddreg [dreg:$0xe];
	[sflag:s15] =	ssyncadd.s32 $0xFFFFEC00  }
0x178: {  	[spmem:s6@s22], [sflag:s19] =	dma.strided @p1 [hbm:s24@s23], $0x1400, s21, $0x8   }
0x179: {  	s6 =	simm.s32 @p1 $0xA  }
0x17a: {  	_ =	swait.ge @p1 [sflag:s6], $0x1400  }
0x17b: {  	s21 =	simm.s32 @!p1 $0x8;
	s22 =	simm.s32 @!p1 $0x20;
	[sflag:s6] =	ssyncset.done @p1 $0x0  }
0x17c: {  	s23 =	rddreg [dreg:$0xd];
	[sflag:s6] =	ssyncadd.s32 @p1 $0xFFFFEC00;
	s6 =	simm.s32 @!p1 $0x1  }
0x17d: {  	[spmem:s16@s21], [sflag:s19] =	dma.strided @!p1 [hbm:s23@s22], $0x1380, s6, $0x8   }
0x17e: {  	s6 =	simm.s32 @!p1 $0xA  }
0x17f: {  	_ =	swait.ge @!p1 [sflag:s6], $0x1380  }
0x180: {  	[sflag:s6] =	ssyncset.done @!p1 $0x0  }
0x181: {  	[sflag:s6] =	ssyncadd.s32 @!p1 $0xFFFFEC80  }
0x182: {  	[spmem:s14] =	stream.linear.scatter [tilespmem:s13], [sflag:$0xA], $0x1400, $0x38;
	[tilespmem:$0x1E190] =	vst v63  }
0x183: {  	_ =	swait.ge [sflag:s15], $0x1400  }
0x184: {  	[sflag:s15] =	ssyncset.done $0x0  }
0x185: {  	s23 =	rddreg [dreg:$0xf];
	[sflag:s15] =	ssyncadd.s32 $0xFFFFEC00  }
0x186: {  	[spmem:s23] =	stream.linear.scatter [tilespmem:s13], [sflag:$0xA], $0x1400, $0x38;
	[tilespmem:$0x1E190] =	vst v63  }
0x187: {  	_ =	swait.ge [sflag:s15], $0x1400  }
0x188: {  	[sflag:s15] =	ssyncset.done $0x0  }
0x189: {  	s24 =	rddreg [dreg:$0x12];
	[sflag:s15] =	ssyncadd.s32 $0xFFFFEC00  }
0x18a: {  	[spmem:s24] =	stream.linear.scatter [tilespmem:s13], [sflag:$0xA], $0x1400, $0x38;
	[tilespmem:$0x1E190] =	vst v63  }
0x18b: {  	_ =	swait.ge [sflag:s15], $0x1400  }
0x18c: {  	[sflag:s15] =	ssyncset.done $0x0  }
0x18d: {  	s16 =	rddreg [dreg:$0x14];
	[sflag:s15] =	ssyncadd.s32 $0xFFFFEC00  }
0x18e: {  	[spmem:s16] =	stream.linear.scatter [tilespmem:s13], [sflag:$0xA], $0x1400, $0x38;
	[tilespmem:$0x1E190] =	vst v63  }
0x18f: {  	_ =	swait.ge [sflag:s15], $0x1400  }
0x190: {  	[sflag:s15] =	ssyncset.done $0x0  }
0x191: {  	s21 =	rddreg [dreg:$0x13];
	[sflag:s15] =	ssyncadd.s32 $0xFFFFEC00  }
0x192: {  	[spmem:s21] =	stream.linear.scatter [tilespmem:s13], [sflag:$0xA], $0x1400, $0x38;
	[tilespmem:$0x1E190] =	vst v63  }
0x193: {  	_ =	swait.ge [sflag:s15], $0x1400  }
0x194: {  	[sflag:s15] =	ssyncset.done $0x0  }
0x195: {  	s22 =	rddreg [dreg:$0x15];
	[sflag:s15] =	ssyncadd.s32 $0xFFFFEC00  }
0x196: {  	[spmem:s22] =	stream.linear.scatter [tilespmem:s13], [sflag:$0xA], $0x1400, $0x38;
	[tilespmem:$0x1E190] =	vst v63  }
0x197: {  	_ =	swait.ge [sflag:s15], $0x1400  }
0x198: {  	[sflag:s15] =	ssyncset.done $0x0  }
0x199: {  	s23 =	rddreg [dreg:$0x16];
	[sflag:s15] =	ssyncadd.s32 $0xFFFFEC00  }
0x19a: {  	[spmem:s23] =	stream.linear.scatter [tilespmem:s13], [sflag:$0xA], $0x1400, $0x38;
	[tilespmem:$0x1E190] =	vst v63  }
0x19b: {  	_ =	swait.ge [sflag:s15], $0x1400  }
0x19c: {  	[sflag:s15] =	ssyncset.done $0x0  }
0x19d: {  	s24 =	rddreg [dreg:$0x17];
	[sflag:s15] =	ssyncadd.s32 $0xFFFFEC00  }
0x19e: {  	[spmem:s24] =	stream.linear.scatter [tilespmem:s13], [sflag:$0xA], $0x1400, $0x38;
	[tilespmem:$0x1E190] =	vst v63  }
0x19f: {  	_ =	swait.ge [sflag:s15], $0x1400  }
0x1a0: {  	[sflag:s15] =	ssyncset.done $0x0  }
0x1a1: {  	[sflag:s15] =	ssyncadd.s32 $0xFFFFEC00  }
0x1a2: {  	s16 =	simm.s32 $0x0;
	[bflag:$0x0] =	sbarrier.arrive $0xFFFF  }
0x1a3: {  	[tilespmem:s13], [sflag:$0x1] =	stream.indirect.gather [spmem:s2], $0x40, s16, s26, $0xb8;
	[tilespmem:$0x1E190] =	vst v63  }
0x1a4: {  	_ = 	snop  }
0x1a5: {  	[tilespmem:s1], [sflag:$0x2] =	stream.indirect.gather [spmem:s2], $0x40, s26, s26, $0xb8;
	[tilespmem:$0x1E190] =	vst v63  }
0x1a6: {  	_ =	swait.ge [sflag:s28], $0x1400  }
0x1a7: {  	[sflag:s28] =	ssyncset.done $0x0  }
0x1a8: {  	s22 =	simm.s32 $0x2940;
	[sflag:s28] =	ssyncadd.s32 $0xFFFFEC00  }
0x1a9: {  	[spmem:s3] =	stream.indirect.scatter.add.f32 [tilespmem:s13], [sflag:$0x5], $0x40, s22, s26, $0xb8;
	[tilespmem:$0x1E190] =	vst v63  }
0x1aa: {  	_ = 	snop  }
0x1ab: {  	[tilespmem:s30], [sflag:$0x3] =	stream.indirect.gather [spmem:s2], $0x40, s25, s26, $0xb8;
	[tilespmem:$0x1E190] =	vst v63  }
0x1ac: {  	_ =	swait.ge [sflag:s31], $0x1400  }
0x1ad: {  	[sflag:s31] =	ssyncset.done $0x0  }
0x1ae: {  	s21 =	simm.s32 $0x2990;
	[sflag:s31] =	ssyncadd.s32 $0xFFFFEC00  }
0x1af: {  	[spmem:s3] =	stream.indirect.scatter.add.f32 [tilespmem:s1], [sflag:$0x6], $0x40, s21, s26, $0xb8;
	[tilespmem:$0x1E190] =	vst v63  }
0x1b0: {  	s23 =	simm.s32 $0xF0  }
0x1b1: {  	[tilespmem:s8], [sflag:$0x4] =	stream.indirect.gather [spmem:s2], $0x40, s23, s26, $0xb8;
	[tilespmem:$0x1E190] =	vst v63  }
0x1b2: {  	_ =	swait.ge [sflag:s9], $0x1400  }
0x1b3: {  	[sflag:s9] =	ssyncset.done $0x0  }
0x1b4: {  	s24 =	simm.s32 $0x29E0;
	[sflag:s9] =	ssyncadd.s32 $0xFFFFEC00  }
0x1b5: {  	[spmem:s3] =	stream.indirect.scatter.add.f32 [tilespmem:s30], [sflag:$0x7], $0x40, s24, s26, $0xb8;
	[tilespmem:$0x1E190] =	vst v63  }
0x1b6: {  	_ =	swait.ge [sflag:s10], $0x1400  }
0x1b7: {  	[sflag:s10] =	ssyncset.done $0x0  }
0x1b8: {  	s25 =	simm.s32 $0x140;
	[sflag:s10] =	ssyncadd.s32 $0xFFFFEC00  }
0x1b9: {  	[tilespmem:s13], [sflag:$0x1] =	stream.indirect.gather [spmem:s2], $0x40, s25, s26, $0xb8;
	[tilespmem:$0x1E190] =	vst v63  }
0x1ba: {  	_ =	swait.ge [sflag:s11], $0x1400  }
0x1bb: {  	[sflag:s11] =	ssyncset.done $0x0  }
0x1bc: {  	s16 =	simm.s32 $0x2A30;
	[sflag:s11] =	ssyncadd.s32 $0xFFFFEC00  }
0x1bd: {  	[spmem:s3] =	stream.indirect.scatter.add.f32 [tilespmem:s8], [sflag:$0x8], $0x40, s16, s26, $0xb8;
	[tilespmem:$0x1E190] =	vst v63  }
0x1be: {  	_ =	swait.ge [sflag:s12], $0x1400  }
0x1bf: {  	[sflag:s12] =	ssyncset.done $0x0  }
0x1c0: {  	s21 =	simm.s32 $0x190;
	[sflag:s12] =	ssyncadd.s32 $0xFFFFEC00  }
0x1c1: {  	[tilespmem:s1], [sflag:$0x2] =	stream.indirect.gather [spmem:s2], $0x40, s21, s26, $0xb8;
	[tilespmem:$0x1E190] =	vst v63  }
0x1c2: {  	_ =	swait.ge [sflag:s28], $0x1400  }
0x1c3: {  	[sflag:s28] =	ssyncset.done $0x0  }
0x1c4: {  	s23 =	simm.s32 $0x2A80;
	[sflag:s28] =	ssyncadd.s32 $0xFFFFEC00  }
0x1c5: {  	[spmem:s3] =	stream.indirect.scatter.add.f32 [tilespmem:s13], [sflag:$0x5], $0x40, s23, s26, $0xb8;
	[tilespmem:$0x1E190] =	vst v63  }
0x1c6: {  	_ =	swait.ge [sflag:s7], $0x1400  }
0x1c7: {  	[sflag:s7] =	ssyncset.done $0x0  }
0x1c8: {  	s24 =	simm.s32 $0x1E0;
	[sflag:s7] =	ssyncadd.s32 $0xFFFFEC00  }
0x1c9: {  	[tilespmem:s30], [sflag:$0x3] =	stream.indirect.gather [spmem:s2], $0x40, s24, s26, $0xb8;
	[tilespmem:$0x1E190] =	vst v63  }
0x1ca: {  	_ =	swait.ge [sflag:s31], $0x1400  }
0x1cb: {  	[sflag:s31] =	ssyncset.done $0x0  }
0x1cc: {  	s25 =	simm.s32 $0x2AD0;
	[sflag:s31] =	ssyncadd.s32 $0xFFFFEC00  }
0x1cd: {  	[spmem:s3] =	stream.indirect.scatter.add.f32 [tilespmem:s1], [sflag:$0x6], $0x40, s25, s26, $0xb8;
	[tilespmem:$0x1E190] =	vst v63  }
0x1ce: {  	_ =	swait.ge [sflag:s0], $0x1400  }
0x1cf: {  	[sflag:s0] =	ssyncset.done $0x0  }
0x1d0: {  	s6 =	simm.s32 $0x500;
	s16 =	simm.s32 $0x230;
	[sflag:s0] =	ssyncadd.s32 $0xFFFFEC00  }
.LBB2_9:
0x1d1: {  	[tilespmem:s8], [sflag:$0x4] =	stream.indirect.gather [spmem:s2], $0x40, s16, s26, $0xb8;
	[tilespmem:$0x1E190] =	vst v63  }
0x1d2: {  	s16 =	smov.u32 s6  }
0x1d3: {  	p2 =	sne.s32 s6, $0x9B00;
	s6 =	sadd.s32 $0x500, s6;
	_ =	swait.ge [sflag:s9], $0x1400  }
0x1d4: {  	s16 =	sshra.s32 s16, $0x2;
	[sflag:s9] =	ssyncset.done $0x0  }
0x1d5: {  	s21 =	sadd.s32 $0x29E0, s16;
	[sflag:s9] =	ssyncadd.s32 $0xFFFFEC00  }
0x1d6: {  	[spmem:s3] =	stream.indirect.scatter.add.f32 [tilespmem:s30], [sflag:$0x7], $0x40, s21, s26, $0xb8;
	[tilespmem:$0x1E190] =	vst v63  }
0x1d7: {  	_ =	swait.ge [sflag:s10], $0x1400  }
0x1d8: {  	[sflag:s10] =	ssyncset.done $0x0  }
0x1d9: {  	s21 =	sadd.s32 $0x140, s16;
	[sflag:s10] =	ssyncadd.s32 $0xFFFFEC00  }
0x1da: {  	[tilespmem:s13], [sflag:$0x1] =	stream.indirect.gather [spmem:s2], $0x40, s21, s26, $0xb8;
	[tilespmem:$0x1E190] =	vst v63  }
0x1db: {  	_ =	swait.ge [sflag:s11], $0x1400  }
0x1dc: {  	[sflag:s11] =	ssyncset.done $0x0  }
0x1dd: {  	s21 =	sadd.s32 $0x2A30, s16;
	[sflag:s11] =	ssyncadd.s32 $0xFFFFEC00  }
0x1de: {  	[spmem:s3] =	stream.indirect.scatter.add.f32 [tilespmem:s8], [sflag:$0x8], $0x40, s21, s26, $0xb8;
	[tilespmem:$0x1E190] =	vst v63  }
0x1df: {  	_ =	swait.ge [sflag:s12], $0x1400  }
0x1e0: {  	[sflag:s12] =	ssyncset.done $0x0  }
0x1e1: {  	s21 =	sadd.s32 $0x190, s16;
	[sflag:s12] =	ssyncadd.s32 $0xFFFFEC00  }
0x1e2: {  	[tilespmem:s1], [sflag:$0x2] =	stream.indirect.gather [spmem:s2], $0x40, s21, s26, $0xb8;
	[tilespmem:$0x1E190] =	vst v63  }
0x1e3: {  	_ =	swait.ge [sflag:s28], $0x1400  }
0x1e4: {  	[sflag:s28] =	ssyncset.done $0x0  }
0x1e5: {  	s21 =	sadd.s32 $0x2A80, s16;
	[sflag:s28] =	ssyncadd.s32 $0xFFFFEC00  }
0x1e6: {  	[spmem:s3] =	stream.indirect.scatter.add.f32 [tilespmem:s13], [sflag:$0x5], $0x40, s21, s26, $0xb8;
	[tilespmem:$0x1E190] =	vst v63  }
0x1e7: {  	_ =	swait.ge [sflag:s7], $0x1400  }
0x1e8: {  	[sflag:s7] =	ssyncset.done $0x0  }
0x1e9: {  	s21 =	sadd.s32 $0x1E0, s16;
	[sflag:s7] =	ssyncadd.s32 $0xFFFFEC00  }
0x1ea: {  	[tilespmem:s30], [sflag:$0x3] =	stream.indirect.gather [spmem:s2], $0x40, s21, s26, $0xb8;
	[tilespmem:$0x1E190] =	vst v63  }
0x1eb: {  	_ =	swait.ge [sflag:s31], $0x1400  }
0x1ec: {  	[sflag:s31] =	ssyncset.done $0x0  }
.Ltmp4:
0x1ed: {  	s21 =	sadd.s32 $0x2AD0, s16;
	[sflag:s31] =	ssyncadd.s32 $0xFFFFEC00;
	(pc) =	sbr.rel @p2 .LBB2_9-.Ltmp4, $4  }
0x1ee: {  	[spmem:s3] =	stream.indirect.scatter.add.f32 [tilespmem:s1], [sflag:$0x6], $0x40, s21, s26, $0xb8;
	[tilespmem:$0x1E190] =	vst v63  }
0x1ef: {  	_ =	swait.ge [sflag:s0], $0x1400  }
0x1f0: {  	[sflag:s0] =	ssyncset.done $0x0  }
0x1f1: {  	s16 =	sadd.s32 $0x230, s16;
	[sflag:s0] =	ssyncadd.s32 $0xFFFFEC00  }
0x1f2: {  	[tilespmem:s8], [sflag:$0x4] =	stream.indirect.gather [spmem:s2], $0x40, s16, s26, $0xb8;
	[tilespmem:$0x1E190] =	vst v63  }
0x1f3: {  	_ =	swait.ge [sflag:s10], $0x1400  }
0x1f4: {  	[sflag:s10] =	ssyncset.done $0x0  }
0x1f5: {  	[sflag:s10] =	ssyncadd.s32 $0xFFFFEC00  }
0x1f6: {  	_ =	swait.ge [sflag:s12], $0x1400  }
0x1f7: {  	[sflag:s12] =	ssyncset.done $0x0  }
0x1f8: {  	[sflag:s12] =	ssyncadd.s32 $0xFFFFEC00  }
0x1f9: {  	_ =	swait.ge [sflag:s9], $0x1400  }
0x1fa: {  	[sflag:s9] =	ssyncset.done $0x0  }
0x1fb: {  	[sflag:s9] =	ssyncadd.s32 $0xFFFFEC00  }
0x1fc: {  	_ =	swait.ge [sflag:s11], $0x1400  }
0x1fd: {  	[sflag:s11] =	ssyncset.done $0x0  }
0x1fe: {  	[sflag:s11] =	ssyncadd.s32 $0xFFFFEC00  }
0x1ff: {  	[bflag:$0x0] =	sbarrier.arrive $0xFFFF  }
0x200: {  	s6 =	rddreg [dreg:$0x11]  }
0x201: {  	[hbm:s6], [sflag:s19] =	dma.local [spmem:s20], $0x1400  }
0x202: {  	_ =	swait.ge [sflag:s15], $0x1400  }
0x203: {  	s18 =	sadd.s32 $0x1, s18;
	s25 =	rddreg [dreg:$0x1a]  }
0x204: {  	p2 =	sne.s32 s18, s25  }
.Ltmp5:
0x205: {  	_ = 	snop;
	(pc) =	sbr.rel @p2 .LBB2_1-.Ltmp5, $3  }
0x206: {  	_ =	sdelay $0x1  }
0x207: {  	[sflag:s15] =	ssyncset.done $0x0  }
0x208: {  	s23 =	stileid.u32;
	[sflag:s15] =	ssyncadd.s32 $0xFFFFEC00  }
0x209: {  	_ =	sfence.sel $0x180000  }
0x20a: {  	[bflag:$0x0] =	sbarrier.arrive $0xFFFF  }
0x20b: {  	_ =	strace $0x90000047  }
0x20c: {  	[bflag:$0x2] =	sbarrier.arrive $0xFFFF  }
0x20d: {  	p0 =	sne.s32 s23, $0x0;
	s0 =	rddreg [dreg:$0x5]  }
0x20e: {  	s0 =	sadd.s32 @!p0 $0x100000, s0  }
0x20f: {  	[sflag:s0] =	ssyncadd.tile.s32 @!p0 $0x1;
	_ =	shalt  }
.Lfunc_end2:
_tile_overlayer_lowered:
.L_overlay_start_2:
0x210: {  	(tag) =	ssettag $0x2  }
0x211: {  	s0 =	rddreg [dreg:$0x0];
	s2 =	stileid.u32  }
0x212: {  	s1 =	rddreg [dreg:$0x1];
	p0 =	sne.s32 s2, $0x0  }
0x213: {  	s3 =	rddreg [dreg:$0x2];
	[bflag:$0x3] =	sbarrier.arrive $0xFFFF;
	s2 =	simm.s32 @!p0 $0x1C0A  }
0x214: {  	[timem:s3], [sflag:s2] =	dma.local @!p0 [hbm:s0], s1  }
0x215: {  	s0 =	simm.s32 @!p0 $0xA  }
0x216: {  	_ =	swait.ge @!p0 [sflag:s0], s1  }
0x217: {  	s1 =	ssub.s32 @!p0 $0x0, s1;
	[sflag:s0] =	ssyncset.done @!p0 $0x0  }
0x218: {  	[sflag:s0] =	ssyncadd.s32 @!p0 s1  }
0x219: {  	[bflag:$0x3] =	sbarrier.arrive $0xFFFF  }
0x21a: {  	_ =	shalt  }

</sc_bundles>
